<compile_context>
chip_gen: v7x
topology: tpu7x:2x2x1
jax: 0.10.2.dev20260603
libtpu: 0.0.44.dev20260713+nightly
codegen_flags: <defaults>
</compile_context>

<pallas_src>
import functools
import math

import jax
import jax.numpy as jnp
from jax import lax
from jax.experimental import pallas as pl
from jax.experimental.pallas import tpu as pltpu
from jax.experimental.pallas import tpu_sc as plsc

N = 10000
D = 128
H = 8
DH = 16
E = 160000
R = 64
CUT = 5.0

NC = 2
NS = 16
NW = NC * NS


BN1 = 1000


def _silu(a):
    return a / (1.0 + jnp.exp(-a))


def _pack_bf(x):
    u = jax.lax.bitcast_convert_type(x, jnp.uint32)
    r = (u + jnp.uint32(0x7FFF) + ((u >> 16) & jnp.uint32(1))) >> 16
    lo = r[:, :D // 2]
    hi = r[:, D // 2:]
    return jax.lax.bitcast_convert_type(lo | (hi << 16), jnp.int32)


def _unpack_bf(w):
    u = jax.lax.bitcast_convert_type(w, jnp.uint32)
    lo = jax.lax.bitcast_convert_type(u << 16, jnp.float32)
    hi = jax.lax.bitcast_convert_type(u & jnp.uint32(0xFFFF0000), jnp.float32)
    return jnp.concatenate([lo, hi], axis=1)


def _node_body(x_ref, vec_ref, r_ref, gln_ref, bln_ref, wq_ref, bq_ref,
               wvec_ref, q_ref, kt_ref, vd_ref, v3_ref, cut_ref):
    r = r_ref[...]
    cut_ref[...] = (0.5 * (jnp.cos(r * (math.pi / CUT)) + 1.0)
                    * (r < CUT).astype(jnp.float32))
    x = x_ref[...]
    mu = jnp.mean(x, axis=-1, keepdims=True)
    xc = x - mu
    var = jnp.mean(xc * xc, axis=-1, keepdims=True)
    xn = xc * lax.rsqrt(var + 1e-5) * gln_ref[...] + bln_ref[...]
    dot = lambda a, w: jnp.dot(a, w, preferred_element_type=jnp.float32)
    HD = D // 2
    q_ref[...] = dot(xn, wq_ref[...]) + bq_ref[...]
    kt_ref[:, 0:HD] = _pack_bf(xn)
    vd = jnp.zeros((x.shape[0], D), jnp.float32)
    for c in range(3):
        vc = vec_ref[:, c, :]
        vp = dot(vc, wvec_ref[...])
        vd = vd + vp[:, :D] * vp[:, D:2 * D]
        v3_ref[:, c, :] = vp[:, 2 * D:3 * D]
        kt_ref[:, HD + c * HD:HD + (c + 1) * HD] = _pack_bf(vc)
    vd_ref[...] = vd


EPAD = 163840


def _node_stage(x, vec, r_pad, g_ln2, b_ln2, Wq, bq2, Wvec):
    def full(shape):
        return pl.BlockSpec(shape, lambda i: tuple(0 for _ in shape))
    rb = EPAD // D // (N // BN1)
    return pl.pallas_call(
        _node_body,
        grid=(N // BN1,),
        in_specs=[
            pl.BlockSpec((BN1, D), lambda i: (i, 0)),
            pl.BlockSpec((BN1, 3, D), lambda i: (i, 0, 0)),
            pl.BlockSpec((rb, D), lambda i: (i, 0)),
            full((1, D)), full((1, D)),
            full((D, D)), full((1, D)),
            full((D, 3 * D)),
        ],
        out_specs=[
            pl.BlockSpec((BN1, D), lambda i: (i, 0)),
            pl.BlockSpec((BN1, 2 * D), lambda i: (i, 0)),
            pl.BlockSpec((BN1, D), lambda i: (i, 0)),
            pl.BlockSpec((BN1, 3, D), lambda i: (i, 0, 0)),
            pl.BlockSpec((rb, D), lambda i: (i, 0)),
        ],
        out_shape=[
            jax.ShapeDtypeStruct((N, D), jnp.float32),
            jax.ShapeDtypeStruct((N, 2 * D), jnp.int32),
            jax.ShapeDtypeStruct((N, D), jnp.float32),
            jax.ShapeDtypeStruct((N, 3, D), jnp.float32),
            jax.ShapeDtypeStruct((EPAD // D, D), jnp.float32),
        ],
    )(x, vec, r_pad, g_ln2, b_ln2, Wq, bq2, Wvec)



EPW = E // NW
CHG = 80
NCHF = EPW // CHG
RESG = EPW - NCHF * CHG


def _sc_gather(q, kt, src, dst):
    mesh = plsc.VectorSubcoreMesh(core_axis_name="c", subcore_axis_name="s")

    @functools.partial(
        pl.kernel,
        mesh=mesh,
        out_type=[jax.ShapeDtypeStruct((E, D), jnp.float32),
                  jax.ShapeDtypeStruct((E, 2 * D), jnp.int32)],
        scratch_types=[
            pltpu.VMEM((EPW,), jnp.int32),
            pltpu.VMEM((EPW,), jnp.int32),
            [pltpu.VMEM((CHG, D), jnp.float32)] * 2,
            [pltpu.VMEM((CHG, 2 * D), jnp.int32)] * 2,
            [pltpu.SemaphoreType.DMA] * 8,
        ],
    )
    def gk(q_hbm, kt_hbm, src_hbm, dst_hbm, qd_out, g_out,
           didx, sidx, qbuf, kbuf, sems):
        gq = sems[0:2]
        gk_ = sems[2:4]
        wq = sems[4:6]
        wk = sems[6:8]
        wid = lax.axis_index("s") * NC + lax.axis_index("c")
        base0 = wid * EPW
        pltpu.sync_copy(dst_hbm.at[pl.ds(base0, EPW)], didx)
        pltpu.sync_copy(src_hbm.at[pl.ds(base0, EPW)], sidx)

        def fire_gather(i, b, n=CHG):
            pltpu.async_copy(q_hbm.at[didx.at[pl.ds(i * CHG, n)]],
                             qbuf[b].at[pl.ds(0, n)], gq[b])
            pltpu.async_copy(kt_hbm.at[sidx.at[pl.ds(i * CHG, n)]],
                             kbuf[b].at[pl.ds(0, n)], gk_[b])

        def wait_gather(i, b, n=CHG):
            pltpu.make_async_copy(q_hbm.at[didx.at[pl.ds(i * CHG, n)]],
                                  qbuf[b].at[pl.ds(0, n)], gq[b]).wait()
            pltpu.make_async_copy(kt_hbm.at[sidx.at[pl.ds(i * CHG, n)]],
                                  kbuf[b].at[pl.ds(0, n)], gk_[b]).wait()

        def fire_write(i, b, n=CHG):
            base = base0 + i * CHG
            pltpu.async_copy(qbuf[b].at[pl.ds(0, n)],
                             qd_out.at[pl.ds(base, n)], wq[b])
            pltpu.async_copy(kbuf[b].at[pl.ds(0, n)],
                             g_out.at[pl.ds(base, n)], wk[b])

        def wait_write(i, b, n=CHG):
            base = base0 + i * CHG
            pltpu.make_async_copy(qbuf[b].at[pl.ds(0, n)],
                                  qd_out.at[pl.ds(base, n)], wq[b]).wait()
            pltpu.make_async_copy(kbuf[b].at[pl.ds(0, n)],
                                  g_out.at[pl.ds(base, n)], wk[b]).wait()

        fire_gather(0, 0)

        def pair(j, carry):
            i0 = 2 * j
            for b in range(2):
                i = i0 + b
                wait_gather(i, b)
                fire_write(i, b)
                bn = 1 - b

                @pl.when(i == 0)
                def _():
                    fire_gather(1, 1)

                @pl.when(jnp.logical_and(i >= 1, i + 1 < NCHF))
                def _(i=i, bn=bn):
                    wait_write(i - 1, bn)
                    fire_gather(i + 1, bn)
            return carry

        lax.fori_loop(0, NCHF // 2, pair, 0)
        wait_write(NCHF - 2, 0)
        wait_write(NCHF - 1, 1)
        if RESG:
            fire_gather(NCHF, 0, RESG)
            wait_gather(NCHF, 0, RESG)
            fire_write(NCHF, 0, RESG)
            wait_write(NCHF, 0, RESG)

    return gk(q, kt, src, dst)



BE = 1000


def _edge_body(qd_ref, g_ref, f_ref, cut_ref, d0_ref, d1_ref, d2_ref,
               wdk_ref, bdk_ref, wdv_ref, bdv_ref, wk_ref, bk_ref,
               wv_ref, bv_ref, m_ref,
               xe_ref, vm0_ref, vm1_ref, vm2_ref):
    dot = lambda a, w: jnp.dot(a, w, preferred_element_type=jnp.float32)
    f = f_ref[...]
    dk = _silu(dot(f, wdk_ref[...]) + bdk_ref[...])
    dvp = _silu(dot(f, wdv_ref[...]) + bdv_ref[...])
    HD = D // 2
    xn_s = _unpack_bf(g_ref[:, :HD])
    ks = dot(xn_s, wk_ref[...]) + bk_ref[...]
    vs = dot(xn_s, wv_ref[...]) + bv_ref[...]
    attn_pre = dot(qd_ref[...] * ks * dk, m_ref[...])
    a = _silu(attn_pre) * cut_ref[...]
    vjx = vs[:, :D] * dvp[:, :D]
    v1e = vs[:, D:2 * D] * dvp[:, D:2 * D]
    v2e = vs[:, 2 * D:3 * D] * dvp[:, 2 * D:3 * D]
    xe_ref[...] = vjx * a
    for c, (dref, oref) in enumerate(((d0_ref, vm0_ref), (d1_ref, vm1_ref),
                                      (d2_ref, vm2_ref))):
        vecc = _unpack_bf(g_ref[:, HD + c * HD:HD + (c + 1) * HD])
        oref[...] = vecc * v1e + v2e * dref[...]


def _edge_stage(qd, g, f_ij, cut2, d0, d1, d2, Wdk, bdk2, Wdv_p, bdv_p2,
                Wk, bk2, Wv_p, bv_p2, m):
    def full(shape):
        return pl.BlockSpec(shape, lambda i: tuple(0 for _ in shape))
    row = lambda w: pl.BlockSpec((BE, w), lambda i: (i, 0))
    return pl.pallas_call(
        _edge_body,
        grid=(E // BE,),
        in_specs=[
            row(D), row(2 * D), row(R), row(1), row(1), row(1), row(1),
            full((R, D)), full((1, D)),
            full((R, 3 * D)), full((1, 3 * D)),
            full((D, D)), full((1, D)),
            full((D, 3 * D)), full((1, 3 * D)),
            full((D, D)),
        ],
        out_specs=[row(D), row(D), row(D), row(D)],
        out_shape=[jax.ShapeDtypeStruct((E, D), jnp.float32)] * 4,
    )(qd, g, f_ij, cut2, d0, d1, d2, Wdk, bdk2, Wdv_p, bdv_p2,
      Wk, bk2, Wv_p, bv_p2, m)



EPT = E // NS
CHS = 80
NCHS = EPT // CHS
NPAD = 10240
NPT = NPAD // NS


def _sc_scatter(m0, m1, m2, m3, dst3, zrows):
    mesh = plsc.VectorSubcoreMesh(core_axis_name="c", subcore_axis_name="s")

    @functools.partial(
        pl.kernel,
        mesh=mesh,
        out_type=[jax.ShapeDtypeStruct((NPAD, D), jnp.float32)] * 4,
        scratch_types=[
            pltpu.VMEM((NCHS, CHS), jnp.int32),
            [pltpu.VMEM((CHS, D), jnp.float32)] * 2,
            pltpu.VMEM_SHARED((NPAD, D), jnp.float32),
            [pltpu.SemaphoreType.DMA] * 2,
        ],
    )
    def sk(m0_hbm, m1_hbm, m2_hbm, m3_hbm, dst_hbm, z_hbm,
           o0, o1, o2, o3, idx, rows, acc, sems):
        cid = lax.axis_index("c")
        sid = lax.axis_index("s")
        row0 = sid * NPT
        pltpu.sync_copy(dst_hbm.at[sid], idx)
        planes = ((m0_hbm, o0), (m1_hbm, o1), (m2_hbm, o2), (m3_hbm, o3))
        for plane, (m_hbm, o_hbm) in enumerate(planes):
            @pl.when(cid == (plane // 2))
            def _(m_hbm=m_hbm, o_hbm=o_hbm):
                pltpu.sync_copy(z_hbm.at[pl.ds(row0, NPT)],
                                acc.at[pl.ds(row0, NPT)])

                def fire_read(i, b):
                    base = sid * EPT + i * CHS
                    pltpu.async_copy(m_hbm.at[pl.ds(base, CHS)],
                                     rows[b], sems[b])

                def wait_read(i, b):
                    base = sid * EPT + i * CHS
                    pltpu.make_async_copy(m_hbm.at[pl.ds(base, CHS)],
                                          rows[b], sems[b]).wait()

                plsc.subcore_barrier()
                fire_read(0, 0)
                fire_read(1, 1)

                def pair(j, carry):
                    i0 = 2 * j
                    for b in range(2):
                        i = i0 + b
                        wait_read(i, b)
                        pltpu.sync_copy(rows[b], acc.at[idx.at[i]], add=True)

                        @pl.when(i + 2 < NCHS)
                        def _():
                            fire_read(i + 2, b)
                    return carry

                lax.fori_loop(0, NCHS // 2, pair, 0)
                if NCHS % 2:
                    last = NCHS - 1
                    wait_read(last, 0)
                    pltpu.sync_copy(rows[0], acc.at[idx.at[last]], add=True)
                plsc.subcore_barrier()
                pltpu.sync_copy(acc.at[pl.ds(row0, NPT)],
                                o_hbm.at[pl.ds(row0, NPT)])
                plsc.subcore_barrier()

    return sk(m0, m1, m2, m3, dst3, zrows)



BN3 = 2000


def _final_body(xa_ref, a0_ref, a1_ref, a2_ref, vd_ref, v3_ref,
                wo_ref, bo_ref, dx_ref, dvec_ref):
    o = jnp.dot(xa_ref[...], wo_ref[...], preferred_element_type=jnp.float32) + bo_ref[...]
    o1 = o[:, :D]
    o2 = o[:, D:2 * D]
    o3 = o[:, 2 * D:3 * D]
    dx_ref[...] = vd_ref[...] * o2 + o3
    for c, aref in enumerate((a0_ref, a1_ref, a2_ref)):
        dvec_ref[:, c, :] = v3_ref[:, c, :] * o1 + aref[...]


def _final_stage(xagg, a0, a1, a2, vd, v3, Wo, bo2):
    def full(shape):
        return pl.BlockSpec(shape, lambda i: tuple(0 for _ in shape))
    row = lambda w: pl.BlockSpec((BN3, w), lambda i: (i, 0))
    return pl.pallas_call(
        _final_body,
        grid=(N // BN3,),
        in_specs=[
            row(D), row(D), row(D), row(D), row(D),
            pl.BlockSpec((BN3, 3, D), lambda i: (i, 0, 0)),
            full((D, 3 * D)), full((1, 3 * D)),
        ],
        out_specs=[
            row(D),
            pl.BlockSpec((BN3, 3, D), lambda i: (i, 0, 0)),
        ],
        out_shape=[
            jax.ShapeDtypeStruct((N, D), jnp.float32),
            jax.ShapeDtypeStruct((N, 3, D), jnp.float32),
        ],
    )(xagg, a0, a1, a2, vd, v3, Wo, bo2)



def kernel(x, vec, edge_index, r_ij, f_ij, d_ij, g_ln, b_ln, Wq, bq, Wk, bk,
           Wv, bv, Wvec, Wdk, bdk, Wdv, bdv, Wo, bo):
    f32 = jnp.float32
    Wv_p = Wv.reshape(D, H, 3, DH).transpose(0, 2, 1, 3).reshape(D, 3 * D)
    bv_p = bv.reshape(H, 3, DH).transpose(1, 0, 2).reshape(3 * D)
    Wdv_p = Wdv.reshape(R, H, 3, DH).transpose(0, 2, 1, 3).reshape(R, 3 * D)
    bdv_p = bdv.reshape(H, 3, DH).transpose(1, 0, 2).reshape(3 * D)
    src = edge_index[0]
    dst = edge_index[1]
    r_pad = jnp.pad(r_ij.reshape(E // D, D), ((0, (EPAD - E) // D), (0, 0)))
    d0 = d_ij[:, 0:1]
    d1 = d_ij[:, 1:2]
    d2 = d_ij[:, 2:3]
    m = jnp.kron(jnp.eye(H, dtype=f32), jnp.ones((DH, DH), f32))
    zrows = jnp.zeros((NPAD, D), f32)

    q, kt, vd, v3, cut_pad = _node_stage(
        x, vec, r_pad, g_ln.reshape(1, D), b_ln.reshape(1, D),
        Wq, bq.reshape(1, D), Wvec)
    cut2 = cut_pad.reshape(EPAD, 1)[:E]
    qd, g = _sc_gather(q, kt, src, dst)
    xe, vm0, vm1, vm2 = _edge_stage(
        qd, g, f_ij, cut2, d0, d1, d2,
        Wdk, bdk.reshape(1, D), Wdv_p, bdv_p.reshape(1, 3 * D),
        Wk, bk.reshape(1, D), Wv_p, bv_p.reshape(1, 3 * D), m)
    xagg, a0, a1, a2 = _sc_scatter(xe, vm0, vm1, vm2,
                                   dst.reshape(NS, NCHS, CHS), zrows)
    dx, dvec = _final_stage(xagg[:N], a0[:N], a1[:N], a2[:N], vd, v3,
                            Wo, bo.reshape(1, 3 * D))
    return dx, dvec

# --- scband reference (transcript-rebuilt; emitter-appended) ---
"""Pipeline reference for scband-torch-md-etf2-d-26757646254534 (READ-ONLY COPY).

The authoritative reference and input builder live on the scoring server;
editing this copy changes nothing except your own understanding.
"""

import jax, jax.numpy as jnp
import numpy as np

N = 10000; D = 128; H = 8; DH = 16; E = 160000; R = 64; CUT = 5.0

def setup_inputs(seed: int = 0) -> dict:
    key = jax.random.key(seed)
    ks = jax.random.split(key, 16)
    def nrm(i, shape, s=0.05):
        return jax.random.normal(ks[i], shape, jnp.float32) * s
    inp = {}
    inp['x'] = jax.random.normal(ks[0], (N, D), jnp.float32)
    inp['vec'] = jax.random.normal(ks[1], (N, 3, D), jnp.float32)
    inp['edge_index'] = jax.random.randint(ks[2], (2, E), 0, N, jnp.int32)
    inp['r_ij'] = jax.random.uniform(ks[3], (E,), jnp.float32) * CUT
    inp['f_ij'] = jax.random.normal(ks[4], (E, R), jnp.float32)
    dv = jax.random.normal(ks[5], (E, 3), jnp.float32)
    inp['d_ij'] = dv / jnp.linalg.norm(dv, axis=-1, keepdims=True)
    inp['g_ln'] = jnp.ones((D,), jnp.float32)
    inp['b_ln'] = jnp.zeros((D,), jnp.float32)
    inp['Wq'] = nrm(6, (D, D)); inp['bq'] = jnp.zeros((D,), jnp.float32)
    inp['Wk'] = nrm(7, (D, D)); inp['bk'] = jnp.zeros((D,), jnp.float32)
    inp['Wv'] = nrm(8, (D, 3 * D)); inp['bv'] = jnp.zeros((3 * D,), jnp.float32)
    inp['Wvec'] = nrm(9, (D, 3 * D))
    inp['Wdk'] = nrm(10, (R, D)); inp['bdk'] = jnp.zeros((D,), jnp.float32)
    inp['Wdv'] = nrm(11, (R, 3 * D)); inp['bdv'] = jnp.zeros((3 * D,), jnp.float32)
    inp['Wo'] = nrm(12, (D, 3 * D)); inp['bo'] = jnp.zeros((3 * D,), jnp.float32)
    return inp

def reference(x, vec, edge_index, r_ij, f_ij, d_ij, g_ln, b_ln, Wq, bq, Wk, bk, Wv, bv, Wvec, Wdk, bdk, Wdv, bdv, Wo, bo):
    silu = lambda a: a * jax.nn.sigmoid(a)
    n = x.shape[0]; e = r_ij.shape[0]
    # LayerNorm on scalar features
    mu = x.mean(-1, keepdims=True)
    var = ((x - mu) ** 2).mean(-1, keepdims=True)
    xn = (x - mu) / jnp.sqrt(var + 1e-5) * g_ln + b_ln
    # Projections
    q = (xn @ Wq + bq).reshape(n, H, DH)
    k = (xn @ Wk + bk).reshape(n, H, DH)
    v = (xn @ Wv + bv).reshape(n, H, 3 * DH)
    vecp = vec @ Wvec  # (N, 3, 3D)
    vec1, vec2, vec3 = vecp[..., :D], vecp[..., D:2 * D], vecp[..., 2 * D:]
    vec_r = vec.reshape(n, 3, H, DH)
    vec_dot = (vec1 * vec2).sum(axis=1)  # (N, D)
    # Distance (rbf) influence on keys and values
    dk = silu(f_ij @ Wdk + bdk).reshape(e, H, DH)
    dv = silu(f_ij @ Wdv + bdv).reshape(e, H, 3 * DH)
    src = edge_index[0]; dst = edge_index[1]
    # Message: per-edge attention
    attn = (q[dst] * k[src] * dk).sum(-1)  # (E, H)
    cutoff = 0.5 * (jnp.cos(r_ij * jnp.pi / CUT) + 1.0) * (r_ij < CUT).astype(x.dtype)
    attn = silu(attn) * cutoff[:, None]
    vj = v[src] * dv
    xe, v1e, v2e = vj[..., :DH], vj[..., DH:2 * DH], vj[..., 2 * DH:]
    xe = xe * attn[:, :, None]
    vec_msg = vec_r[src] * v1e[:, None, :, :] + v2e[:, None, :, :] * d_ij[:, :, None, None]
    # Aggregate (scatter-add by dst)
    x_agg = jnp.zeros((n, H, DH), x.dtype).at[dst].add(xe).reshape(n, D)
    vec_agg = jnp.zeros((n, 3, H, DH), x.dtype).at[dst].add(vec_msg).reshape(n, 3, D)
    # Update
    o = x_agg @ Wo + bo
    o1, o2, o3 = o[..., :D], o[..., D:2 * D], o[..., 2 * D:]
    dx = vec_dot * o2 + o3
    dvec = vec3 * o1[:, None, :] + vec_agg
    return dx, dvec

if __name__ == "__main__":
    import jax
    _d = setup_inputs()
    print(jax.jit(kernel)(*tuple(_d.values())))

</pallas_src>

<mosaic_0001>
#map = affine_map<(d0, d1) -> (0, 0)>
#map1 = affine_map<(d0, d1) -> (0)>
module attributes {stable_mosaic.version = 14 : i64} {
  func.func @gk(%arg0: i32, %arg1: i32, %arg2: memref<10000x128xf32, #tpu.memory_space<hbm>>, %arg3: memref<10000x256xi32, #tpu.memory_space<hbm>>, %arg4: memref<160000xi32, #tpu.memory_space<hbm>>, %arg5: memref<160000xi32, #tpu.memory_space<hbm>>, %arg6: memref<160000x128xf32, #tpu.memory_space<hbm>>, %arg7: memref<160000x256xi32, #tpu.memory_space<hbm>>, %arg8: memref<5000xi32, #tpu.memory_space<vmem>>, %arg9: memref<5000xi32, #tpu.memory_space<vmem>>, %arg10: memref<80x128xf32, #tpu.memory_space<vmem>>, %arg11: memref<80x128xf32, #tpu.memory_space<vmem>>, %arg12: memref<80x256xi32, #tpu.memory_space<vmem>>, %arg13: memref<80x256xi32, #tpu.memory_space<vmem>>, %arg14: memref<!tpu.dma_semaphore, #tpu.memory_space<semaphore_mem>>, %arg15: memref<!tpu.dma_semaphore, #tpu.memory_space<semaphore_mem>>, %arg16: memref<!tpu.dma_semaphore, #tpu.memory_space<semaphore_mem>>, %arg17: memref<!tpu.dma_semaphore, #tpu.memory_space<semaphore_mem>>, %arg18: memref<!tpu.dma_semaphore, #tpu.memory_space<semaphore_mem>>, %arg19: memref<!tpu.dma_semaphore, #tpu.memory_space<semaphore_mem>>, %arg20: memref<!tpu.dma_semaphore, #tpu.memory_space<semaphore_mem>>, %arg21: memref<!tpu.dma_semaphore, #tpu.memory_space<semaphore_mem>>) attributes {dimension_semantics = [#tpu.dimension_semantics<core_parallel>, #tpu.dimension_semantics<subcore_parallel>], iteration_bounds = array<i64: 2, 16>, scalar_prefetch = 0 : i64, scratch_operands = 14 : i64, tpu.core_type = #tpu.core_type<sc_vector_subcore>, window_params = [{transform_indices = #map}, {transform_indices = #map}, {transform_indices = #map1}, {transform_indices = #map1}, {transform_indices = #map}, {transform_indices = #map}]} {
    %mul3A = arith.constant 2 : i32
    %mul3A_0 = arith.muli %arg1, %mul3A : i32
    %add3A = arith.addi %mul3A_0, %arg0 : i32
    %mul3A_1 = arith.constant 5000 : i32
    %mul3A_2 = arith.muli %add3A, %mul3A_1 : i32
    "tpu.region"() ({
      %run_scoped3A = tpu.sem_alloc : memref<!tpu.dma_semaphore, #tpu.memory_space<semaphore_mem>>
      %dma_start3A_142 = tpu.memref_slice %arg5[%mul3A_2] : memref<160000xi32, #tpu.memory_space<hbm>> -> memref<5000xi32, #tpu.memory_space<hbm>>
      %dma_start3A_143 = tpu.memref_slice %arg5[%mul3A_2] : memref<160000xi32, #tpu.memory_space<hbm>> -> memref<5000xi32, #tpu.memory_space<hbm>>
      tpu.enqueue_dma source(%dma_start3A_143 : memref<5000xi32, #tpu.memory_space<hbm>>) target(%arg8 : memref<5000xi32, #tpu.memory_space<vmem>>) target_semaphore(%run_scoped3A : memref<!tpu.dma_semaphore, #tpu.memory_space<semaphore_mem>>)
      %dma_wait3A_144 = tpu.memref_slice %arg5[%mul3A_2] : memref<160000xi32, #tpu.memory_space<hbm>> -> memref<5000xi32, #tpu.memory_space<hbm>>
      %dma_wait3A_145 = tpu.memref_slice %arg5[%mul3A_2] : memref<160000xi32, #tpu.memory_space<hbm>> -> memref<5000xi32, #tpu.memory_space<hbm>>
      tpu.wait_dma2 semaphore(%run_scoped3A : memref<!tpu.dma_semaphore, #tpu.memory_space<semaphore_mem>>) src(%dma_wait3A_145 : memref<5000xi32, #tpu.memory_space<hbm>>) dst(%arg8 : memref<5000xi32, #tpu.memory_space<vmem>>)
      tpu.yield
    }) : () -> ()
    "tpu.region"() ({
      %run_scoped3A = tpu.sem_alloc : memref<!tpu.dma_semaphore, #tpu.memory_space<semaphore_mem>>
      %dma_start3A_142 = tpu.memref_slice %arg4[%mul3A_2] : memref<160000xi32, #tpu.memory_space<hbm>> -> memref<5000xi32, #tpu.memory_space<hbm>>
      %dma_start3A_143 = tpu.memref_slice %arg4[%mul3A_2] : memref<160000xi32, #tpu.memory_space<hbm>> -> memref<5000xi32, #tpu.memory_space<hbm>>
      tpu.enqueue_dma source(%dma_start3A_143 : memref<5000xi32, #tpu.memory_space<hbm>>) target(%arg9 : memref<5000xi32, #tpu.memory_space<vmem>>) target_semaphore(%run_scoped3A : memref<!tpu.dma_semaphore, #tpu.memory_space<semaphore_mem>>)
      %dma_wait3A_144 = tpu.memref_slice %arg4[%mul3A_2] : memref<160000xi32, #tpu.memory_space<hbm>> -> memref<5000xi32, #tpu.memory_space<hbm>>
      %dma_wait3A_145 = tpu.memref_slice %arg4[%mul3A_2] : memref<160000xi32, #tpu.memory_space<hbm>> -> memref<5000xi32, #tpu.memory_space<hbm>>
      tpu.wait_dma2 semaphore(%run_scoped3A : memref<!tpu.dma_semaphore, #tpu.memory_space<semaphore_mem>>) src(%dma_wait3A_145 : memref<5000xi32, #tpu.memory_space<hbm>>) dst(%arg9 : memref<5000xi32, #tpu.memory_space<vmem>>)
      tpu.yield
    }) : () -> ()
    %dma_start3A = arith.constant 0 : i32
    %dma_start3A_3 = arith.constant 0 : i32
    %dma_start3A_4 = tpu.memref_slice %arg10[%dma_start3A, %dma_start3A_3] : memref<80x128xf32, #tpu.memory_space<vmem>> -> memref<80x128xf32, #tpu.memory_space<vmem>>
    %dma_start3A_5 = arith.constant 0 : i32
    %dma_start3A_6 = tpu.memref_slice %arg8[%dma_start3A_5] : memref<5000xi32, #tpu.memory_space<vmem>> -> memref<80xi32, #tpu.memory_space<vmem>>
    %dma_start3A_7 = arith.constant 0 : i32
    %dma_start3A_8 = arith.constant 0 : i32
    %dma_start3A_9 = tpu.memref_slice %arg2[%dma_start3A_7, %dma_start3A_8] : memref<10000x128xf32, #tpu.memory_space<hbm>> -> memref<10000x128xf32, #tpu.memory_space<hbm>>
    tpu.enqueue_indirect_dma source(%dma_start3A_9 : memref<10000x128xf32, #tpu.memory_space<hbm>>) target(%dma_start3A_4 : memref<80x128xf32, #tpu.memory_space<vmem>>) offsets(%dma_start3A_6 : memref<80xi32, #tpu.memory_space<vmem>>) semaphore(%arg14 : memref<!tpu.dma_semaphore, #tpu.memory_space<semaphore_mem>>)
    %dma_start3A_10 = arith.constant 0 : i32
    %dma_start3A_11 = arith.constant 0 : i32
    %dma_start3A_12 = tpu.memref_slice %arg12[%dma_start3A_10, %dma_start3A_11] : memref<80x256xi32, #tpu.memory_space<vmem>> -> memref<80x256xi32, #tpu.memory_space<vmem>>
    %dma_start3A_13 = arith.constant 0 : i32
    %dma_start3A_14 = tpu.memref_slice %arg9[%dma_start3A_13] : memref<5000xi32, #tpu.memory_space<vmem>> -> memref<80xi32, #tpu.memory_space<vmem>>
    %dma_start3A_15 = arith.constant 0 : i32
    %dma_start3A_16 = arith.constant 0 : i32
    %dma_start3A_17 = tpu.memref_slice %arg3[%dma_start3A_15, %dma_start3A_16] : memref<10000x256xi32, #tpu.memory_space<hbm>> -> memref<10000x256xi32, #tpu.memory_space<hbm>>
    tpu.enqueue_indirect_dma source(%dma_start3A_17 : memref<10000x256xi32, #tpu.memory_space<hbm>>) target(%dma_start3A_12 : memref<80x256xi32, #tpu.memory_space<vmem>>) offsets(%dma_start3A_14 : memref<80xi32, #tpu.memory_space<vmem>>) semaphore(%arg16 : memref<!tpu.dma_semaphore, #tpu.memory_space<semaphore_mem>>)
    %scan3A = arith.constant 0 : i32
    %scan3A_18 = arith.constant 0 : i32
    %scan3A_19 = arith.constant 31 : i32
    %scan3A_20 = arith.addi %scan3A_18, %scan3A_19 : i32
    %scan3A_21 = arith.constant 1 : i32
    scf.for %scan3A_142 = %scan3A_18 to %scan3A_20 step %scan3A_21  : i32 {
      %mul3A_143 = arith.constant 2 : i32
      %mul3A_144 = arith.muli %mul3A_143, %scan3A_142 : i32
      %add3A_145 = arith.constant 0 : i32
      %add3A_146 = arith.addi %mul3A_144, %add3A_145 : i32
      %mul3A_147 = arith.constant 80 : i32
      %mul3A_148 = arith.muli %add3A_146, %mul3A_147 : i32
      %dma_wait3A_149 = arith.constant 0 : i32
      %dma_wait3A_150 = arith.constant 0 : i32
      %dma_wait3A_151 = tpu.memref_slice %arg10[%dma_wait3A_149, %dma_wait3A_150] : memref<80x128xf32, #tpu.memory_space<vmem>> -> memref<80x128xf32, #tpu.memory_space<vmem>>
      %dma_wait3A_152 = tpu.memref_slice %arg8[%mul3A_148] : memref<5000xi32, #tpu.memory_space<vmem>> -> memref<80xi32, #tpu.memory_space<vmem>>
      %dma_wait3A_153 = arith.constant 0 : i32
      %dma_wait3A_154 = arith.constant 0 : i32
      %dma_wait3A_155 = tpu.memref_slice %arg2[%dma_wait3A_153, %dma_wait3A_154] : memref<10000x128xf32, #tpu.memory_space<hbm>> -> memref<10000x128xf32, #tpu.memory_space<hbm>>
      tpu.wait_indirect_dma semaphore(%arg14 : memref<!tpu.dma_semaphore, #tpu.memory_space<semaphore_mem>>) src(%dma_wait3A_155 : memref<10000x128xf32, #tpu.memory_space<hbm>>) dst(%dma_wait3A_151 : memref<80x128xf32, #tpu.memory_space<vmem>>)
      %mul3A_156 = arith.constant 80 : i32
      %mul3A_157 = arith.muli %add3A_146, %mul3A_156 : i32
      %dma_wait3A_158 = arith.constant 0 : i32
      %dma_wait3A_159 = arith.constant 0 : i32
      %dma_wait3A_160 = tpu.memref_slice %arg12[%dma_wait3A_158, %dma_wait3A_159] : memref<80x256xi32, #tpu.memory_space<vmem>> -> memref<80x256xi32, #tpu.memory_space<vmem>>
      %dma_wait3A_161 = tpu.memref_slice %arg9[%mul3A_157] : memref<5000xi32, #tpu.memory_space<vmem>> -> memref<80xi32, #tpu.memory_space<vmem>>
      %dma_wait3A_162 = arith.constant 0 : i32
      %dma_wait3A_163 = arith.constant 0 : i32
      %dma_wait3A_164 = tpu.memref_slice %arg3[%dma_wait3A_162, %dma_wait3A_163] : memref<10000x256xi32, #tpu.memory_space<hbm>> -> memref<10000x256xi32, #tpu.memory_space<hbm>>
      tpu.wait_indirect_dma semaphore(%arg16 : memref<!tpu.dma_semaphore, #tpu.memory_space<semaphore_mem>>) src(%dma_wait3A_164 : memref<10000x256xi32, #tpu.memory_space<hbm>>) dst(%dma_wait3A_160 : memref<80x256xi32, #tpu.memory_space<vmem>>)
      %mul3A_165 = arith.constant 80 : i32
      %mul3A_166 = arith.muli %add3A_146, %mul3A_165 : i32
      %add3A_167 = arith.addi %mul3A_2, %mul3A_166 : i32
      %dma_start3A_168 = arith.constant 0 : i32
      %dma_start3A_169 = arith.constant 0 : i32
      %dma_start3A_170 = tpu.memref_slice %arg10[%dma_start3A_168, %dma_start3A_169] : memref<80x128xf32, #tpu.memory_space<vmem>> -> memref<80x128xf32, #tpu.memory_space<vmem>>
      %dma_start3A_171 = arith.constant 0 : i32
      %dma_start3A_172 = tpu.memref_slice %arg6[%add3A_167, %dma_start3A_171] : memref<160000x128xf32, #tpu.memory_space<hbm>> -> memref<80x128xf32, #tpu.memory_space<hbm>>
      %dma_start3A_173 = arith.constant 0 : i32
      %dma_start3A_174 = tpu.memref_slice %arg6[%add3A_167, %dma_start3A_173] : memref<160000x128xf32, #tpu.memory_space<hbm>> -> memref<80x128xf32, #tpu.memory_space<hbm>>
      %dma_start3A_175 = arith.constant 0 : i32
      %dma_start3A_176 = arith.constant 0 : i32
      %dma_start3A_177 = tpu.memref_slice %arg10[%dma_start3A_175, %dma_start3A_176] : memref<80x128xf32, #tpu.memory_space<vmem>> -> memref<80x128xf32, #tpu.memory_space<vmem>>
      tpu.enqueue_dma source(%dma_start3A_177 : memref<80x128xf32, #tpu.memory_space<vmem>>) target(%dma_start3A_174 : memref<80x128xf32, #tpu.memory_space<hbm>>) target_semaphore(%arg18 : memref<!tpu.dma_semaphore, #tpu.memory_space<semaphore_mem>>)
      %dma_start3A_178 = arith.constant 0 : i32
      %dma_start3A_179 = arith.constant 0 : i32
      %dma_start3A_180 = tpu.memref_slice %arg12[%dma_start3A_178, %dma_start3A_179] : memref<80x256xi32, #tpu.memory_space<vmem>> -> memref<80x256xi32, #tpu.memory_space<vmem>>
      %dma_start3A_181 = arith.constant 0 : i32
      %dma_start3A_182 = tpu.memref_slice %arg7[%add3A_167, %dma_start3A_181] : memref<160000x256xi32, #tpu.memory_space<hbm>> -> memref<80x256xi32, #tpu.memory_space<hbm>>
      %dma_start3A_183 = arith.constant 0 : i32
      %dma_start3A_184 = tpu.memref_slice %arg7[%add3A_167, %dma_start3A_183] : memref<160000x256xi32, #tpu.memory_space<hbm>> -> memref<80x256xi32, #tpu.memory_space<hbm>>
      %dma_start3A_185 = arith.constant 0 : i32
      %dma_start3A_186 = arith.constant 0 : i32
      %dma_start3A_187 = tpu.memref_slice %arg12[%dma_start3A_185, %dma_start3A_186] : memref<80x256xi32, #tpu.memory_space<vmem>> -> memref<80x256xi32, #tpu.memory_space<vmem>>
      tpu.enqueue_dma source(%dma_start3A_187 : memref<80x256xi32, #tpu.memory_space<vmem>>) target(%dma_start3A_184 : memref<80x256xi32, #tpu.memory_space<hbm>>) target_semaphore(%arg20 : memref<!tpu.dma_semaphore, #tpu.memory_space<semaphore_mem>>)
      %eq3A = arith.constant 0 : i32
      %eq3A_188 = arith.cmpi eq, %add3A_146, %eq3A : i32
      %convert_element_type3A = arith.extui %eq3A_188 : i1 to i32
      %cond3A = arith.constant 0 : i32
      %cond3A_189 = arith.cmpi ne, %convert_element_type3A, %cond3A : i32
      scf.if %cond3A_189 {
        %dma_start3A_255 = arith.constant 0 : i32
        %dma_start3A_256 = arith.constant 0 : i32
        %dma_start3A_257 = tpu.memref_slice %arg11[%dma_start3A_255, %dma_start3A_256] : memref<80x128xf32, #tpu.memory_space<vmem>> -> memref<80x128xf32, #tpu.memory_space<vmem>>
        %dma_start3A_258 = arith.constant 80 : i32
        %dma_start3A_259 = tpu.memref_slice %arg8[%dma_start3A_258] : memref<5000xi32, #tpu.memory_space<vmem>> -> memref<80xi32, #tpu.memory_space<vmem>>
        %dma_start3A_260 = arith.constant 0 : i32
        %dma_start3A_261 = arith.constant 0 : i32
        %dma_start3A_262 = tpu.memref_slice %arg2[%dma_start3A_260, %dma_start3A_261] : memref<10000x128xf32, #tpu.memory_space<hbm>> -> memref<10000x128xf32, #tpu.memory_space<hbm>>
        tpu.enqueue_indirect_dma source(%dma_start3A_262 : memref<10000x128xf32, #tpu.memory_space<hbm>>) target(%dma_start3A_257 : memref<80x128xf32, #tpu.memory_space<vmem>>) offsets(%dma_start3A_259 : memref<80xi32, #tpu.memory_space<vmem>>) semaphore(%arg15 : memref<!tpu.dma_semaphore, #tpu.memory_space<semaphore_mem>>)
        %dma_start3A_263 = arith.constant 0 : i32
        %dma_start3A_264 = arith.constant 0 : i32
        %dma_start3A_265 = tpu.memref_slice %arg13[%dma_start3A_263, %dma_start3A_264] : memref<80x256xi32, #tpu.memory_space<vmem>> -> memref<80x256xi32, #tpu.memory_space<vmem>>
        %dma_start3A_266 = arith.constant 80 : i32
        %dma_start3A_267 = tpu.memref_slice %arg9[%dma_start3A_266] : memref<5000xi32, #tpu.memory_space<vmem>> -> memref<80xi32, #tpu.memory_space<vmem>>
        %dma_start3A_268 = arith.constant 0 : i32
        %dma_start3A_269 = arith.constant 0 : i32
        %dma_start3A_270 = tpu.memref_slice %arg3[%dma_start3A_268, %dma_start3A_269] : memref<10000x256xi32, #tpu.memory_space<hbm>> -> memref<10000x256xi32, #tpu.memory_space<hbm>>
        tpu.enqueue_indirect_dma source(%dma_start3A_270 : memref<10000x256xi32, #tpu.memory_space<hbm>>) target(%dma_start3A_265 : memref<80x256xi32, #tpu.memory_space<vmem>>) offsets(%dma_start3A_267 : memref<80xi32, #tpu.memory_space<vmem>>) semaphore(%arg17 : memref<!tpu.dma_semaphore, #tpu.memory_space<semaphore_mem>>)
      } else {
      }
      %ge3A = arith.constant 1 : i32
      %ge3A_190 = arith.cmpi sge, %add3A_146, %ge3A : i32
      %add3A_191 = arith.constant 1 : i32
      %add3A_192 = arith.addi %add3A_146, %add3A_191 : i32
      %lt3A = arith.constant 62 : i32
      %lt3A_193 = arith.cmpi slt, %add3A_192, %lt3A : i32
      %and3A = arith.andi %ge3A_190, %lt3A_193 : i1
      %convert_element_type3A_194 = arith.extui %and3A : i1 to i32
      %cond3A_195 = arith.constant 0 : i32
      %cond3A_196 = arith.cmpi ne, %convert_element_type3A_194, %cond3A_195 : i32
      scf.if %cond3A_196 {
        %sub3A = arith.constant 1 : i32
        %sub3A_255 = arith.subi %add3A_146, %sub3A : i32
        %mul3A_256 = arith.constant 80 : i32
        %mul3A_257 = arith.muli %sub3A_255, %mul3A_256 : i32
        %add3A_258 = arith.addi %mul3A_2, %mul3A_257 : i32
        %dma_wait3A_259 = arith.constant 0 : i32
        %dma_wait3A_260 = arith.constant 0 : i32
        %dma_wait3A_261 = tpu.memref_slice %arg11[%dma_wait3A_259, %dma_wait3A_260] : memref<80x128xf32, #tpu.memory_space<vmem>> -> memref<80x128xf32, #tpu.memory_space<vmem>>
        %dma_wait3A_262 = arith.constant 0 : i32
        %dma_wait3A_263 = tpu.memref_slice %arg6[%add3A_258, %dma_wait3A_262] : memref<160000x128xf32, #tpu.memory_space<hbm>> -> memref<80x128xf32, #tpu.memory_space<hbm>>
        %dma_wait3A_264 = arith.constant 0 : i32
        %dma_wait3A_265 = tpu.memref_slice %arg6[%add3A_258, %dma_wait3A_264] : memref<160000x128xf32, #tpu.memory_space<hbm>> -> memref<80x128xf32, #tpu.memory_space<hbm>>
        %dma_wait3A_266 = arith.constant 0 : i32
        %dma_wait3A_267 = arith.constant 0 : i32
        %dma_wait3A_268 = tpu.memref_slice %arg11[%dma_wait3A_266, %dma_wait3A_267] : memref<80x128xf32, #tpu.memory_space<vmem>> -> memref<80x128xf32, #tpu.memory_space<vmem>>
        tpu.wait_dma2 semaphore(%arg19 : memref<!tpu.dma_semaphore, #tpu.memory_space<semaphore_mem>>) src(%dma_wait3A_268 : memref<80x128xf32, #tpu.memory_space<vmem>>) dst(%dma_wait3A_265 : memref<80x128xf32, #tpu.memory_space<hbm>>)
        %dma_wait3A_269 = arith.constant 0 : i32
        %dma_wait3A_270 = arith.constant 0 : i32
        %dma_wait3A_271 = tpu.memref_slice %arg13[%dma_wait3A_269, %dma_wait3A_270] : memref<80x256xi32, #tpu.memory_space<vmem>> -> memref<80x256xi32, #tpu.memory_space<vmem>>
        %dma_wait3A_272 = arith.constant 0 : i32
        %dma_wait3A_273 = tpu.memref_slice %arg7[%add3A_258, %dma_wait3A_272] : memref<160000x256xi32, #tpu.memory_space<hbm>> -> memref<80x256xi32, #tpu.memory_space<hbm>>
        %dma_wait3A_274 = arith.constant 0 : i32
        %dma_wait3A_275 = tpu.memref_slice %arg7[%add3A_258, %dma_wait3A_274] : memref<160000x256xi32, #tpu.memory_space<hbm>> -> memref<80x256xi32, #tpu.memory_space<hbm>>
        %dma_wait3A_276 = arith.constant 0 : i32
        %dma_wait3A_277 = arith.constant 0 : i32
        %dma_wait3A_278 = tpu.memref_slice %arg13[%dma_wait3A_276, %dma_wait3A_277] : memref<80x256xi32, #tpu.memory_space<vmem>> -> memref<80x256xi32, #tpu.memory_space<vmem>>
        tpu.wait_dma2 semaphore(%arg21 : memref<!tpu.dma_semaphore, #tpu.memory_space<semaphore_mem>>) src(%dma_wait3A_278 : memref<80x256xi32, #tpu.memory_space<vmem>>) dst(%dma_wait3A_275 : memref<80x256xi32, #tpu.memory_space<hbm>>)
        %add3A_279 = arith.constant 1 : i32
        %add3A_280 = arith.addi %add3A_146, %add3A_279 : i32
        %mul3A_281 = arith.constant 80 : i32
        %mul3A_282 = arith.muli %add3A_280, %mul3A_281 : i32
        %dma_start3A_283 = arith.constant 0 : i32
        %dma_start3A_284 = arith.constant 0 : i32
        %dma_start3A_285 = tpu.memref_slice %arg11[%dma_start3A_283, %dma_start3A_284] : memref<80x128xf32, #tpu.memory_space<vmem>> -> memref<80x128xf32, #tpu.memory_space<vmem>>
        %dma_start3A_286 = tpu.memref_slice %arg8[%mul3A_282] : memref<5000xi32, #tpu.memory_space<vmem>> -> memref<80xi32, #tpu.memory_space<vmem>>
        %dma_start3A_287 = arith.constant 0 : i32
        %dma_start3A_288 = arith.constant 0 : i32
        %dma_start3A_289 = tpu.memref_slice %arg2[%dma_start3A_287, %dma_start3A_288] : memref<10000x128xf32, #tpu.memory_space<hbm>> -> memref<10000x128xf32, #tpu.memory_space<hbm>>
        tpu.enqueue_indirect_dma source(%dma_start3A_289 : memref<10000x128xf32, #tpu.memory_space<hbm>>) target(%dma_start3A_285 : memref<80x128xf32, #tpu.memory_space<vmem>>) offsets(%dma_start3A_286 : memref<80xi32, #tpu.memory_space<vmem>>) semaphore(%arg15 : memref<!tpu.dma_semaphore, #tpu.memory_space<semaphore_mem>>)
        %mul3A_290 = arith.constant 80 : i32
        %mul3A_291 = arith.muli %add3A_280, %mul3A_290 : i32
        %dma_start3A_292 = arith.constant 0 : i32
        %dma_start3A_293 = arith.constant 0 : i32
        %dma_start3A_294 = tpu.memref_slice %arg13[%dma_start3A_292, %dma_start3A_293] : memref<80x256xi32, #tpu.memory_space<vmem>> -> memref<80x256xi32, #tpu.memory_space<vmem>>
        %dma_start3A_295 = tpu.memref_slice %arg9[%mul3A_291] : memref<5000xi32, #tpu.memory_space<vmem>> -> memref<80xi32, #tpu.memory_space<vmem>>
        %dma_start3A_296 = arith.constant 0 : i32
        %dma_start3A_297 = arith.constant 0 : i32
        %dma_start3A_298 = tpu.memref_slice %arg3[%dma_start3A_296, %dma_start3A_297] : memref<10000x256xi32, #tpu.memory_space<hbm>> -> memref<10000x256xi32, #tpu.memory_space<hbm>>
        tpu.enqueue_indirect_dma source(%dma_start3A_298 : memref<10000x256xi32, #tpu.memory_space<hbm>>) target(%dma_start3A_294 : memref<80x256xi32, #tpu.memory_space<vmem>>) offsets(%dma_start3A_295 : memref<80xi32, #tpu.memory_space<vmem>>) semaphore(%arg17 : memref<!tpu.dma_semaphore, #tpu.memory_space<semaphore_mem>>)
      } else {
      }
      %add3A_197 = arith.constant 1 : i32
      %add3A_198 = arith.addi %mul3A_144, %add3A_197 : i32
      %mul3A_199 = arith.constant 80 : i32
      %mul3A_200 = arith.muli %add3A_198, %mul3A_199 : i32
      %dma_wait3A_201 = arith.constant 0 : i32
      %dma_wait3A_202 = arith.constant 0 : i32
      %dma_wait3A_203 = tpu.memref_slice %arg11[%dma_wait3A_201, %dma_wait3A_202] : memref<80x128xf32, #tpu.memory_space<vmem>> -> memref<80x128xf32, #tpu.memory_space<vmem>>
      %dma_wait3A_204 = tpu.memref_slice %arg8[%mul3A_200] : memref<5000xi32, #tpu.memory_space<vmem>> -> memref<80xi32, #tpu.memory_space<vmem>>
      %dma_wait3A_205 = arith.constant 0 : i32
      %dma_wait3A_206 = arith.constant 0 : i32
      %dma_wait3A_207 = tpu.memref_slice %arg2[%dma_wait3A_205, %dma_wait3A_206] : memref<10000x128xf32, #tpu.memory_space<hbm>> -> memref<10000x128xf32, #tpu.memory_space<hbm>>
      tpu.wait_indirect_dma semaphore(%arg15 : memref<!tpu.dma_semaphore, #tpu.memory_space<semaphore_mem>>) src(%dma_wait3A_207 : memref<10000x128xf32, #tpu.memory_space<hbm>>) dst(%dma_wait3A_203 : memref<80x128xf32, #tpu.memory_space<vmem>>)
      %mul3A_208 = arith.constant 80 : i32
      %mul3A_209 = arith.muli %add3A_198, %mul3A_208 : i32
      %dma_wait3A_210 = arith.constant 0 : i32
      %dma_wait3A_211 = arith.constant 0 : i32
      %dma_wait3A_212 = tpu.memref_slice %arg13[%dma_wait3A_210, %dma_wait3A_211] : memref<80x256xi32, #tpu.memory_space<vmem>> -> memref<80x256xi32, #tpu.memory_space<vmem>>
      %dma_wait3A_213 = tpu.memref_slice %arg9[%mul3A_209] : memref<5000xi32, #tpu.memory_space<vmem>> -> memref<80xi32, #tpu.memory_space<vmem>>
      %dma_wait3A_214 = arith.constant 0 : i32
      %dma_wait3A_215 = arith.constant 0 : i32
      %dma_wait3A_216 = tpu.memref_slice %arg3[%dma_wait3A_214, %dma_wait3A_215] : memref<10000x256xi32, #tpu.memory_space<hbm>> -> memref<10000x256xi32, #tpu.memory_space<hbm>>
      tpu.wait_indirect_dma semaphore(%arg17 : memref<!tpu.dma_semaphore, #tpu.memory_space<semaphore_mem>>) src(%dma_wait3A_216 : memref<10000x256xi32, #tpu.memory_space<hbm>>) dst(%dma_wait3A_212 : memref<80x256xi32, #tpu.memory_space<vmem>>)
      %mul3A_217 = arith.constant 80 : i32
      %mul3A_218 = arith.muli %add3A_198, %mul3A_217 : i32
      %add3A_219 = arith.addi %mul3A_2, %mul3A_218 : i32
      %dma_start3A_220 = arith.constant 0 : i32
      %dma_start3A_221 = arith.constant 0 : i32
      %dma_start3A_222 = tpu.memref_slice %arg11[%dma_start3A_220, %dma_start3A_221] : memref<80x128xf32, #tpu.memory_space<vmem>> -> memref<80x128xf32, #tpu.memory_space<vmem>>
      %dma_start3A_223 = arith.constant 0 : i32
      %dma_start3A_224 = tpu.memref_slice %arg6[%add3A_219, %dma_start3A_223] : memref<160000x128xf32, #tpu.memory_space<hbm>> -> memref<80x128xf32, #tpu.memory_space<hbm>>
      %dma_start3A_225 = arith.constant 0 : i32
      %dma_start3A_226 = tpu.memref_slice %arg6[%add3A_219, %dma_start3A_225] : memref<160000x128xf32, #tpu.memory_space<hbm>> -> memref<80x128xf32, #tpu.memory_space<hbm>>
      %dma_start3A_227 = arith.constant 0 : i32
      %dma_start3A_228 = arith.constant 0 : i32
      %dma_start3A_229 = tpu.memref_slice %arg11[%dma_start3A_227, %dma_start3A_228] : memref<80x128xf32, #tpu.memory_space<vmem>> -> memref<80x128xf32, #tpu.memory_space<vmem>>
      tpu.enqueue_dma source(%dma_start3A_229 : memref<80x128xf32, #tpu.memory_space<vmem>>) target(%dma_start3A_226 : memref<80x128xf32, #tpu.memory_space<hbm>>) target_semaphore(%arg19 : memref<!tpu.dma_semaphore, #tpu.memory_space<semaphore_mem>>)
      %dma_start3A_230 = arith.constant 0 : i32
      %dma_start3A_231 = arith.constant 0 : i32
      %dma_start3A_232 = tpu.memref_slice %arg13[%dma_start3A_230, %dma_start3A_231] : memref<80x256xi32, #tpu.memory_space<vmem>> -> memref<80x256xi32, #tpu.memory_space<vmem>>
      %dma_start3A_233 = arith.constant 0 : i32
      %dma_start3A_234 = tpu.memref_slice %arg7[%add3A_219, %dma_start3A_233] : memref<160000x256xi32, #tpu.memory_space<hbm>> -> memref<80x256xi32, #tpu.memory_space<hbm>>
      %dma_start3A_235 = arith.constant 0 : i32
      %dma_start3A_236 = tpu.memref_slice %arg7[%add3A_219, %dma_start3A_235] : memref<160000x256xi32, #tpu.memory_space<hbm>> -> memref<80x256xi32, #tpu.memory_space<hbm>>
      %dma_start3A_237 = arith.constant 0 : i32
      %dma_start3A_238 = arith.constant 0 : i32
      %dma_start3A_239 = tpu.memref_slice %arg13[%dma_start3A_237, %dma_start3A_238] : memref<80x256xi32, #tpu.memory_space<vmem>> -> memref<80x256xi32, #tpu.memory_space<vmem>>
      tpu.enqueue_dma source(%dma_start3A_239 : memref<80x256xi32, #tpu.memory_space<vmem>>) target(%dma_start3A_236 : memref<80x256xi32, #tpu.memory_space<hbm>>) target_semaphore(%arg21 : memref<!tpu.dma_semaphore, #tpu.memory_space<semaphore_mem>>)
      %eq3A_240 = arith.constant 0 : i32
      %eq3A_241 = arith.cmpi eq, %add3A_198, %eq3A_240 : i32
      %convert_element_type3A_242 = arith.extui %eq3A_241 : i1 to i32
      %cond3A_243 = arith.constant 0 : i32
      %cond3A_244 = arith.cmpi ne, %convert_element_type3A_242, %cond3A_243 : i32
      scf.if %cond3A_244 {
        %dma_start3A_255 = arith.constant 0 : i32
        %dma_start3A_256 = arith.constant 0 : i32
        %dma_start3A_257 = tpu.memref_slice %arg11[%dma_start3A_255, %dma_start3A_256] : memref<80x128xf32, #tpu.memory_space<vmem>> -> memref<80x128xf32, #tpu.memory_space<vmem>>
        %dma_start3A_258 = arith.constant 80 : i32
        %dma_start3A_259 = tpu.memref_slice %arg8[%dma_start3A_258] : memref<5000xi32, #tpu.memory_space<vmem>> -> memref<80xi32, #tpu.memory_space<vmem>>
        %dma_start3A_260 = arith.constant 0 : i32
        %dma_start3A_261 = arith.constant 0 : i32
        %dma_start3A_262 = tpu.memref_slice %arg2[%dma_start3A_260, %dma_start3A_261] : memref<10000x128xf32, #tpu.memory_space<hbm>> -> memref<10000x128xf32, #tpu.memory_space<hbm>>
        tpu.enqueue_indirect_dma source(%dma_start3A_262 : memref<10000x128xf32, #tpu.memory_space<hbm>>) target(%dma_start3A_257 : memref<80x128xf32, #tpu.memory_space<vmem>>) offsets(%dma_start3A_259 : memref<80xi32, #tpu.memory_space<vmem>>) semaphore(%arg15 : memref<!tpu.dma_semaphore, #tpu.memory_space<semaphore_mem>>)
        %dma_start3A_263 = arith.constant 0 : i32
        %dma_start3A_264 = arith.constant 0 : i32
        %dma_start3A_265 = tpu.memref_slice %arg13[%dma_start3A_263, %dma_start3A_264] : memref<80x256xi32, #tpu.memory_space<vmem>> -> memref<80x256xi32, #tpu.memory_space<vmem>>
        %dma_start3A_266 = arith.constant 80 : i32
        %dma_start3A_267 = tpu.memref_slice %arg9[%dma_start3A_266] : memref<5000xi32, #tpu.memory_space<vmem>> -> memref<80xi32, #tpu.memory_space<vmem>>
        %dma_start3A_268 = arith.constant 0 : i32
        %dma_start3A_269 = arith.constant 0 : i32
        %dma_start3A_270 = tpu.memref_slice %arg3[%dma_start3A_268, %dma_start3A_269] : memref<10000x256xi32, #tpu.memory_space<hbm>> -> memref<10000x256xi32, #tpu.memory_space<hbm>>
        tpu.enqueue_indirect_dma source(%dma_start3A_270 : memref<10000x256xi32, #tpu.memory_space<hbm>>) target(%dma_start3A_265 : memref<80x256xi32, #tpu.memory_space<vmem>>) offsets(%dma_start3A_267 : memref<80xi32, #tpu.memory_space<vmem>>) semaphore(%arg17 : memref<!tpu.dma_semaphore, #tpu.memory_space<semaphore_mem>>)
      } else {
      }
      %ge3A_245 = arith.constant 1 : i32
      %ge3A_246 = arith.cmpi sge, %add3A_198, %ge3A_245 : i32
      %add3A_247 = arith.constant 1 : i32
      %add3A_248 = arith.addi %add3A_198, %add3A_247 : i32
      %lt3A_249 = arith.constant 62 : i32
      %lt3A_250 = arith.cmpi slt, %add3A_248, %lt3A_249 : i32
      %and3A_251 = arith.andi %ge3A_246, %lt3A_250 : i1
      %convert_element_type3A_252 = arith.extui %and3A_251 : i1 to i32
      %cond3A_253 = arith.constant 0 : i32
      %cond3A_254 = arith.cmpi ne, %convert_element_type3A_252, %cond3A_253 : i32
      scf.if %cond3A_254 {
        %sub3A = arith.constant 1 : i32
        %sub3A_255 = arith.subi %add3A_198, %sub3A : i32
        %mul3A_256 = arith.constant 80 : i32
        %mul3A_257 = arith.muli %sub3A_255, %mul3A_256 : i32
        %add3A_258 = arith.addi %mul3A_2, %mul3A_257 : i32
        %dma_wait3A_259 = arith.constant 0 : i32
        %dma_wait3A_260 = arith.constant 0 : i32
        %dma_wait3A_261 = tpu.memref_slice %arg10[%dma_wait3A_259, %dma_wait3A_260] : memref<80x128xf32, #tpu.memory_space<vmem>> -> memref<80x128xf32, #tpu.memory_space<vmem>>
        %dma_wait3A_262 = arith.constant 0 : i32
        %dma_wait3A_263 = tpu.memref_slice %arg6[%add3A_258, %dma_wait3A_262] : memref<160000x128xf32, #tpu.memory_space<hbm>> -> memref<80x128xf32, #tpu.memory_space<hbm>>
        %dma_wait3A_264 = arith.constant 0 : i32
        %dma_wait3A_265 = tpu.memref_slice %arg6[%add3A_258, %dma_wait3A_264] : memref<160000x128xf32, #tpu.memory_space<hbm>> -> memref<80x128xf32, #tpu.memory_space<hbm>>
        %dma_wait3A_266 = arith.constant 0 : i32
        %dma_wait3A_267 = arith.constant 0 : i32
        %dma_wait3A_268 = tpu.memref_slice %arg10[%dma_wait3A_266, %dma_wait3A_267] : memref<80x128xf32, #tpu.memory_space<vmem>> -> memref<80x128xf32, #tpu.memory_space<vmem>>
        tpu.wait_dma2 semaphore(%arg18 : memref<!tpu.dma_semaphore, #tpu.memory_space<semaphore_mem>>) src(%dma_wait3A_268 : memref<80x128xf32, #tpu.memory_space<vmem>>) dst(%dma_wait3A_265 : memref<80x128xf32, #tpu.memory_space<hbm>>)
        %dma_wait3A_269 = arith.constant 0 : i32
        %dma_wait3A_270 = arith.constant 0 : i32
        %dma_wait3A_271 = tpu.memref_slice %arg12[%dma_wait3A_269, %dma_wait3A_270] : memref<80x256xi32, #tpu.memory_space<vmem>> -> memref<80x256xi32, #tpu.memory_space<vmem>>
        %dma_wait3A_272 = arith.constant 0 : i32
        %dma_wait3A_273 = tpu.memref_slice %arg7[%add3A_258, %dma_wait3A_272] : memref<160000x256xi32, #tpu.memory_space<hbm>> -> memref<80x256xi32, #tpu.memory_space<hbm>>
        %dma_wait3A_274 = arith.constant 0 : i32
        %dma_wait3A_275 = tpu.memref_slice %arg7[%add3A_258, %dma_wait3A_274] : memref<160000x256xi32, #tpu.memory_space<hbm>> -> memref<80x256xi32, #tpu.memory_space<hbm>>
        %dma_wait3A_276 = arith.constant 0 : i32
        %dma_wait3A_277 = arith.constant 0 : i32
        %dma_wait3A_278 = tpu.memref_slice %arg12[%dma_wait3A_276, %dma_wait3A_277] : memref<80x256xi32, #tpu.memory_space<vmem>> -> memref<80x256xi32, #tpu.memory_space<vmem>>
        tpu.wait_dma2 semaphore(%arg20 : memref<!tpu.dma_semaphore, #tpu.memory_space<semaphore_mem>>) src(%dma_wait3A_278 : memref<80x256xi32, #tpu.memory_space<vmem>>) dst(%dma_wait3A_275 : memref<80x256xi32, #tpu.memory_space<hbm>>)
        %add3A_279 = arith.constant 1 : i32
        %add3A_280 = arith.addi %add3A_198, %add3A_279 : i32
        %mul3A_281 = arith.constant 80 : i32
        %mul3A_282 = arith.muli %add3A_280, %mul3A_281 : i32
        %dma_start3A_283 = arith.constant 0 : i32
        %dma_start3A_284 = arith.constant 0 : i32
        %dma_start3A_285 = tpu.memref_slice %arg10[%dma_start3A_283, %dma_start3A_284] : memref<80x128xf32, #tpu.memory_space<vmem>> -> memref<80x128xf32, #tpu.memory_space<vmem>>
        %dma_start3A_286 = tpu.memref_slice %arg8[%mul3A_282] : memref<5000xi32, #tpu.memory_space<vmem>> -> memref<80xi32, #tpu.memory_space<vmem>>
        %dma_start3A_287 = arith.constant 0 : i32
        %dma_start3A_288 = arith.constant 0 : i32
        %dma_start3A_289 = tpu.memref_slice %arg2[%dma_start3A_287, %dma_start3A_288] : memref<10000x128xf32, #tpu.memory_space<hbm>> -> memref<10000x128xf32, #tpu.memory_space<hbm>>
        tpu.enqueue_indirect_dma source(%dma_start3A_289 : memref<10000x128xf32, #tpu.memory_space<hbm>>) target(%dma_start3A_285 : memref<80x128xf32, #tpu.memory_space<vmem>>) offsets(%dma_start3A_286 : memref<80xi32, #tpu.memory_space<vmem>>) semaphore(%arg14 : memref<!tpu.dma_semaphore, #tpu.memory_space<semaphore_mem>>)
        %mul3A_290 = arith.constant 80 : i32
        %mul3A_291 = arith.muli %add3A_280, %mul3A_290 : i32
        %dma_start3A_292 = arith.constant 0 : i32
        %dma_start3A_293 = arith.constant 0 : i32
        %dma_start3A_294 = tpu.memref_slice %arg12[%dma_start3A_292, %dma_start3A_293] : memref<80x256xi32, #tpu.memory_space<vmem>> -> memref<80x256xi32, #tpu.memory_space<vmem>>
        %dma_start3A_295 = tpu.memref_slice %arg9[%mul3A_291] : memref<5000xi32, #tpu.memory_space<vmem>> -> memref<80xi32, #tpu.memory_space<vmem>>
        %dma_start3A_296 = arith.constant 0 : i32
        %dma_start3A_297 = arith.constant 0 : i32
        %dma_start3A_298 = tpu.memref_slice %arg3[%dma_start3A_296, %dma_start3A_297] : memref<10000x256xi32, #tpu.memory_space<hbm>> -> memref<10000x256xi32, #tpu.memory_space<hbm>>
        tpu.enqueue_indirect_dma source(%dma_start3A_298 : memref<10000x256xi32, #tpu.memory_space<hbm>>) target(%dma_start3A_294 : memref<80x256xi32, #tpu.memory_space<vmem>>) offsets(%dma_start3A_295 : memref<80xi32, #tpu.memory_space<vmem>>) semaphore(%arg16 : memref<!tpu.dma_semaphore, #tpu.memory_space<semaphore_mem>>)
      } else {
      }
    }
    %scan3A_22 = arith.constant 31 : i32
    %add3A_23 = arith.constant 4800 : i32
    %add3A_24 = arith.addi %mul3A_2, %add3A_23 : i32
    %dma_wait3A = arith.constant 0 : i32
    %dma_wait3A_25 = arith.constant 0 : i32
    %dma_wait3A_26 = tpu.memref_slice %arg10[%dma_wait3A, %dma_wait3A_25] : memref<80x128xf32, #tpu.memory_space<vmem>> -> memref<80x128xf32, #tpu.memory_space<vmem>>
    %dma_wait3A_27 = arith.constant 0 : i32
    %dma_wait3A_28 = tpu.memref_slice %arg6[%add3A_24, %dma_wait3A_27] : memref<160000x128xf32, #tpu.memory_space<hbm>> -> memref<80x128xf32, #tpu.memory_space<hbm>>
    %dma_wait3A_29 = arith.constant 0 : i32
    %dma_wait3A_30 = tpu.memref_slice %arg6[%add3A_24, %dma_wait3A_29] : memref<160000x128xf32, #tpu.memory_space<hbm>> -> memref<80x128xf32, #tpu.memory_space<hbm>>
    %dma_wait3A_31 = arith.constant 0 : i32
    %dma_wait3A_32 = arith.constant 0 : i32
    %dma_wait3A_33 = tpu.memref_slice %arg10[%dma_wait3A_31, %dma_wait3A_32] : memref<80x128xf32, #tpu.memory_space<vmem>> -> memref<80x128xf32, #tpu.memory_space<vmem>>
    tpu.wait_dma2 semaphore(%arg18 : memref<!tpu.dma_semaphore, #tpu.memory_space<semaphore_mem>>) src(%dma_wait3A_33 : memref<80x128xf32, #tpu.memory_space<vmem>>) dst(%dma_wait3A_30 : memref<80x128xf32, #tpu.memory_space<hbm>>)
    %dma_wait3A_34 = arith.constant 0 : i32
    %dma_wait3A_35 = arith.constant 0 : i32
    %dma_wait3A_36 = tpu.memref_slice %arg12[%dma_wait3A_34, %dma_wait3A_35] : memref<80x256xi32, #tpu.memory_space<vmem>> -> memref<80x256xi32, #tpu.memory_space<vmem>>
    %dma_wait3A_37 = arith.constant 0 : i32
    %dma_wait3A_38 = tpu.memref_slice %arg7[%add3A_24, %dma_wait3A_37] : memref<160000x256xi32, #tpu.memory_space<hbm>> -> memref<80x256xi32, #tpu.memory_space<hbm>>
    %dma_wait3A_39 = arith.constant 0 : i32
    %dma_wait3A_40 = tpu.memref_slice %arg7[%add3A_24, %dma_wait3A_39] : memref<160000x256xi32, #tpu.memory_space<hbm>> -> memref<80x256xi32, #tpu.memory_space<hbm>>
    %dma_wait3A_41 = arith.constant 0 : i32
    %dma_wait3A_42 = arith.constant 0 : i32
    %dma_wait3A_43 = tpu.memref_slice %arg12[%dma_wait3A_41, %dma_wait3A_42] : memref<80x256xi32, #tpu.memory_space<vmem>> -> memref<80x256xi32, #tpu.memory_space<vmem>>
    tpu.wait_dma2 semaphore(%arg20 : memref<!tpu.dma_semaphore, #tpu.memory_space<semaphore_mem>>) src(%dma_wait3A_43 : memref<80x256xi32, #tpu.memory_space<vmem>>) dst(%dma_wait3A_40 : memref<80x256xi32, #tpu.memory_space<hbm>>)
    %add3A_44 = arith.constant 4880 : i32
    %add3A_45 = arith.addi %mul3A_2, %add3A_44 : i32
    %dma_wait3A_46 = arith.constant 0 : i32
    %dma_wait3A_47 = arith.constant 0 : i32
    %dma_wait3A_48 = tpu.memref_slice %arg11[%dma_wait3A_46, %dma_wait3A_47] : memref<80x128xf32, #tpu.memory_space<vmem>> -> memref<80x128xf32, #tpu.memory_space<vmem>>
    %dma_wait3A_49 = arith.constant 0 : i32
    %dma_wait3A_50 = tpu.memref_slice %arg6[%add3A_45, %dma_wait3A_49] : memref<160000x128xf32, #tpu.memory_space<hbm>> -> memref<80x128xf32, #tpu.memory_space<hbm>>
    %dma_wait3A_51 = arith.constant 0 : i32
    %dma_wait3A_52 = tpu.memref_slice %arg6[%add3A_45, %dma_wait3A_51] : memref<160000x128xf32, #tpu.memory_space<hbm>> -> memref<80x128xf32, #tpu.memory_space<hbm>>
    %dma_wait3A_53 = arith.constant 0 : i32
    %dma_wait3A_54 = arith.constant 0 : i32
    %dma_wait3A_55 = tpu.memref_slice %arg11[%dma_wait3A_53, %dma_wait3A_54] : memref<80x128xf32, #tpu.memory_space<vmem>> -> memref<80x128xf32, #tpu.memory_space<vmem>>
    tpu.wait_dma2 semaphore(%arg19 : memref<!tpu.dma_semaphore, #tpu.memory_space<semaphore_mem>>) src(%dma_wait3A_55 : memref<80x128xf32, #tpu.memory_space<vmem>>) dst(%dma_wait3A_52 : memref<80x128xf32, #tpu.memory_space<hbm>>)
    %dma_wait3A_56 = arith.constant 0 : i32
    %dma_wait3A_57 = arith.constant 0 : i32
    %dma_wait3A_58 = tpu.memref_slice %arg13[%dma_wait3A_56, %dma_wait3A_57] : memref<80x256xi32, #tpu.memory_space<vmem>> -> memref<80x256xi32, #tpu.memory_space<vmem>>
    %dma_wait3A_59 = arith.constant 0 : i32
    %dma_wait3A_60 = tpu.memref_slice %arg7[%add3A_45, %dma_wait3A_59] : memref<160000x256xi32, #tpu.memory_space<hbm>> -> memref<80x256xi32, #tpu.memory_space<hbm>>
    %dma_wait3A_61 = arith.constant 0 : i32
    %dma_wait3A_62 = tpu.memref_slice %arg7[%add3A_45, %dma_wait3A_61] : memref<160000x256xi32, #tpu.memory_space<hbm>> -> memref<80x256xi32, #tpu.memory_space<hbm>>
    %dma_wait3A_63 = arith.constant 0 : i32
    %dma_wait3A_64 = arith.constant 0 : i32
    %dma_wait3A_65 = tpu.memref_slice %arg13[%dma_wait3A_63, %dma_wait3A_64] : memref<80x256xi32, #tpu.memory_space<vmem>> -> memref<80x256xi32, #tpu.memory_space<vmem>>
    tpu.wait_dma2 semaphore(%arg21 : memref<!tpu.dma_semaphore, #tpu.memory_space<semaphore_mem>>) src(%dma_wait3A_65 : memref<80x256xi32, #tpu.memory_space<vmem>>) dst(%dma_wait3A_62 : memref<80x256xi32, #tpu.memory_space<hbm>>)
    %dma_start3A_66 = arith.constant 0 : i32
    %dma_start3A_67 = arith.constant 0 : i32
    %dma_start3A_68 = tpu.memref_slice %arg10[%dma_start3A_66, %dma_start3A_67] : memref<80x128xf32, #tpu.memory_space<vmem>> -> memref<40x128xf32, #tpu.memory_space<vmem>>
    %dma_start3A_69 = arith.constant 4960 : i32
    %dma_start3A_70 = tpu.memref_slice %arg8[%dma_start3A_69] : memref<5000xi32, #tpu.memory_space<vmem>> -> memref<40xi32, #tpu.memory_space<vmem>>
    %dma_start3A_71 = arith.constant 0 : i32
    %dma_start3A_72 = arith.constant 0 : i32
    %dma_start3A_73 = tpu.memref_slice %arg2[%dma_start3A_71, %dma_start3A_72] : memref<10000x128xf32, #tpu.memory_space<hbm>> -> memref<10000x128xf32, #tpu.memory_space<hbm>>
    tpu.enqueue_indirect_dma source(%dma_start3A_73 : memref<10000x128xf32, #tpu.memory_space<hbm>>) target(%dma_start3A_68 : memref<40x128xf32, #tpu.memory_space<vmem>>) offsets(%dma_start3A_70 : memref<40xi32, #tpu.memory_space<vmem>>) semaphore(%arg14 : memref<!tpu.dma_semaphore, #tpu.memory_space<semaphore_mem>>)
    %dma_start3A_74 = arith.constant 0 : i32
    %dma_start3A_75 = arith.constant 0 : i32
    %dma_start3A_76 = tpu.memref_slice %arg12[%dma_start3A_74, %dma_start3A_75] : memref<80x256xi32, #tpu.memory_space<vmem>> -> memref<40x256xi32, #tpu.memory_space<vmem>>
    %dma_start3A_77 = arith.constant 4960 : i32
    %dma_start3A_78 = tpu.memref_slice %arg9[%dma_start3A_77] : memref<5000xi32, #tpu.memory_space<vmem>> -> memref<40xi32, #tpu.memory_space<vmem>>
    %dma_start3A_79 = arith.constant 0 : i32
    %dma_start3A_80 = arith.constant 0 : i32
    %dma_start3A_81 = tpu.memref_slice %arg3[%dma_start3A_79, %dma_start3A_80] : memref<10000x256xi32, #tpu.memory_space<hbm>> -> memref<10000x256xi32, #tpu.memory_space<hbm>>
    tpu.enqueue_indirect_dma source(%dma_start3A_81 : memref<10000x256xi32, #tpu.memory_space<hbm>>) target(%dma_start3A_76 : memref<40x256xi32, #tpu.memory_space<vmem>>) offsets(%dma_start3A_78 : memref<40xi32, #tpu.memory_space<vmem>>) semaphore(%arg16 : memref<!tpu.dma_semaphore, #tpu.memory_space<semaphore_mem>>)
    %dma_wait3A_82 = arith.constant 0 : i32
    %dma_wait3A_83 = arith.constant 0 : i32
    %dma_wait3A_84 = tpu.memref_slice %arg10[%dma_wait3A_82, %dma_wait3A_83] : memref<80x128xf32, #tpu.memory_space<vmem>> -> memref<40x128xf32, #tpu.memory_space<vmem>>
    %dma_wait3A_85 = arith.constant 4960 : i32
    %dma_wait3A_86 = tpu.memref_slice %arg8[%dma_wait3A_85] : memref<5000xi32, #tpu.memory_space<vmem>> -> memref<40xi32, #tpu.memory_space<vmem>>
    %dma_wait3A_87 = arith.constant 0 : i32
    %dma_wait3A_88 = arith.constant 0 : i32
    %dma_wait3A_89 = tpu.memref_slice %arg2[%dma_wait3A_87, %dma_wait3A_88] : memref<10000x128xf32, #tpu.memory_space<hbm>> -> memref<10000x128xf32, #tpu.memory_space<hbm>>
    tpu.wait_indirect_dma semaphore(%arg14 : memref<!tpu.dma_semaphore, #tpu.memory_space<semaphore_mem>>) src(%dma_wait3A_89 : memref<10000x128xf32, #tpu.memory_space<hbm>>) dst(%dma_wait3A_84 : memref<40x128xf32, #tpu.memory_space<vmem>>)
    %dma_wait3A_90 = arith.constant 0 : i32
    %dma_wait3A_91 = arith.constant 0 : i32
    %dma_wait3A_92 = tpu.memref_slice %arg12[%dma_wait3A_90, %dma_wait3A_91] : memref<80x256xi32, #tpu.memory_space<vmem>> -> memref<40x256xi32, #tpu.memory_space<vmem>>
    %dma_wait3A_93 = arith.constant 4960 : i32
    %dma_wait3A_94 = tpu.memref_slice %arg9[%dma_wait3A_93] : memref<5000xi32, #tpu.memory_space<vmem>> -> memref<40xi32, #tpu.memory_space<vmem>>
    %dma_wait3A_95 = arith.constant 0 : i32
    %dma_wait3A_96 = arith.constant 0 : i32
    %dma_wait3A_97 = tpu.memref_slice %arg3[%dma_wait3A_95, %dma_wait3A_96] : memref<10000x256xi32, #tpu.memory_space<hbm>> -> memref<10000x256xi32, #tpu.memory_space<hbm>>
    tpu.wait_indirect_dma semaphore(%arg16 : memref<!tpu.dma_semaphore, #tpu.memory_space<semaphore_mem>>) src(%dma_wait3A_97 : memref<10000x256xi32, #tpu.memory_space<hbm>>) dst(%dma_wait3A_92 : memref<40x256xi32, #tpu.memory_space<vmem>>)
    %add3A_98 = arith.constant 4960 : i32
    %add3A_99 = arith.addi %mul3A_2, %add3A_98 : i32
    %dma_start3A_100 = arith.constant 0 : i32
    %dma_start3A_101 = arith.constant 0 : i32
    %dma_start3A_102 = tpu.memref_slice %arg10[%dma_start3A_100, %dma_start3A_101] : memref<80x128xf32, #tpu.memory_space<vmem>> -> memref<40x128xf32, #tpu.memory_space<vmem>>
    %dma_start3A_103 = arith.constant 0 : i32
    %dma_start3A_104 = tpu.memref_slice %arg6[%add3A_99, %dma_start3A_103] : memref<160000x128xf32, #tpu.memory_space<hbm>> -> memref<40x128xf32, #tpu.memory_space<hbm>>
    %dma_start3A_105 = arith.constant 0 : i32
    %dma_start3A_106 = tpu.memref_slice %arg6[%add3A_99, %dma_start3A_105] : memref<160000x128xf32, #tpu.memory_space<hbm>> -> memref<40x128xf32, #tpu.memory_space<hbm>>
    %dma_start3A_107 = arith.constant 0 : i32
    %dma_start3A_108 = arith.constant 0 : i32
    %dma_start3A_109 = tpu.memref_slice %arg10[%dma_start3A_107, %dma_start3A_108] : memref<80x128xf32, #tpu.memory_space<vmem>> -> memref<40x128xf32, #tpu.memory_space<vmem>>
    tpu.enqueue_dma source(%dma_start3A_109 : memref<40x128xf32, #tpu.memory_space<vmem>>) target(%dma_start3A_106 : memref<40x128xf32, #tpu.memory_space<hbm>>) target_semaphore(%arg18 : memref<!tpu.dma_semaphore, #tpu.memory_space<semaphore_mem>>)
    %dma_start3A_110 = arith.constant 0 : i32
    %dma_start3A_111 = arith.constant 0 : i32
    %dma_start3A_112 = tpu.memref_slice %arg12[%dma_start3A_110, %dma_start3A_111] : memref<80x256xi32, #tpu.memory_space<vmem>> -> memref<40x256xi32, #tpu.memory_space<vmem>>
    %dma_start3A_113 = arith.constant 0 : i32
    %dma_start3A_114 = tpu.memref_slice %arg7[%add3A_99, %dma_start3A_113] : memref<160000x256xi32, #tpu.memory_space<hbm>> -> memref<40x256xi32, #tpu.memory_space<hbm>>
    %dma_start3A_115 = arith.constant 0 : i32
    %dma_start3A_116 = tpu.memref_slice %arg7[%add3A_99, %dma_start3A_115] : memref<160000x256xi32, #tpu.memory_space<hbm>> -> memref<40x256xi32, #tpu.memory_space<hbm>>
    %dma_start3A_117 = arith.constant 0 : i32
    %dma_start3A_118 = arith.constant 0 : i32
    %dma_start3A_119 = tpu.memref_slice %arg12[%dma_start3A_117, %dma_start3A_118] : memref<80x256xi32, #tpu.memory_space<vmem>> -> memref<40x256xi32, #tpu.memory_space<vmem>>
    tpu.enqueue_dma source(%dma_start3A_119 : memref<40x256xi32, #tpu.memory_space<vmem>>) target(%dma_start3A_116 : memref<40x256xi32, #tpu.memory_space<hbm>>) target_semaphore(%arg20 : memref<!tpu.dma_semaphore, #tpu.memory_space<semaphore_mem>>)
    %add3A_120 = arith.constant 4960 : i32
    %add3A_121 = arith.addi %mul3A_2, %add3A_120 : i32
    %dma_wait3A_122 = arith.constant 0 : i32
    %dma_wait3A_123 = arith.constant 0 : i32
    %dma_wait3A_124 = tpu.memref_slice %arg10[%dma_wait3A_122, %dma_wait3A_123] : memref<80x128xf32, #tpu.memory_space<vmem>> -> memref<40x128xf32, #tpu.memory_space<vmem>>
    %dma_wait3A_125 = arith.constant 0 : i32
    %dma_wait3A_126 = tpu.memref_slice %arg6[%add3A_121, %dma_wait3A_125] : memref<160000x128xf32, #tpu.memory_space<hbm>> -> memref<40x128xf32, #tpu.memory_space<hbm>>
    %dma_wait3A_127 = arith.constant 0 : i32
    %dma_wait3A_128 = tpu.memref_slice %arg6[%add3A_121, %dma_wait3A_127] : memref<160000x128xf32, #tpu.memory_space<hbm>> -> memref<40x128xf32, #tpu.memory_space<hbm>>
    %dma_wait3A_129 = arith.constant 0 : i32
    %dma_wait3A_130 = arith.constant 0 : i32
    %dma_wait3A_131 = tpu.memref_slice %arg10[%dma_wait3A_129, %dma_wait3A_130] : memref<80x128xf32, #tpu.memory_space<vmem>> -> memref<40x128xf32, #tpu.memory_space<vmem>>
    tpu.wait_dma2 semaphore(%arg18 : memref<!tpu.dma_semaphore, #tpu.memory_space<semaphore_mem>>) src(%dma_wait3A_131 : memref<40x128xf32, #tpu.memory_space<vmem>>) dst(%dma_wait3A_128 : memref<40x128xf32, #tpu.memory_space<hbm>>)
    %dma_wait3A_132 = arith.constant 0 : i32
    %dma_wait3A_133 = arith.constant 0 : i32
    %dma_wait3A_134 = tpu.memref_slice %arg12[%dma_wait3A_132, %dma_wait3A_133] : memref<80x256xi32, #tpu.memory_space<vmem>> -> memref<40x256xi32, #tpu.memory_space<vmem>>
    %dma_wait3A_135 = arith.constant 0 : i32
    %dma_wait3A_136 = tpu.memref_slice %arg7[%add3A_121, %dma_wait3A_135] : memref<160000x256xi32, #tpu.memory_space<hbm>> -> memref<40x256xi32, #tpu.memory_space<hbm>>
    %dma_wait3A_137 = arith.constant 0 : i32
    %dma_wait3A_138 = tpu.memref_slice %arg7[%add3A_121, %dma_wait3A_137] : memref<160000x256xi32, #tpu.memory_space<hbm>> -> memref<40x256xi32, #tpu.memory_space<hbm>>
    %dma_wait3A_139 = arith.constant 0 : i32
    %dma_wait3A_140 = arith.constant 0 : i32
    %dma_wait3A_141 = tpu.memref_slice %arg12[%dma_wait3A_139, %dma_wait3A_140] : memref<80x256xi32, #tpu.memory_space<vmem>> -> memref<40x256xi32, #tpu.memory_space<vmem>>
    tpu.wait_dma2 semaphore(%arg20 : memref<!tpu.dma_semaphore, #tpu.memory_space<semaphore_mem>>) src(%dma_wait3A_141 : memref<40x256xi32, #tpu.memory_space<vmem>>) dst(%dma_wait3A_138 : memref<40x256xi32, #tpu.memory_space<hbm>>)
    return
  }
}

#map = affine_map<(d0, d1) -> (0, 0)>
#map1 = affine_map<(d0, d1) -> (0, 0, 0)>
module attributes {stable_mosaic.version = 14 : i64} {
  func.func @sk(%arg0: i32, %arg1: i32, %arg2: memref<160000x128xf32, #tpu.memory_space<hbm>>, %arg3: memref<160000x128xf32, #tpu.memory_space<hbm>>, %arg4: memref<160000x128xf32, #tpu.memory_space<hbm>>, %arg5: memref<160000x128xf32, #tpu.memory_space<hbm>>, %arg6: memref<16x125x80xi32, #tpu.memory_space<hbm>>, %arg7: memref<10240x128xf32, #tpu.memory_space<hbm>>, %arg8: memref<10240x128xf32, #tpu.memory_space<hbm>>, %arg9: memref<10240x128xf32, #tpu.memory_space<hbm>>, %arg10: memref<10240x128xf32, #tpu.memory_space<hbm>>, %arg11: memref<10240x128xf32, #tpu.memory_space<hbm>>, %arg12: memref<125x80xi32, #tpu.memory_space<vmem>>, %arg13: memref<80x128xf32, #tpu.memory_space<vmem>>, %arg14: memref<80x128xf32, #tpu.memory_space<vmem>>, %arg15: memref<10240x128xf32, #tpu.memory_space<vmem_shared>>, %arg16: memref<!tpu.dma_semaphore, #tpu.memory_space<semaphore_mem>>, %arg17: memref<!tpu.dma_semaphore, #tpu.memory_space<semaphore_mem>>) attributes {dimension_semantics = [#tpu.dimension_semantics<core_parallel>, #tpu.dimension_semantics<subcore_parallel>], iteration_bounds = array<i64: 2, 16>, scalar_prefetch = 0 : i64, scratch_operands = 6 : i64, tpu.core_type = #tpu.core_type<sc_vector_subcore>, window_params = [{transform_indices = #map}, {transform_indices = #map}, {transform_indices = #map}, {transform_indices = #map}, {transform_indices = #map1}, {transform_indices = #map}, {transform_indices = #map}, {transform_indices = #map}, {transform_indices = #map}, {transform_indices = #map}]} {
    %mul3A = arith.constant 640 : i32
    %mul3A_0 = arith.muli %arg1, %mul3A : i32
    "tpu.region"() ({
      %run_scoped3A = tpu.sem_alloc : memref<!tpu.dma_semaphore, #tpu.memory_space<semaphore_mem>>
      %dma_start3A = arith.constant 0 : i32
      %dma_start3A_18 = arith.constant 0 : i32
      %dma_start3A_19 = tpu.memref_slice %arg6[%arg1, %dma_start3A, %dma_start3A_18] : memref<16x125x80xi32, #tpu.memory_space<hbm>> -> memref<1x125x80xi32, #tpu.memory_space<hbm>>
      %dma_start3A_20 = tpu.memref_squeeze %dma_start3A_19 : memref<1x125x80xi32, #tpu.memory_space<hbm>> -> memref<125x80xi32, #tpu.memory_space<hbm>>
      %dma_start3A_21 = arith.constant 0 : i32
      %dma_start3A_22 = arith.constant 0 : i32
      %dma_start3A_23 = tpu.memref_slice %arg6[%arg1, %dma_start3A_21, %dma_start3A_22] : memref<16x125x80xi32, #tpu.memory_space<hbm>> -> memref<1x125x80xi32, #tpu.memory_space<hbm>>
      %dma_start3A_24 = tpu.memref_squeeze %dma_start3A_23 : memref<1x125x80xi32, #tpu.memory_space<hbm>> -> memref<125x80xi32, #tpu.memory_space<hbm>>
      tpu.enqueue_dma source(%dma_start3A_24 : memref<125x80xi32, #tpu.memory_space<hbm>>) target(%arg12 : memref<125x80xi32, #tpu.memory_space<vmem>>) target_semaphore(%run_scoped3A : memref<!tpu.dma_semaphore, #tpu.memory_space<semaphore_mem>>)
      %dma_wait3A = arith.constant 0 : i32
      %dma_wait3A_25 = arith.constant 0 : i32
      %dma_wait3A_26 = tpu.memref_slice %arg6[%arg1, %dma_wait3A, %dma_wait3A_25] : memref<16x125x80xi32, #tpu.memory_space<hbm>> -> memref<1x125x80xi32, #tpu.memory_space<hbm>>
      %dma_wait3A_27 = tpu.memref_squeeze %dma_wait3A_26 : memref<1x125x80xi32, #tpu.memory_space<hbm>> -> memref<125x80xi32, #tpu.memory_space<hbm>>
      %dma_wait3A_28 = arith.constant 0 : i32
      %dma_wait3A_29 = arith.constant 0 : i32
      %dma_wait3A_30 = tpu.memref_slice %arg6[%arg1, %dma_wait3A_28, %dma_wait3A_29] : memref<16x125x80xi32, #tpu.memory_space<hbm>> -> memref<1x125x80xi32, #tpu.memory_space<hbm>>
      %dma_wait3A_31 = tpu.memref_squeeze %dma_wait3A_30 : memref<1x125x80xi32, #tpu.memory_space<hbm>> -> memref<125x80xi32, #tpu.memory_space<hbm>>
      tpu.wait_dma2 semaphore(%run_scoped3A : memref<!tpu.dma_semaphore, #tpu.memory_space<semaphore_mem>>) src(%dma_wait3A_31 : memref<125x80xi32, #tpu.memory_space<hbm>>) dst(%arg12 : memref<125x80xi32, #tpu.memory_space<vmem>>)
      tpu.yield
    }) : () -> ()
    %eq3A = arith.constant 0 : i32
    %eq3A_1 = arith.cmpi eq, %arg0, %eq3A : i32
    %convert_element_type3A = arith.extui %eq3A_1 : i1 to i32
    %cond3A = arith.constant 0 : i32
    %cond3A_2 = arith.cmpi ne, %convert_element_type3A, %cond3A : i32
    scf.if %cond3A_2 {
      "tpu.region"() ({
        %run_scoped3A_46 = tpu.sem_alloc : memref<!tpu.dma_semaphore, #tpu.memory_space<semaphore_mem>>
        %dma_start3A_47 = arith.constant 0 : i32
        %dma_start3A_48 = tpu.memref_slice %arg15[%mul3A_0, %dma_start3A_47] : memref<10240x128xf32, #tpu.memory_space<vmem_shared>> -> memref<640x128xf32, #tpu.memory_space<vmem_shared>>
        %dma_start3A_49 = arith.constant 0 : i32
        %dma_start3A_50 = tpu.memref_slice %arg7[%mul3A_0, %dma_start3A_49] : memref<10240x128xf32, #tpu.memory_space<hbm>> -> memref<640x128xf32, #tpu.memory_space<hbm>>
        tpu.enqueue_dma source(%dma_start3A_50 : memref<640x128xf32, #tpu.memory_space<hbm>>) target(%dma_start3A_48 : memref<640x128xf32, #tpu.memory_space<vmem_shared>>) target_semaphore(%run_scoped3A_46 : memref<!tpu.dma_semaphore, #tpu.memory_space<semaphore_mem>>)
        %dma_wait3A_51 = arith.constant 0 : i32
        %dma_wait3A_52 = tpu.memref_slice %arg15[%mul3A_0, %dma_wait3A_51] : memref<10240x128xf32, #tpu.memory_space<vmem_shared>> -> memref<640x128xf32, #tpu.memory_space<vmem_shared>>
        %dma_wait3A_53 = arith.constant 0 : i32
        %dma_wait3A_54 = tpu.memref_slice %arg7[%mul3A_0, %dma_wait3A_53] : memref<10240x128xf32, #tpu.memory_space<hbm>> -> memref<640x128xf32, #tpu.memory_space<hbm>>
        tpu.wait_dma2 semaphore(%run_scoped3A_46 : memref<!tpu.dma_semaphore, #tpu.memory_space<semaphore_mem>>) src(%dma_wait3A_54 : memref<640x128xf32, #tpu.memory_space<hbm>>) dst(%dma_wait3A_52 : memref<640x128xf32, #tpu.memory_space<vmem_shared>>)
        tpu.yield
      }) : () -> ()
      %barrier3A = arith.constant 0 : index
      tpu.barrier barrier_id(%barrier3A)
      %mul3A_18 = arith.constant 10000 : i32
      %mul3A_19 = arith.muli %arg1, %mul3A_18 : i32
      %add3A = arith.constant 0 : i32
      %add3A_20 = arith.addi %mul3A_19, %add3A : i32
      %dma_start3A = arith.constant 0 : i32
      %dma_start3A_21 = tpu.memref_slice %arg2[%add3A_20, %dma_start3A] : memref<160000x128xf32, #tpu.memory_space<hbm>> -> memref<80x128xf32, #tpu.memory_space<hbm>>
      %dma_start3A_22 = arith.constant 0 : i32
      %dma_start3A_23 = tpu.memref_slice %arg2[%add3A_20, %dma_start3A_22] : memref<160000x128xf32, #tpu.memory_space<hbm>> -> memref<80x128xf32, #tpu.memory_space<hbm>>
      tpu.enqueue_dma source(%dma_start3A_23 : memref<80x128xf32, #tpu.memory_space<hbm>>) target(%arg13 : memref<80x128xf32, #tpu.memory_space<vmem>>) target_semaphore(%arg16 : memref<!tpu.dma_semaphore, #tpu.memory_space<semaphore_mem>>)
      %mul3A_24 = arith.constant 10000 : i32
      %mul3A_25 = arith.muli %arg1, %mul3A_24 : i32
      %add3A_26 = arith.constant 80 : i32
      %add3A_27 = arith.addi %mul3A_25, %add3A_26 : i32
      %dma_start3A_28 = arith.constant 0 : i32
      %dma_start3A_29 = tpu.memref_slice %arg2[%add3A_27, %dma_start3A_28] : memref<160000x128xf32, #tpu.memory_space<hbm>> -> memref<80x128xf32, #tpu.memory_space<hbm>>
      %dma_start3A_30 = arith.constant 0 : i32
      %dma_start3A_31 = tpu.memref_slice %arg2[%add3A_27, %dma_start3A_30] : memref<160000x128xf32, #tpu.memory_space<hbm>> -> memref<80x128xf32, #tpu.memory_space<hbm>>
      tpu.enqueue_dma source(%dma_start3A_31 : memref<80x128xf32, #tpu.memory_space<hbm>>) target(%arg14 : memref<80x128xf32, #tpu.memory_space<vmem>>) target_semaphore(%arg17 : memref<!tpu.dma_semaphore, #tpu.memory_space<semaphore_mem>>)
      %scan3A = arith.constant 0 : i32
      %scan3A_32 = arith.constant 0 : i32
      %scan3A_33 = arith.constant 62 : i32
      %scan3A_34 = arith.addi %scan3A_32, %scan3A_33 : i32
      %scan3A_35 = arith.constant 1 : i32
      scf.for %scan3A_46 = %scan3A_32 to %scan3A_34 step %scan3A_35  : i32 {
        %mul3A_47 = arith.constant 2 : i32
        %mul3A_48 = arith.muli %mul3A_47, %scan3A_46 : i32
        %add3A_49 = arith.constant 0 : i32
        %add3A_50 = arith.addi %mul3A_48, %add3A_49 : i32
        %mul3A_51 = arith.constant 10000 : i32
        %mul3A_52 = arith.muli %arg1, %mul3A_51 : i32
        %mul3A_53 = arith.constant 80 : i32
        %mul3A_54 = arith.muli %add3A_50, %mul3A_53 : i32
        %add3A_55 = arith.addi %mul3A_52, %mul3A_54 : i32
        %dma_wait3A_56 = arith.constant 0 : i32
        %dma_wait3A_57 = tpu.memref_slice %arg2[%add3A_55, %dma_wait3A_56] : memref<160000x128xf32, #tpu.memory_space<hbm>> -> memref<80x128xf32, #tpu.memory_space<hbm>>
        %dma_wait3A_58 = arith.constant 0 : i32
        %dma_wait3A_59 = tpu.memref_slice %arg2[%add3A_55, %dma_wait3A_58] : memref<160000x128xf32, #tpu.memory_space<hbm>> -> memref<80x128xf32, #tpu.memory_space<hbm>>
        tpu.wait_dma2 semaphore(%arg16 : memref<!tpu.dma_semaphore, #tpu.memory_space<semaphore_mem>>) src(%dma_wait3A_59 : memref<80x128xf32, #tpu.memory_space<hbm>>) dst(%arg13 : memref<80x128xf32, #tpu.memory_space<vmem>>)
        "tpu.region"() ({
          %run_scoped3A_84 = tpu.sem_alloc : memref<!tpu.dma_semaphore, #tpu.memory_space<semaphore_mem>>
          %dma_start3A_85 = arith.constant 0 : i32
          %dma_start3A_86 = tpu.memref_slice %arg12[%add3A_50, %dma_start3A_85] : memref<125x80xi32, #tpu.memory_space<vmem>> -> memref<1x80xi32, #tpu.memory_space<vmem>>
          %dma_start3A_87 = tpu.memref_squeeze %dma_start3A_86 : memref<1x80xi32, #tpu.memory_space<vmem>> -> memref<80xi32, #tpu.memory_space<vmem>>
          %dma_start3A_88 = arith.constant 0 : i32
          %dma_start3A_89 = arith.constant 0 : i32
          %dma_start3A_90 = tpu.memref_slice %arg15[%dma_start3A_88, %dma_start3A_89] : memref<10240x128xf32, #tpu.memory_space<vmem_shared>> -> memref<10240x128xf32, #tpu.memory_space<vmem_shared>>
          tpu.enqueue_indirect_dma source(%arg13 : memref<80x128xf32, #tpu.memory_space<vmem>>) target(%dma_start3A_90 : memref<10240x128xf32, #tpu.memory_space<vmem_shared>>) offsets(%dma_start3A_87 : memref<80xi32, #tpu.memory_space<vmem>>) semaphore(%run_scoped3A_84 : memref<!tpu.dma_semaphore, #tpu.memory_space<semaphore_mem>>) {add = true}
          %dma_wait3A_91 = arith.constant 0 : i32
          %dma_wait3A_92 = tpu.memref_slice %arg12[%add3A_50, %dma_wait3A_91] : memref<125x80xi32, #tpu.memory_space<vmem>> -> memref<1x80xi32, #tpu.memory_space<vmem>>
          %dma_wait3A_93 = tpu.memref_squeeze %dma_wait3A_92 : memref<1x80xi32, #tpu.memory_space<vmem>> -> memref<80xi32, #tpu.memory_space<vmem>>
          %dma_wait3A_94 = arith.constant 0 : i32
          %dma_wait3A_95 = arith.constant 0 : i32
          %dma_wait3A_96 = tpu.memref_slice %arg15[%dma_wait3A_94, %dma_wait3A_95] : memref<10240x128xf32, #tpu.memory_space<vmem_shared>> -> memref<10240x128xf32, #tpu.memory_space<vmem_shared>>
          tpu.wait_indirect_dma semaphore(%run_scoped3A_84 : memref<!tpu.dma_semaphore, #tpu.memory_space<semaphore_mem>>) src(%arg13 : memref<80x128xf32, #tpu.memory_space<vmem>>) dst(%dma_wait3A_96 : memref<10240x128xf32, #tpu.memory_space<vmem_shared>>)
          tpu.yield
        }) : () -> ()
        %add3A_60 = arith.constant 2 : i32
        %add3A_61 = arith.addi %add3A_50, %add3A_60 : i32
        %lt3A = arith.constant 125 : i32
        %lt3A_62 = arith.cmpi slt, %add3A_61, %lt3A : i32
        %convert_element_type3A_63 = arith.extui %lt3A_62 : i1 to i32
        %cond3A_64 = arith.constant 0 : i32
        %cond3A_65 = arith.cmpi ne, %convert_element_type3A_63, %cond3A_64 : i32
        scf.if %cond3A_65 {
          %add3A_84 = arith.constant 2 : i32
          %add3A_85 = arith.addi %add3A_50, %add3A_84 : i32
          %mul3A_86 = arith.constant 10000 : i32
          %mul3A_87 = arith.muli %arg1, %mul3A_86 : i32
          %mul3A_88 = arith.constant 80 : i32
          %mul3A_89 = arith.muli %add3A_85, %mul3A_88 : i32
          %add3A_90 = arith.addi %mul3A_87, %mul3A_89 : i32
          %dma_start3A_91 = arith.constant 0 : i32
          %dma_start3A_92 = tpu.memref_slice %arg2[%add3A_90, %dma_start3A_91] : memref<160000x128xf32, #tpu.memory_space<hbm>> -> memref<80x128xf32, #tpu.memory_space<hbm>>
          %dma_start3A_93 = arith.constant 0 : i32
          %dma_start3A_94 = tpu.memref_slice %arg2[%add3A_90, %dma_start3A_93] : memref<160000x128xf32, #tpu.memory_space<hbm>> -> memref<80x128xf32, #tpu.memory_space<hbm>>
          tpu.enqueue_dma source(%dma_start3A_94 : memref<80x128xf32, #tpu.memory_space<hbm>>) target(%arg13 : memref<80x128xf32, #tpu.memory_space<vmem>>) target_semaphore(%arg16 : memref<!tpu.dma_semaphore, #tpu.memory_space<semaphore_mem>>)
        } else {
        }
        %add3A_66 = arith.constant 1 : i32
        %add3A_67 = arith.addi %mul3A_48, %add3A_66 : i32
        %mul3A_68 = arith.constant 10000 : i32
        %mul3A_69 = arith.muli %arg1, %mul3A_68 : i32
        %mul3A_70 = arith.constant 80 : i32
        %mul3A_71 = arith.muli %add3A_67, %mul3A_70 : i32
        %add3A_72 = arith.addi %mul3A_69, %mul3A_71 : i32
        %dma_wait3A_73 = arith.constant 0 : i32
        %dma_wait3A_74 = tpu.memref_slice %arg2[%add3A_72, %dma_wait3A_73] : memref<160000x128xf32, #tpu.memory_space<hbm>> -> memref<80x128xf32, #tpu.memory_space<hbm>>
        %dma_wait3A_75 = arith.constant 0 : i32
        %dma_wait3A_76 = tpu.memref_slice %arg2[%add3A_72, %dma_wait3A_75] : memref<160000x128xf32, #tpu.memory_space<hbm>> -> memref<80x128xf32, #tpu.memory_space<hbm>>
        tpu.wait_dma2 semaphore(%arg17 : memref<!tpu.dma_semaphore, #tpu.memory_space<semaphore_mem>>) src(%dma_wait3A_76 : memref<80x128xf32, #tpu.memory_space<hbm>>) dst(%arg14 : memref<80x128xf32, #tpu.memory_space<vmem>>)
        "tpu.region"() ({
          %run_scoped3A_84 = tpu.sem_alloc : memref<!tpu.dma_semaphore, #tpu.memory_space<semaphore_mem>>
          %dma_start3A_85 = arith.constant 0 : i32
          %dma_start3A_86 = tpu.memref_slice %arg12[%add3A_67, %dma_start3A_85] : memref<125x80xi32, #tpu.memory_space<vmem>> -> memref<1x80xi32, #tpu.memory_space<vmem>>
          %dma_start3A_87 = tpu.memref_squeeze %dma_start3A_86 : memref<1x80xi32, #tpu.memory_space<vmem>> -> memref<80xi32, #tpu.memory_space<vmem>>
          %dma_start3A_88 = arith.constant 0 : i32
          %dma_start3A_89 = arith.constant 0 : i32
          %dma_start3A_90 = tpu.memref_slice %arg15[%dma_start3A_88, %dma_start3A_89] : memref<10240x128xf32, #tpu.memory_space<vmem_shared>> -> memref<10240x128xf32, #tpu.memory_space<vmem_shared>>
          tpu.enqueue_indirect_dma source(%arg14 : memref<80x128xf32, #tpu.memory_space<vmem>>) target(%dma_start3A_90 : memref<10240x128xf32, #tpu.memory_space<vmem_shared>>) offsets(%dma_start3A_87 : memref<80xi32, #tpu.memory_space<vmem>>) semaphore(%run_scoped3A_84 : memref<!tpu.dma_semaphore, #tpu.memory_space<semaphore_mem>>) {add = true}
          %dma_wait3A_91 = arith.constant 0 : i32
          %dma_wait3A_92 = tpu.memref_slice %arg12[%add3A_67, %dma_wait3A_91] : memref<125x80xi32, #tpu.memory_space<vmem>> -> memref<1x80xi32, #tpu.memory_space<vmem>>
          %dma_wait3A_93 = tpu.memref_squeeze %dma_wait3A_92 : memref<1x80xi32, #tpu.memory_space<vmem>> -> memref<80xi32, #tpu.memory_space<vmem>>
          %dma_wait3A_94 = arith.constant 0 : i32
          %dma_wait3A_95 = arith.constant 0 : i32
          %dma_wait3A_96 = tpu.memref_slice %arg15[%dma_wait3A_94, %dma_wait3A_95] : memref<10240x128xf32, #tpu.memory_space<vmem_shared>> -> memref<10240x128xf32, #tpu.memory_space<vmem_shared>>
          tpu.wait_indirect_dma semaphore(%run_scoped3A_84 : memref<!tpu.dma_semaphore, #tpu.memory_space<semaphore_mem>>) src(%arg14 : memref<80x128xf32, #tpu.memory_space<vmem>>) dst(%dma_wait3A_96 : memref<10240x128xf32, #tpu.memory_space<vmem_shared>>)
          tpu.yield
        }) : () -> ()
        %add3A_77 = arith.constant 2 : i32
        %add3A_78 = arith.addi %add3A_67, %add3A_77 : i32
        %lt3A_79 = arith.constant 125 : i32
        %lt3A_80 = arith.cmpi slt, %add3A_78, %lt3A_79 : i32
        %convert_element_type3A_81 = arith.extui %lt3A_80 : i1 to i32
        %cond3A_82 = arith.constant 0 : i32
        %cond3A_83 = arith.cmpi ne, %convert_element_type3A_81, %cond3A_82 : i32
        scf.if %cond3A_83 {
          %add3A_84 = arith.constant 2 : i32
          %add3A_85 = arith.addi %add3A_67, %add3A_84 : i32
          %mul3A_86 = arith.constant 10000 : i32
          %mul3A_87 = arith.muli %arg1, %mul3A_86 : i32
          %mul3A_88 = arith.constant 80 : i32
          %mul3A_89 = arith.muli %add3A_85, %mul3A_88 : i32
          %add3A_90 = arith.addi %mul3A_87, %mul3A_89 : i32
          %dma_start3A_91 = arith.constant 0 : i32
          %dma_start3A_92 = tpu.memref_slice %arg2[%add3A_90, %dma_start3A_91] : memref<160000x128xf32, #tpu.memory_space<hbm>> -> memref<80x128xf32, #tpu.memory_space<hbm>>
          %dma_start3A_93 = arith.constant 0 : i32
          %dma_start3A_94 = tpu.memref_slice %arg2[%add3A_90, %dma_start3A_93] : memref<160000x128xf32, #tpu.memory_space<hbm>> -> memref<80x128xf32, #tpu.memory_space<hbm>>
          tpu.enqueue_dma source(%dma_start3A_94 : memref<80x128xf32, #tpu.memory_space<hbm>>) target(%arg14 : memref<80x128xf32, #tpu.memory_space<vmem>>) target_semaphore(%arg17 : memref<!tpu.dma_semaphore, #tpu.memory_space<semaphore_mem>>)
        } else {
        }
      }
      %scan3A_36 = arith.constant 62 : i32
      %mul3A_37 = arith.constant 10000 : i32
      %mul3A_38 = arith.muli %arg1, %mul3A_37 : i32
      %add3A_39 = arith.constant 9920 : i32
      %add3A_40 = arith.addi %mul3A_38, %add3A_39 : i32
      %dma_wait3A = arith.constant 0 : i32
      %dma_wait3A_41 = tpu.memref_slice %arg2[%add3A_40, %dma_wait3A] : memref<160000x128xf32, #tpu.memory_space<hbm>> -> memref<80x128xf32, #tpu.memory_space<hbm>>
      %dma_wait3A_42 = arith.constant 0 : i32
      %dma_wait3A_43 = tpu.memref_slice %arg2[%add3A_40, %dma_wait3A_42] : memref<160000x128xf32, #tpu.memory_space<hbm>> -> memref<80x128xf32, #tpu.memory_space<hbm>>
      tpu.wait_dma2 semaphore(%arg16 : memref<!tpu.dma_semaphore, #tpu.memory_space<semaphore_mem>>) src(%dma_wait3A_43 : memref<80x128xf32, #tpu.memory_space<hbm>>) dst(%arg13 : memref<80x128xf32, #tpu.memory_space<vmem>>)
      %run_scoped3A = arith.constant 124 : i32
      "tpu.region"() ({
        %run_scoped3A_46 = tpu.sem_alloc : memref<!tpu.dma_semaphore, #tpu.memory_space<semaphore_mem>>
        %dma_start3A_47 = arith.constant 0 : i32
        %dma_start3A_48 = tpu.memref_slice %arg12[%run_scoped3A, %dma_start3A_47] : memref<125x80xi32, #tpu.memory_space<vmem>> -> memref<1x80xi32, #tpu.memory_space<vmem>>
        %dma_start3A_49 = tpu.memref_squeeze %dma_start3A_48 : memref<1x80xi32, #tpu.memory_space<vmem>> -> memref<80xi32, #tpu.memory_space<vmem>>
        %dma_start3A_50 = arith.constant 0 : i32
        %dma_start3A_51 = arith.constant 0 : i32
        %dma_start3A_52 = tpu.memref_slice %arg15[%dma_start3A_50, %dma_start3A_51] : memref<10240x128xf32, #tpu.memory_space<vmem_shared>> -> memref<10240x128xf32, #tpu.memory_space<vmem_shared>>
        tpu.enqueue_indirect_dma source(%arg13 : memref<80x128xf32, #tpu.memory_space<vmem>>) target(%dma_start3A_52 : memref<10240x128xf32, #tpu.memory_space<vmem_shared>>) offsets(%dma_start3A_49 : memref<80xi32, #tpu.memory_space<vmem>>) semaphore(%run_scoped3A_46 : memref<!tpu.dma_semaphore, #tpu.memory_space<semaphore_mem>>) {add = true}
        %dma_wait3A_53 = arith.constant 0 : i32
        %dma_wait3A_54 = tpu.memref_slice %arg12[%run_scoped3A, %dma_wait3A_53] : memref<125x80xi32, #tpu.memory_space<vmem>> -> memref<1x80xi32, #tpu.memory_space<vmem>>
        %dma_wait3A_55 = tpu.memref_squeeze %dma_wait3A_54 : memref<1x80xi32, #tpu.memory_space<vmem>> -> memref<80xi32, #tpu.memory_space<vmem>>
        %dma_wait3A_56 = arith.constant 0 : i32
        %dma_wait3A_57 = arith.constant 0 : i32
        %dma_wait3A_58 = tpu.memref_slice %arg15[%dma_wait3A_56, %dma_wait3A_57] : memref<10240x128xf32, #tpu.memory_space<vmem_shared>> -> memref<10240x128xf32, #tpu.memory_space<vmem_shared>>
        tpu.wait_indirect_dma semaphore(%run_scoped3A_46 : memref<!tpu.dma_semaphore, #tpu.memory_space<semaphore_mem>>) src(%arg13 : memref<80x128xf32, #tpu.memory_space<vmem>>) dst(%dma_wait3A_58 : memref<10240x128xf32, #tpu.memory_space<vmem_shared>>)
        tpu.yield
      }) : () -> ()
      %barrier3A_44 = arith.constant 0 : index
      tpu.barrier barrier_id(%barrier3A_44)
      "tpu.region"() ({
        %run_scoped3A_46 = tpu.sem_alloc : memref<!tpu.dma_semaphore, #tpu.memory_space<semaphore_mem>>
        %dma_start3A_47 = arith.constant 0 : i32
        %dma_start3A_48 = tpu.memref_slice %arg8[%mul3A_0, %dma_start3A_47] : memref<10240x128xf32, #tpu.memory_space<hbm>> -> memref<640x128xf32, #tpu.memory_space<hbm>>
        %dma_start3A_49 = arith.constant 0 : i32
        %dma_start3A_50 = tpu.memref_slice %arg15[%mul3A_0, %dma_start3A_49] : memref<10240x128xf32, #tpu.memory_space<vmem_shared>> -> memref<640x128xf32, #tpu.memory_space<vmem_shared>>
        tpu.enqueue_dma source(%dma_start3A_50 : memref<640x128xf32, #tpu.memory_space<vmem_shared>>) target(%dma_start3A_48 : memref<640x128xf32, #tpu.memory_space<hbm>>) target_semaphore(%run_scoped3A_46 : memref<!tpu.dma_semaphore, #tpu.memory_space<semaphore_mem>>)
        %dma_wait3A_51 = arith.constant 0 : i32
        %dma_wait3A_52 = tpu.memref_slice %arg8[%mul3A_0, %dma_wait3A_51] : memref<10240x128xf32, #tpu.memory_space<hbm>> -> memref<640x128xf32, #tpu.memory_space<hbm>>
        %dma_wait3A_53 = arith.constant 0 : i32
        %dma_wait3A_54 = tpu.memref_slice %arg15[%mul3A_0, %dma_wait3A_53] : memref<10240x128xf32, #tpu.memory_space<vmem_shared>> -> memref<640x128xf32, #tpu.memory_space<vmem_shared>>
        tpu.wait_dma2 semaphore(%run_scoped3A_46 : memref<!tpu.dma_semaphore, #tpu.memory_space<semaphore_mem>>) src(%dma_wait3A_54 : memref<640x128xf32, #tpu.memory_space<vmem_shared>>) dst(%dma_wait3A_52 : memref<640x128xf32, #tpu.memory_space<hbm>>)
        tpu.yield
      }) : () -> ()
      %barrier3A_45 = arith.constant 0 : index
      tpu.barrier barrier_id(%barrier3A_45)
    } else {
    }
    %eq3A_3 = arith.constant 0 : i32
    %eq3A_4 = arith.cmpi eq, %arg0, %eq3A_3 : i32
    %convert_element_type3A_5 = arith.extui %eq3A_4 : i1 to i32
    %cond3A_6 = arith.constant 0 : i32
    %cond3A_7 = arith.cmpi ne, %convert_element_type3A_5, %cond3A_6 : i32
    scf.if %cond3A_7 {
      "tpu.region"() ({
        %run_scoped3A_46 = tpu.sem_alloc : memref<!tpu.dma_semaphore, #tpu.memory_space<semaphore_mem>>
        %dma_start3A_47 = arith.constant 0 : i32
        %dma_start3A_48 = tpu.memref_slice %arg15[%mul3A_0, %dma_start3A_47] : memref<10240x128xf32, #tpu.memory_space<vmem_shared>> -> memref<640x128xf32, #tpu.memory_space<vmem_shared>>
        %dma_start3A_49 = arith.constant 0 : i32
        %dma_start3A_50 = tpu.memref_slice %arg7[%mul3A_0, %dma_start3A_49] : memref<10240x128xf32, #tpu.memory_space<hbm>> -> memref<640x128xf32, #tpu.memory_space<hbm>>
        tpu.enqueue_dma source(%dma_start3A_50 : memref<640x128xf32, #tpu.memory_space<hbm>>) target(%dma_start3A_48 : memref<640x128xf32, #tpu.memory_space<vmem_shared>>) target_semaphore(%run_scoped3A_46 : memref<!tpu.dma_semaphore, #tpu.memory_space<semaphore_mem>>)
        %dma_wait3A_51 = arith.constant 0 : i32
        %dma_wait3A_52 = tpu.memref_slice %arg15[%mul3A_0, %dma_wait3A_51] : memref<10240x128xf32, #tpu.memory_space<vmem_shared>> -> memref<640x128xf32, #tpu.memory_space<vmem_shared>>
        %dma_wait3A_53 = arith.constant 0 : i32
        %dma_wait3A_54 = tpu.memref_slice %arg7[%mul3A_0, %dma_wait3A_53] : memref<10240x128xf32, #tpu.memory_space<hbm>> -> memref<640x128xf32, #tpu.memory_space<hbm>>
        tpu.wait_dma2 semaphore(%run_scoped3A_46 : memref<!tpu.dma_semaphore, #tpu.memory_space<semaphore_mem>>) src(%dma_wait3A_54 : memref<640x128xf32, #tpu.memory_space<hbm>>) dst(%dma_wait3A_52 : memref<640x128xf32, #tpu.memory_space<vmem_shared>>)
        tpu.yield
      }) : () -> ()
      %barrier3A = arith.constant 0 : index
      tpu.barrier barrier_id(%barrier3A)
      %mul3A_18 = arith.constant 10000 : i32
      %mul3A_19 = arith.muli %arg1, %mul3A_18 : i32
      %add3A = arith.constant 0 : i32
      %add3A_20 = arith.addi %mul3A_19, %add3A : i32
      %dma_start3A = arith.constant 0 : i32
      %dma_start3A_21 = tpu.memref_slice %arg3[%add3A_20, %dma_start3A] : memref<160000x128xf32, #tpu.memory_space<hbm>> -> memref<80x128xf32, #tpu.memory_space<hbm>>
      %dma_start3A_22 = arith.constant 0 : i32
      %dma_start3A_23 = tpu.memref_slice %arg3[%add3A_20, %dma_start3A_22] : memref<160000x128xf32, #tpu.memory_space<hbm>> -> memref<80x128xf32, #tpu.memory_space<hbm>>
      tpu.enqueue_dma source(%dma_start3A_23 : memref<80x128xf32, #tpu.memory_space<hbm>>) target(%arg13 : memref<80x128xf32, #tpu.memory_space<vmem>>) target_semaphore(%arg16 : memref<!tpu.dma_semaphore, #tpu.memory_space<semaphore_mem>>)
      %mul3A_24 = arith.constant 10000 : i32
      %mul3A_25 = arith.muli %arg1, %mul3A_24 : i32
      %add3A_26 = arith.constant 80 : i32
      %add3A_27 = arith.addi %mul3A_25, %add3A_26 : i32
      %dma_start3A_28 = arith.constant 0 : i32
      %dma_start3A_29 = tpu.memref_slice %arg3[%add3A_27, %dma_start3A_28] : memref<160000x128xf32, #tpu.memory_space<hbm>> -> memref<80x128xf32, #tpu.memory_space<hbm>>
      %dma_start3A_30 = arith.constant 0 : i32
      %dma_start3A_31 = tpu.memref_slice %arg3[%add3A_27, %dma_start3A_30] : memref<160000x128xf32, #tpu.memory_space<hbm>> -> memref<80x128xf32, #tpu.memory_space<hbm>>
      tpu.enqueue_dma source(%dma_start3A_31 : memref<80x128xf32, #tpu.memory_space<hbm>>) target(%arg14 : memref<80x128xf32, #tpu.memory_space<vmem>>) target_semaphore(%arg17 : memref<!tpu.dma_semaphore, #tpu.memory_space<semaphore_mem>>)
      %scan3A = arith.constant 0 : i32
      %scan3A_32 = arith.constant 0 : i32
      %scan3A_33 = arith.constant 62 : i32
      %scan3A_34 = arith.addi %scan3A_32, %scan3A_33 : i32
      %scan3A_35 = arith.constant 1 : i32
      scf.for %scan3A_46 = %scan3A_32 to %scan3A_34 step %scan3A_35  : i32 {
        %mul3A_47 = arith.constant 2 : i32
        %mul3A_48 = arith.muli %mul3A_47, %scan3A_46 : i32
        %add3A_49 = arith.constant 0 : i32
        %add3A_50 = arith.addi %mul3A_48, %add3A_49 : i32
        %mul3A_51 = arith.constant 10000 : i32
        %mul3A_52 = arith.muli %arg1, %mul3A_51 : i32
        %mul3A_53 = arith.constant 80 : i32
        %mul3A_54 = arith.muli %add3A_50, %mul3A_53 : i32
        %add3A_55 = arith.addi %mul3A_52, %mul3A_54 : i32
        %dma_wait3A_56 = arith.constant 0 : i32
        %dma_wait3A_57 = tpu.memref_slice %arg3[%add3A_55, %dma_wait3A_56] : memref<160000x128xf32, #tpu.memory_space<hbm>> -> memref<80x128xf32, #tpu.memory_space<hbm>>
        %dma_wait3A_58 = arith.constant 0 : i32
        %dma_wait3A_59 = tpu.memref_slice %arg3[%add3A_55, %dma_wait3A_58] : memref<160000x128xf32, #tpu.memory_space<hbm>> -> memref<80x128xf32, #tpu.memory_space<hbm>>
        tpu.wait_dma2 semaphore(%arg16 : memref<!tpu.dma_semaphore, #tpu.memory_space<semaphore_mem>>) src(%dma_wait3A_59 : memref<80x128xf32, #tpu.memory_space<hbm>>) dst(%arg13 : memref<80x128xf32, #tpu.memory_space<vmem>>)
        "tpu.region"() ({
          %run_scoped3A_84 = tpu.sem_alloc : memref<!tpu.dma_semaphore, #tpu.memory_space<semaphore_mem>>
          %dma_start3A_85 = arith.constant 0 : i32
          %dma_start3A_86 = tpu.memref_slice %arg12[%add3A_50, %dma_start3A_85] : memref<125x80xi32, #tpu.memory_space<vmem>> -> memref<1x80xi32, #tpu.memory_space<vmem>>
          %dma_start3A_87 = tpu.memref_squeeze %dma_start3A_86 : memref<1x80xi32, #tpu.memory_space<vmem>> -> memref<80xi32, #tpu.memory_space<vmem>>
          %dma_start3A_88 = arith.constant 0 : i32
          %dma_start3A_89 = arith.constant 0 : i32
          %dma_start3A_90 = tpu.memref_slice %arg15[%dma_start3A_88, %dma_start3A_89] : memref<10240x128xf32, #tpu.memory_space<vmem_shared>> -> memref<10240x128xf32, #tpu.memory_space<vmem_shared>>
          tpu.enqueue_indirect_dma source(%arg13 : memref<80x128xf32, #tpu.memory_space<vmem>>) target(%dma_start3A_90 : memref<10240x128xf32, #tpu.memory_space<vmem_shared>>) offsets(%dma_start3A_87 : memref<80xi32, #tpu.memory_space<vmem>>) semaphore(%run_scoped3A_84 : memref<!tpu.dma_semaphore, #tpu.memory_space<semaphore_mem>>) {add = true}
          %dma_wait3A_91 = arith.constant 0 : i32
          %dma_wait3A_92 = tpu.memref_slice %arg12[%add3A_50, %dma_wait3A_91] : memref<125x80xi32, #tpu.memory_space<vmem>> -> memref<1x80xi32, #tpu.memory_space<vmem>>
          %dma_wait3A_93 = tpu.memref_squeeze %dma_wait3A_92 : memref<1x80xi32, #tpu.memory_space<vmem>> -> memref<80xi32, #tpu.memory_space<vmem>>
          %dma_wait3A_94 = arith.constant 0 : i32
          %dma_wait3A_95 = arith.constant 0 : i32
          %dma_wait3A_96 = tpu.memref_slice %arg15[%dma_wait3A_94, %dma_wait3A_95] : memref<10240x128xf32, #tpu.memory_space<vmem_shared>> -> memref<10240x128xf32, #tpu.memory_space<vmem_shared>>
          tpu.wait_indirect_dma semaphore(%run_scoped3A_84 : memref<!tpu.dma_semaphore, #tpu.memory_space<semaphore_mem>>) src(%arg13 : memref<80x128xf32, #tpu.memory_space<vmem>>) dst(%dma_wait3A_96 : memref<10240x128xf32, #tpu.memory_space<vmem_shared>>)
          tpu.yield
        }) : () -> ()
        %add3A_60 = arith.constant 2 : i32
        %add3A_61 = arith.addi %add3A_50, %add3A_60 : i32
        %lt3A = arith.constant 125 : i32
        %lt3A_62 = arith.cmpi slt, %add3A_61, %lt3A : i32
        %convert_element_type3A_63 = arith.extui %lt3A_62 : i1 to i32
        %cond3A_64 = arith.constant 0 : i32
        %cond3A_65 = arith.cmpi ne, %convert_element_type3A_63, %cond3A_64 : i32
        scf.if %cond3A_65 {
          %add3A_84 = arith.constant 2 : i32
          %add3A_85 = arith.addi %add3A_50, %add3A_84 : i32
          %mul3A_86 = arith.constant 10000 : i32
          %mul3A_87 = arith.muli %arg1, %mul3A_86 : i32
          %mul3A_88 = arith.constant 80 : i32
          %mul3A_89 = arith.muli %add3A_85, %mul3A_88 : i32
          %add3A_90 = arith.addi %mul3A_87, %mul3A_89 : i32
          %dma_start3A_91 = arith.constant 0 : i32
          %dma_start3A_92 = tpu.memref_slice %arg3[%add3A_90, %dma_start3A_91] : memref<160000x128xf32, #tpu.memory_space<hbm>> -> memref<80x128xf32, #tpu.memory_space<hbm>>
          %dma_start3A_93 = arith.constant 0 : i32
          %dma_start3A_94 = tpu.memref_slice %arg3[%add3A_90, %dma_start3A_93] : memref<160000x128xf32, #tpu.memory_space<hbm>> -> memref<80x128xf32, #tpu.memory_space<hbm>>
          tpu.enqueue_dma source(%dma_start3A_94 : memref<80x128xf32, #tpu.memory_space<hbm>>) target(%arg13 : memref<80x128xf32, #tpu.memory_space<vmem>>) target_semaphore(%arg16 : memref<!tpu.dma_semaphore, #tpu.memory_space<semaphore_mem>>)
        } else {
        }
        %add3A_66 = arith.constant 1 : i32
        %add3A_67 = arith.addi %mul3A_48, %add3A_66 : i32
        %mul3A_68 = arith.constant 10000 : i32
        %mul3A_69 = arith.muli %arg1, %mul3A_68 : i32
        %mul3A_70 = arith.constant 80 : i32
        %mul3A_71 = arith.muli %add3A_67, %mul3A_70 : i32
        %add3A_72 = arith.addi %mul3A_69, %mul3A_71 : i32
        %dma_wait3A_73 = arith.constant 0 : i32
        %dma_wait3A_74 = tpu.memref_slice %arg3[%add3A_72, %dma_wait3A_73] : memref<160000x128xf32, #tpu.memory_space<hbm>> -> memref<80x128xf32, #tpu.memory_space<hbm>>
        %dma_wait3A_75 = arith.constant 0 : i32
        %dma_wait3A_76 = tpu.memref_slice %arg3[%add3A_72, %dma_wait3A_75] : memref<160000x128xf32, #tpu.memory_space<hbm>> -> memref<80x128xf32, #tpu.memory_space<hbm>>
        tpu.wait_dma2 semaphore(%arg17 : memref<!tpu.dma_semaphore, #tpu.memory_space<semaphore_mem>>) src(%dma_wait3A_76 : memref<80x128xf32, #tpu.memory_space<hbm>>) dst(%arg14 : memref<80x128xf32, #tpu.memory_space<vmem>>)
        "tpu.region"() ({
          %run_scoped3A_84 = tpu.sem_alloc : memref<!tpu.dma_semaphore, #tpu.memory_space<semaphore_mem>>
          %dma_start3A_85 = arith.constant 0 : i32
          %dma_start3A_86 = tpu.memref_slice %arg12[%add3A_67, %dma_start3A_85] : memref<125x80xi32, #tpu.memory_space<vmem>> -> memref<1x80xi32, #tpu.memory_space<vmem>>
          %dma_start3A_87 = tpu.memref_squeeze %dma_start3A_86 : memref<1x80xi32, #tpu.memory_space<vmem>> -> memref<80xi32, #tpu.memory_space<vmem>>
          %dma_start3A_88 = arith.constant 0 : i32
          %dma_start3A_89 = arith.constant 0 : i32
          %dma_start3A_90 = tpu.memref_slice %arg15[%dma_start3A_88, %dma_start3A_89] : memref<10240x128xf32, #tpu.memory_space<vmem_shared>> -> memref<10240x128xf32, #tpu.memory_space<vmem_shared>>
          tpu.enqueue_indirect_dma source(%arg14 : memref<80x128xf32, #tpu.memory_space<vmem>>) target(%dma_start3A_90 : memref<10240x128xf32, #tpu.memory_space<vmem_shared>>) offsets(%dma_start3A_87 : memref<80xi32, #tpu.memory_space<vmem>>) semaphore(%run_scoped3A_84 : memref<!tpu.dma_semaphore, #tpu.memory_space<semaphore_mem>>) {add = true}
          %dma_wait3A_91 = arith.constant 0 : i32
          %dma_wait3A_92 = tpu.memref_slice %arg12[%add3A_67, %dma_wait3A_91] : memref<125x80xi32, #tpu.memory_space<vmem>> -> memref<1x80xi32, #tpu.memory_space<vmem>>
          %dma_wait3A_93 = tpu.memref_squeeze %dma_wait3A_92 : memref<1x80xi32, #tpu.memory_space<vmem>> -> memref<80xi32, #tpu.memory_space<vmem>>
          %dma_wait3A_94 = arith.constant 0 : i32
          %dma_wait3A_95 = arith.constant 0 : i32
          %dma_wait3A_96 = tpu.memref_slice %arg15[%dma_wait3A_94, %dma_wait3A_95] : memref<10240x128xf32, #tpu.memory_space<vmem_shared>> -> memref<10240x128xf32, #tpu.memory_space<vmem_shared>>
          tpu.wait_indirect_dma semaphore(%run_scoped3A_84 : memref<!tpu.dma_semaphore, #tpu.memory_space<semaphore_mem>>) src(%arg14 : memref<80x128xf32, #tpu.memory_space<vmem>>) dst(%dma_wait3A_96 : memref<10240x128xf32, #tpu.memory_space<vmem_shared>>)
          tpu.yield
        }) : () -> ()
        %add3A_77 = arith.constant 2 : i32
        %add3A_78 = arith.addi %add3A_67, %add3A_77 : i32
        %lt3A_79 = arith.constant 125 : i32
        %lt3A_80 = arith.cmpi slt, %add3A_78, %lt3A_79 : i32
        %convert_element_type3A_81 = arith.extui %lt3A_80 : i1 to i32
        %cond3A_82 = arith.constant 0 : i32
        %cond3A_83 = arith.cmpi ne, %convert_element_type3A_81, %cond3A_82 : i32
        scf.if %cond3A_83 {
          %add3A_84 = arith.constant 2 : i32
          %add3A_85 = arith.addi %add3A_67, %add3A_84 : i32
          %mul3A_86 = arith.constant 10000 : i32
          %mul3A_87 = arith.muli %arg1, %mul3A_86 : i32
          %mul3A_88 = arith.constant 80 : i32
          %mul3A_89 = arith.muli %add3A_85, %mul3A_88 : i32
          %add3A_90 = arith.addi %mul3A_87, %mul3A_89 : i32
          %dma_start3A_91 = arith.constant 0 : i32
          %dma_start3A_92 = tpu.memref_slice %arg3[%add3A_90, %dma_start3A_91] : memref<160000x128xf32, #tpu.memory_space<hbm>> -> memref<80x128xf32, #tpu.memory_space<hbm>>
          %dma_start3A_93 = arith.constant 0 : i32
          %dma_start3A_94 = tpu.memref_slice %arg3[%add3A_90, %dma_start3A_93] : memref<160000x128xf32, #tpu.memory_space<hbm>> -> memref<80x128xf32, #tpu.memory_space<hbm>>
          tpu.enqueue_dma source(%dma_start3A_94 : memref<80x128xf32, #tpu.memory_space<hbm>>) target(%arg14 : memref<80x128xf32, #tpu.memory_space<vmem>>) target_semaphore(%arg17 : memref<!tpu.dma_semaphore, #tpu.memory_space<semaphore_mem>>)
        } else {
        }
      }
      %scan3A_36 = arith.constant 62 : i32
      %mul3A_37 = arith.constant 10000 : i32
      %mul3A_38 = arith.muli %arg1, %mul3A_37 : i32
      %add3A_39 = arith.constant 9920 : i32
      %add3A_40 = arith.addi %mul3A_38, %add3A_39 : i32
      %dma_wait3A = arith.constant 0 : i32
      %dma_wait3A_41 = tpu.memref_slice %arg3[%add3A_40, %dma_wait3A] : memref<160000x128xf32, #tpu.memory_space<hbm>> -> memref<80x128xf32, #tpu.memory_space<hbm>>
      %dma_wait3A_42 = arith.constant 0 : i32
      %dma_wait3A_43 = tpu.memref_slice %arg3[%add3A_40, %dma_wait3A_42] : memref<160000x128xf32, #tpu.memory_space<hbm>> -> memref<80x128xf32, #tpu.memory_space<hbm>>
      tpu.wait_dma2 semaphore(%arg16 : memref<!tpu.dma_semaphore, #tpu.memory_space<semaphore_mem>>) src(%dma_wait3A_43 : memref<80x128xf32, #tpu.memory_space<hbm>>) dst(%arg13 : memref<80x128xf32, #tpu.memory_space<vmem>>)
      %run_scoped3A = arith.constant 124 : i32
      "tpu.region"() ({
        %run_scoped3A_46 = tpu.sem_alloc : memref<!tpu.dma_semaphore, #tpu.memory_space<semaphore_mem>>
        %dma_start3A_47 = arith.constant 0 : i32
        %dma_start3A_48 = tpu.memref_slice %arg12[%run_scoped3A, %dma_start3A_47] : memref<125x80xi32, #tpu.memory_space<vmem>> -> memref<1x80xi32, #tpu.memory_space<vmem>>
        %dma_start3A_49 = tpu.memref_squeeze %dma_start3A_48 : memref<1x80xi32, #tpu.memory_space<vmem>> -> memref<80xi32, #tpu.memory_space<vmem>>
        %dma_start3A_50 = arith.constant 0 : i32
        %dma_start3A_51 = arith.constant 0 : i32
        %dma_start3A_52 = tpu.memref_slice %arg15[%dma_start3A_50, %dma_start3A_51] : memref<10240x128xf32, #tpu.memory_space<vmem_shared>> -> memref<10240x128xf32, #tpu.memory_space<vmem_shared>>
        tpu.enqueue_indirect_dma source(%arg13 : memref<80x128xf32, #tpu.memory_space<vmem>>) target(%dma_start3A_52 : memref<10240x128xf32, #tpu.memory_space<vmem_shared>>) offsets(%dma_start3A_49 : memref<80xi32, #tpu.memory_space<vmem>>) semaphore(%run_scoped3A_46 : memref<!tpu.dma_semaphore, #tpu.memory_space<semaphore_mem>>) {add = true}
        %dma_wait3A_53 = arith.constant 0 : i32
        %dma_wait3A_54 = tpu.memref_slice %arg12[%run_scoped3A, %dma_wait3A_53] : memref<125x80xi32, #tpu.memory_space<vmem>> -> memref<1x80xi32, #tpu.memory_space<vmem>>
        %dma_wait3A_55 = tpu.memref_squeeze %dma_wait3A_54 : memref<1x80xi32, #tpu.memory_space<vmem>> -> memref<80xi32, #tpu.memory_space<vmem>>
        %dma_wait3A_56 = arith.constant 0 : i32
        %dma_wait3A_57 = arith.constant 0 : i32
        %dma_wait3A_58 = tpu.memref_slice %arg15[%dma_wait3A_56, %dma_wait3A_57] : memref<10240x128xf32, #tpu.memory_space<vmem_shared>> -> memref<10240x128xf32, #tpu.memory_space<vmem_shared>>
        tpu.wait_indirect_dma semaphore(%run_scoped3A_46 : memref<!tpu.dma_semaphore, #tpu.memory_space<semaphore_mem>>) src(%arg13 : memref<80x128xf32, #tpu.memory_space<vmem>>) dst(%dma_wait3A_58 : memref<10240x128xf32, #tpu.memory_space<vmem_shared>>)
        tpu.yield
      }) : () -> ()
      %barrier3A_44 = arith.constant 0 : index
      tpu.barrier barrier_id(%barrier3A_44)
      "tpu.region"() ({
        %run_scoped3A_46 = tpu.sem_alloc : memref<!tpu.dma_semaphore, #tpu.memory_space<semaphore_mem>>
        %dma_start3A_47 = arith.constant 0 : i32
        %dma_start3A_48 = tpu.memref_slice %arg9[%mul3A_0, %dma_start3A_47] : memref<10240x128xf32, #tpu.memory_space<hbm>> -> memref<640x128xf32, #tpu.memory_space<hbm>>
        %dma_start3A_49 = arith.constant 0 : i32
        %dma_start3A_50 = tpu.memref_slice %arg15[%mul3A_0, %dma_start3A_49] : memref<10240x128xf32, #tpu.memory_space<vmem_shared>> -> memref<640x128xf32, #tpu.memory_space<vmem_shared>>
        tpu.enqueue_dma source(%dma_start3A_50 : memref<640x128xf32, #tpu.memory_space<vmem_shared>>) target(%dma_start3A_48 : memref<640x128xf32, #tpu.memory_space<hbm>>) target_semaphore(%run_scoped3A_46 : memref<!tpu.dma_semaphore, #tpu.memory_space<semaphore_mem>>)
        %dma_wait3A_51 = arith.constant 0 : i32
        %dma_wait3A_52 = tpu.memref_slice %arg9[%mul3A_0, %dma_wait3A_51] : memref<10240x128xf32, #tpu.memory_space<hbm>> -> memref<640x128xf32, #tpu.memory_space<hbm>>
        %dma_wait3A_53 = arith.constant 0 : i32
        %dma_wait3A_54 = tpu.memref_slice %arg15[%mul3A_0, %dma_wait3A_53] : memref<10240x128xf32, #tpu.memory_space<vmem_shared>> -> memref<640x128xf32, #tpu.memory_space<vmem_shared>>
        tpu.wait_dma2 semaphore(%run_scoped3A_46 : memref<!tpu.dma_semaphore, #tpu.memory_space<semaphore_mem>>) src(%dma_wait3A_54 : memref<640x128xf32, #tpu.memory_space<vmem_shared>>) dst(%dma_wait3A_52 : memref<640x128xf32, #tpu.memory_space<hbm>>)
        tpu.yield
      }) : () -> ()
      %barrier3A_45 = arith.constant 0 : index
      tpu.barrier barrier_id(%barrier3A_45)
    } else {
    }
    %eq3A_8 = arith.constant 1 : i32
    %eq3A_9 = arith.cmpi eq, %arg0, %eq3A_8 : i32
    %convert_element_type3A_10 = arith.extui %eq3A_9 : i1 to i32
    %cond3A_11 = arith.constant 0 : i32
    %cond3A_12 = arith.cmpi ne, %convert_element_type3A_10, %cond3A_11 : i32
    scf.if %cond3A_12 {
      "tpu.region"() ({
        %run_scoped3A_46 = tpu.sem_alloc : memref<!tpu.dma_semaphore, #tpu.memory_space<semaphore_mem>>
        %dma_start3A_47 = arith.constant 0 : i32
        %dma_start3A_48 = tpu.memref_slice %arg15[%mul3A_0, %dma_start3A_47] : memref<10240x128xf32, #tpu.memory_space<vmem_shared>> -> memref<640x128xf32, #tpu.memory_space<vmem_shared>>
        %dma_start3A_49 = arith.constant 0 : i32
        %dma_start3A_50 = tpu.memref_slice %arg7[%mul3A_0, %dma_start3A_49] : memref<10240x128xf32, #tpu.memory_space<hbm>> -> memref<640x128xf32, #tpu.memory_space<hbm>>
        tpu.enqueue_dma source(%dma_start3A_50 : memref<640x128xf32, #tpu.memory_space<hbm>>) target(%dma_start3A_48 : memref<640x128xf32, #tpu.memory_space<vmem_shared>>) target_semaphore(%run_scoped3A_46 : memref<!tpu.dma_semaphore, #tpu.memory_space<semaphore_mem>>)
        %dma_wait3A_51 = arith.constant 0 : i32
        %dma_wait3A_52 = tpu.memref_slice %arg15[%mul3A_0, %dma_wait3A_51] : memref<10240x128xf32, #tpu.memory_space<vmem_shared>> -> memref<640x128xf32, #tpu.memory_space<vmem_shared>>
        %dma_wait3A_53 = arith.constant 0 : i32
        %dma_wait3A_54 = tpu.memref_slice %arg7[%mul3A_0, %dma_wait3A_53] : memref<10240x128xf32, #tpu.memory_space<hbm>> -> memref<640x128xf32, #tpu.memory_space<hbm>>
        tpu.wait_dma2 semaphore(%run_scoped3A_46 : memref<!tpu.dma_semaphore, #tpu.memory_space<semaphore_mem>>) src(%dma_wait3A_54 : memref<640x128xf32, #tpu.memory_space<hbm>>) dst(%dma_wait3A_52 : memref<640x128xf32, #tpu.memory_space<vmem_shared>>)
        tpu.yield
      }) : () -> ()
      %barrier3A = arith.constant 0 : index
      tpu.barrier barrier_id(%barrier3A)
      %mul3A_18 = arith.constant 10000 : i32
      %mul3A_19 = arith.muli %arg1, %mul3A_18 : i32
      %add3A = arith.constant 0 : i32
      %add3A_20 = arith.addi %mul3A_19, %add3A : i32
      %dma_start3A = arith.constant 0 : i32
      %dma_start3A_21 = tpu.memref_slice %arg4[%add3A_20, %dma_start3A] : memref<160000x128xf32, #tpu.memory_space<hbm>> -> memref<80x128xf32, #tpu.memory_space<hbm>>
      %dma_start3A_22 = arith.constant 0 : i32
      %dma_start3A_23 = tpu.memref_slice %arg4[%add3A_20, %dma_start3A_22] : memref<160000x128xf32, #tpu.memory_space<hbm>> -> memref<80x128xf32, #tpu.memory_space<hbm>>
      tpu.enqueue_dma source(%dma_start3A_23 : memref<80x128xf32, #tpu.memory_space<hbm>>) target(%arg13 : memref<80x128xf32, #tpu.memory_space<vmem>>) target_semaphore(%arg16 : memref<!tpu.dma_semaphore, #tpu.memory_space<semaphore_mem>>)
      %mul3A_24 = arith.constant 10000 : i32
      %mul3A_25 = arith.muli %arg1, %mul3A_24 : i32
      %add3A_26 = arith.constant 80 : i32
      %add3A_27 = arith.addi %mul3A_25, %add3A_26 : i32
      %dma_start3A_28 = arith.constant 0 : i32
      %dma_start3A_29 = tpu.memref_slice %arg4[%add3A_27, %dma_start3A_28] : memref<160000x128xf32, #tpu.memory_space<hbm>> -> memref<80x128xf32, #tpu.memory_space<hbm>>
      %dma_start3A_30 = arith.constant 0 : i32
      %dma_start3A_31 = tpu.memref_slice %arg4[%add3A_27, %dma_start3A_30] : memref<160000x128xf32, #tpu.memory_space<hbm>> -> memref<80x128xf32, #tpu.memory_space<hbm>>
      tpu.enqueue_dma source(%dma_start3A_31 : memref<80x128xf32, #tpu.memory_space<hbm>>) target(%arg14 : memref<80x128xf32, #tpu.memory_space<vmem>>) target_semaphore(%arg17 : memref<!tpu.dma_semaphore, #tpu.memory_space<semaphore_mem>>)
      %scan3A = arith.constant 0 : i32
      %scan3A_32 = arith.constant 0 : i32
      %scan3A_33 = arith.constant 62 : i32
      %scan3A_34 = arith.addi %scan3A_32, %scan3A_33 : i32
      %scan3A_35 = arith.constant 1 : i32
      scf.for %scan3A_46 = %scan3A_32 to %scan3A_34 step %scan3A_35  : i32 {
        %mul3A_47 = arith.constant 2 : i32
        %mul3A_48 = arith.muli %mul3A_47, %scan3A_46 : i32
        %add3A_49 = arith.constant 0 : i32
        %add3A_50 = arith.addi %mul3A_48, %add3A_49 : i32
        %mul3A_51 = arith.constant 10000 : i32
        %mul3A_52 = arith.muli %arg1, %mul3A_51 : i32
        %mul3A_53 = arith.constant 80 : i32
        %mul3A_54 = arith.muli %add3A_50, %mul3A_53 : i32
        %add3A_55 = arith.addi %mul3A_52, %mul3A_54 : i32
        %dma_wait3A_56 = arith.constant 0 : i32
        %dma_wait3A_57 = tpu.memref_slice %arg4[%add3A_55, %dma_wait3A_56] : memref<160000x128xf32, #tpu.memory_space<hbm>> -> memref<80x128xf32, #tpu.memory_space<hbm>>
        %dma_wait3A_58 = arith.constant 0 : i32
        %dma_wait3A_59 = tpu.memref_slice %arg4[%add3A_55, %dma_wait3A_58] : memref<160000x128xf32, #tpu.memory_space<hbm>> -> memref<80x128xf32, #tpu.memory_space<hbm>>
        tpu.wait_dma2 semaphore(%arg16 : memref<!tpu.dma_semaphore, #tpu.memory_space<semaphore_mem>>) src(%dma_wait3A_59 : memref<80x128xf32, #tpu.memory_space<hbm>>) dst(%arg13 : memref<80x128xf32, #tpu.memory_space<vmem>>)
        "tpu.region"() ({
          %run_scoped3A_84 = tpu.sem_alloc : memref<!tpu.dma_semaphore, #tpu.memory_space<semaphore_mem>>
          %dma_start3A_85 = arith.constant 0 : i32
          %dma_start3A_86 = tpu.memref_slice %arg12[%add3A_50, %dma_start3A_85] : memref<125x80xi32, #tpu.memory_space<vmem>> -> memref<1x80xi32, #tpu.memory_space<vmem>>
          %dma_start3A_87 = tpu.memref_squeeze %dma_start3A_86 : memref<1x80xi32, #tpu.memory_space<vmem>> -> memref<80xi32, #tpu.memory_space<vmem>>
          %dma_start3A_88 = arith.constant 0 : i32
          %dma_start3A_89 = arith.constant 0 : i32
          %dma_start3A_90 = tpu.memref_slice %arg15[%dma_start3A_88, %dma_start3A_89] : memref<10240x128xf32, #tpu.memory_space<vmem_shared>> -> memref<10240x128xf32, #tpu.memory_space<vmem_shared>>
          tpu.enqueue_indirect_dma source(%arg13 : memref<80x128xf32, #tpu.memory_space<vmem>>) target(%dma_start3A_90 : memref<10240x128xf32, #tpu.memory_space<vmem_shared>>) offsets(%dma_start3A_87 : memref<80xi32, #tpu.memory_space<vmem>>) semaphore(%run_scoped3A_84 : memref<!tpu.dma_semaphore, #tpu.memory_space<semaphore_mem>>) {add = true}
          %dma_wait3A_91 = arith.constant 0 : i32
          %dma_wait3A_92 = tpu.memref_slice %arg12[%add3A_50, %dma_wait3A_91] : memref<125x80xi32, #tpu.memory_space<vmem>> -> memref<1x80xi32, #tpu.memory_space<vmem>>
          %dma_wait3A_93 = tpu.memref_squeeze %dma_wait3A_92 : memref<1x80xi32, #tpu.memory_space<vmem>> -> memref<80xi32, #tpu.memory_space<vmem>>
          %dma_wait3A_94 = arith.constant 0 : i32
          %dma_wait3A_95 = arith.constant 0 : i32
          %dma_wait3A_96 = tpu.memref_slice %arg15[%dma_wait3A_94, %dma_wait3A_95] : memref<10240x128xf32, #tpu.memory_space<vmem_shared>> -> memref<10240x128xf32, #tpu.memory_space<vmem_shared>>
          tpu.wait_indirect_dma semaphore(%run_scoped3A_84 : memref<!tpu.dma_semaphore, #tpu.memory_space<semaphore_mem>>) src(%arg13 : memref<80x128xf32, #tpu.memory_space<vmem>>) dst(%dma_wait3A_96 : memref<10240x128xf32, #tpu.memory_space<vmem_shared>>)
          tpu.yield
        }) : () -> ()
        %add3A_60 = arith.constant 2 : i32
        %add3A_61 = arith.addi %add3A_50, %add3A_60 : i32
        %lt3A = arith.constant 125 : i32
        %lt3A_62 = arith.cmpi slt, %add3A_61, %lt3A : i32
        %convert_element_type3A_63 = arith.extui %lt3A_62 : i1 to i32
        %cond3A_64 = arith.constant 0 : i32
        %cond3A_65 = arith.cmpi ne, %convert_element_type3A_63, %cond3A_64 : i32
        scf.if %cond3A_65 {
          %add3A_84 = arith.constant 2 : i32
          %add3A_85 = arith.addi %add3A_50, %add3A_84 : i32
          %mul3A_86 = arith.constant 10000 : i32
          %mul3A_87 = arith.muli %arg1, %mul3A_86 : i32
          %mul3A_88 = arith.constant 80 : i32
          %mul3A_89 = arith.muli %add3A_85, %mul3A_88 : i32
          %add3A_90 = arith.addi %mul3A_87, %mul3A_89 : i32
          %dma_start3A_91 = arith.constant 0 : i32
          %dma_start3A_92 = tpu.memref_slice %arg4[%add3A_90, %dma_start3A_91] : memref<160000x128xf32, #tpu.memory_space<hbm>> -> memref<80x128xf32, #tpu.memory_space<hbm>>
          %dma_start3A_93 = arith.constant 0 : i32
          %dma_start3A_94 = tpu.memref_slice %arg4[%add3A_90, %dma_start3A_93] : memref<160000x128xf32, #tpu.memory_space<hbm>> -> memref<80x128xf32, #tpu.memory_space<hbm>>
          tpu.enqueue_dma source(%dma_start3A_94 : memref<80x128xf32, #tpu.memory_space<hbm>>) target(%arg13 : memref<80x128xf32, #tpu.memory_space<vmem>>) target_semaphore(%arg16 : memref<!tpu.dma_semaphore, #tpu.memory_space<semaphore_mem>>)
        } else {
        }
        %add3A_66 = arith.constant 1 : i32
        %add3A_67 = arith.addi %mul3A_48, %add3A_66 : i32
        %mul3A_68 = arith.constant 10000 : i32
        %mul3A_69 = arith.muli %arg1, %mul3A_68 : i32
        %mul3A_70 = arith.constant 80 : i32
        %mul3A_71 = arith.muli %add3A_67, %mul3A_70 : i32
        %add3A_72 = arith.addi %mul3A_69, %mul3A_71 : i32
        %dma_wait3A_73 = arith.constant 0 : i32
        %dma_wait3A_74 = tpu.memref_slice %arg4[%add3A_72, %dma_wait3A_73] : memref<160000x128xf32, #tpu.memory_space<hbm>> -> memref<80x128xf32, #tpu.memory_space<hbm>>
        %dma_wait3A_75 = arith.constant 0 : i32
        %dma_wait3A_76 = tpu.memref_slice %arg4[%add3A_72, %dma_wait3A_75] : memref<160000x128xf32, #tpu.memory_space<hbm>> -> memref<80x128xf32, #tpu.memory_space<hbm>>
        tpu.wait_dma2 semaphore(%arg17 : memref<!tpu.dma_semaphore, #tpu.memory_space<semaphore_mem>>) src(%dma_wait3A_76 : memref<80x128xf32, #tpu.memory_space<hbm>>) dst(%arg14 : memref<80x128xf32, #tpu.memory_space<vmem>>)
        "tpu.region"() ({
          %run_scoped3A_84 = tpu.sem_alloc : memref<!tpu.dma_semaphore, #tpu.memory_space<semaphore_mem>>
          %dma_start3A_85 = arith.constant 0 : i32
          %dma_start3A_86 = tpu.memref_slice %arg12[%add3A_67, %dma_start3A_85] : memref<125x80xi32, #tpu.memory_space<vmem>> -> memref<1x80xi32, #tpu.memory_space<vmem>>
          %dma_start3A_87 = tpu.memref_squeeze %dma_start3A_86 : memref<1x80xi32, #tpu.memory_space<vmem>> -> memref<80xi32, #tpu.memory_space<vmem>>
          %dma_start3A_88 = arith.constant 0 : i32
          %dma_start3A_89 = arith.constant 0 : i32
          %dma_start3A_90 = tpu.memref_slice %arg15[%dma_start3A_88, %dma_start3A_89] : memref<10240x128xf32, #tpu.memory_space<vmem_shared>> -> memref<10240x128xf32, #tpu.memory_space<vmem_shared>>
          tpu.enqueue_indirect_dma source(%arg14 : memref<80x128xf32, #tpu.memory_space<vmem>>) target(%dma_start3A_90 : memref<10240x128xf32, #tpu.memory_space<vmem_shared>>) offsets(%dma_start3A_87 : memref<80xi32, #tpu.memory_space<vmem>>) semaphore(%run_scoped3A_84 : memref<!tpu.dma_semaphore, #tpu.memory_space<semaphore_mem>>) {add = true}
          %dma_wait3A_91 = arith.constant 0 : i32
          %dma_wait3A_92 = tpu.memref_slice %arg12[%add3A_67, %dma_wait3A_91] : memref<125x80xi32, #tpu.memory_space<vmem>> -> memref<1x80xi32, #tpu.memory_space<vmem>>
          %dma_wait3A_93 = tpu.memref_squeeze %dma_wait3A_92 : memref<1x80xi32, #tpu.memory_space<vmem>> -> memref<80xi32, #tpu.memory_space<vmem>>
          %dma_wait3A_94 = arith.constant 0 : i32
          %dma_wait3A_95 = arith.constant 0 : i32
          %dma_wait3A_96 = tpu.memref_slice %arg15[%dma_wait3A_94, %dma_wait3A_95] : memref<10240x128xf32, #tpu.memory_space<vmem_shared>> -> memref<10240x128xf32, #tpu.memory_space<vmem_shared>>
          tpu.wait_indirect_dma semaphore(%run_scoped3A_84 : memref<!tpu.dma_semaphore, #tpu.memory_space<semaphore_mem>>) src(%arg14 : memref<80x128xf32, #tpu.memory_space<vmem>>) dst(%dma_wait3A_96 : memref<10240x128xf32, #tpu.memory_space<vmem_shared>>)
          tpu.yield
        }) : () -> ()
        %add3A_77 = arith.constant 2 : i32
        %add3A_78 = arith.addi %add3A_67, %add3A_77 : i32
        %lt3A_79 = arith.constant 125 : i32
        %lt3A_80 = arith.cmpi slt, %add3A_78, %lt3A_79 : i32
        %convert_element_type3A_81 = arith.extui %lt3A_80 : i1 to i32
        %cond3A_82 = arith.constant 0 : i32
        %cond3A_83 = arith.cmpi ne, %convert_element_type3A_81, %cond3A_82 : i32
        scf.if %cond3A_83 {
          %add3A_84 = arith.constant 2 : i32
          %add3A_85 = arith.addi %add3A_67, %add3A_84 : i32
          %mul3A_86 = arith.constant 10000 : i32
          %mul3A_87 = arith.muli %arg1, %mul3A_86 : i32
          %mul3A_88 = arith.constant 80 : i32
          %mul3A_89 = arith.muli %add3A_85, %mul3A_88 : i32
          %add3A_90 = arith.addi %mul3A_87, %mul3A_89 : i32
          %dma_start3A_91 = arith.constant 0 : i32
          %dma_start3A_92 = tpu.memref_slice %arg4[%add3A_90, %dma_start3A_91] : memref<160000x128xf32, #tpu.memory_space<hbm>> -> memref<80x128xf32, #tpu.memory_space<hbm>>
          %dma_start3A_93 = arith.constant 0 : i32
          %dma_start3A_94 = tpu.memref_slice %arg4[%add3A_90, %dma_start3A_93] : memref<160000x128xf32, #tpu.memory_space<hbm>> -> memref<80x128xf32, #tpu.memory_space<hbm>>
          tpu.enqueue_dma source(%dma_start3A_94 : memref<80x128xf32, #tpu.memory_space<hbm>>) target(%arg14 : memref<80x128xf32, #tpu.memory_space<vmem>>) target_semaphore(%arg17 : memref<!tpu.dma_semaphore, #tpu.memory_space<semaphore_mem>>)
        } else {
        }
      }
      %scan3A_36 = arith.constant 62 : i32
      %mul3A_37 = arith.constant 10000 : i32
      %mul3A_38 = arith.muli %arg1, %mul3A_37 : i32
      %add3A_39 = arith.constant 9920 : i32
      %add3A_40 = arith.addi %mul3A_38, %add3A_39 : i32
      %dma_wait3A = arith.constant 0 : i32
      %dma_wait3A_41 = tpu.memref_slice %arg4[%add3A_40, %dma_wait3A] : memref<160000x128xf32, #tpu.memory_space<hbm>> -> memref<80x128xf32, #tpu.memory_space<hbm>>
      %dma_wait3A_42 = arith.constant 0 : i32
      %dma_wait3A_43 = tpu.memref_slice %arg4[%add3A_40, %dma_wait3A_42] : memref<160000x128xf32, #tpu.memory_space<hbm>> -> memref<80x128xf32, #tpu.memory_space<hbm>>
      tpu.wait_dma2 semaphore(%arg16 : memref<!tpu.dma_semaphore, #tpu.memory_space<semaphore_mem>>) src(%dma_wait3A_43 : memref<80x128xf32, #tpu.memory_space<hbm>>) dst(%arg13 : memref<80x128xf32, #tpu.memory_space<vmem>>)
      %run_scoped3A = arith.constant 124 : i32
      "tpu.region"() ({
        %run_scoped3A_46 = tpu.sem_alloc : memref<!tpu.dma_semaphore, #tpu.memory_space<semaphore_mem>>
        %dma_start3A_47 = arith.constant 0 : i32
        %dma_start3A_48 = tpu.memref_slice %arg12[%run_scoped3A, %dma_start3A_47] : memref<125x80xi32, #tpu.memory_space<vmem>> -> memref<1x80xi32, #tpu.memory_space<vmem>>
        %dma_start3A_49 = tpu.memref_squeeze %dma_start3A_48 : memref<1x80xi32, #tpu.memory_space<vmem>> -> memref<80xi32, #tpu.memory_space<vmem>>
        %dma_start3A_50 = arith.constant 0 : i32
        %dma_start3A_51 = arith.constant 0 : i32
        %dma_start3A_52 = tpu.memref_slice %arg15[%dma_start3A_50, %dma_start3A_51] : memref<10240x128xf32, #tpu.memory_space<vmem_shared>> -> memref<10240x128xf32, #tpu.memory_space<vmem_shared>>
        tpu.enqueue_indirect_dma source(%arg13 : memref<80x128xf32, #tpu.memory_space<vmem>>) target(%dma_start3A_52 : memref<10240x128xf32, #tpu.memory_space<vmem_shared>>) offsets(%dma_start3A_49 : memref<80xi32, #tpu.memory_space<vmem>>) semaphore(%run_scoped3A_46 : memref<!tpu.dma_semaphore, #tpu.memory_space<semaphore_mem>>) {add = true}
        %dma_wait3A_53 = arith.constant 0 : i32
        %dma_wait3A_54 = tpu.memref_slice %arg12[%run_scoped3A, %dma_wait3A_53] : memref<125x80xi32, #tpu.memory_space<vmem>> -> memref<1x80xi32, #tpu.memory_space<vmem>>
        %dma_wait3A_55 = tpu.memref_squeeze %dma_wait3A_54 : memref<1x80xi32, #tpu.memory_space<vmem>> -> memref<80xi32, #tpu.memory_space<vmem>>
        %dma_wait3A_56 = arith.constant 0 : i32
        %dma_wait3A_57 = arith.constant 0 : i32
        %dma_wait3A_58 = tpu.memref_slice %arg15[%dma_wait3A_56, %dma_wait3A_57] : memref<10240x128xf32, #tpu.memory_space<vmem_shared>> -> memref<10240x128xf32, #tpu.memory_space<vmem_shared>>
        tpu.wait_indirect_dma semaphore(%run_scoped3A_46 : memref<!tpu.dma_semaphore, #tpu.memory_space<semaphore_mem>>) src(%arg13 : memref<80x128xf32, #tpu.memory_space<vmem>>) dst(%dma_wait3A_58 : memref<10240x128xf32, #tpu.memory_space<vmem_shared>>)
        tpu.yield
      }) : () -> ()
      %barrier3A_44 = arith.constant 0 : index
      tpu.barrier barrier_id(%barrier3A_44)
      "tpu.region"() ({
        %run_scoped3A_46 = tpu.sem_alloc : memref<!tpu.dma_semaphore, #tpu.memory_space<semaphore_mem>>
        %dma_start3A_47 = arith.constant 0 : i32
        %dma_start3A_48 = tpu.memref_slice %arg10[%mul3A_0, %dma_start3A_47] : memref<10240x128xf32, #tpu.memory_space<hbm>> -> memref<640x128xf32, #tpu.memory_space<hbm>>
        %dma_start3A_49 = arith.constant 0 : i32
        %dma_start3A_50 = tpu.memref_slice %arg15[%mul3A_0, %dma_start3A_49] : memref<10240x128xf32, #tpu.memory_space<vmem_shared>> -> memref<640x128xf32, #tpu.memory_space<vmem_shared>>
        tpu.enqueue_dma source(%dma_start3A_50 : memref<640x128xf32, #tpu.memory_space<vmem_shared>>) target(%dma_start3A_48 : memref<640x128xf32, #tpu.memory_space<hbm>>) target_semaphore(%run_scoped3A_46 : memref<!tpu.dma_semaphore, #tpu.memory_space<semaphore_mem>>)
        %dma_wait3A_51 = arith.constant 0 : i32
        %dma_wait3A_52 = tpu.memref_slice %arg10[%mul3A_0, %dma_wait3A_51] : memref<10240x128xf32, #tpu.memory_space<hbm>> -> memref<640x128xf32, #tpu.memory_space<hbm>>
        %dma_wait3A_53 = arith.constant 0 : i32
        %dma_wait3A_54 = tpu.memref_slice %arg15[%mul3A_0, %dma_wait3A_53] : memref<10240x128xf32, #tpu.memory_space<vmem_shared>> -> memref<640x128xf32, #tpu.memory_space<vmem_shared>>
        tpu.wait_dma2 semaphore(%run_scoped3A_46 : memref<!tpu.dma_semaphore, #tpu.memory_space<semaphore_mem>>) src(%dma_wait3A_54 : memref<640x128xf32, #tpu.memory_space<vmem_shared>>) dst(%dma_wait3A_52 : memref<640x128xf32, #tpu.memory_space<hbm>>)
        tpu.yield
      }) : () -> ()
      %barrier3A_45 = arith.constant 0 : index
      tpu.barrier barrier_id(%barrier3A_45)
    } else {
    }
    %eq3A_13 = arith.constant 1 : i32
    %eq3A_14 = arith.cmpi eq, %arg0, %eq3A_13 : i32
    %convert_element_type3A_15 = arith.extui %eq3A_14 : i1 to i32
    %cond3A_16 = arith.constant 0 : i32
    %cond3A_17 = arith.cmpi ne, %convert_element_type3A_15, %cond3A_16 : i32
    scf.if %cond3A_17 {
      "tpu.region"() ({
        %run_scoped3A_46 = tpu.sem_alloc : memref<!tpu.dma_semaphore, #tpu.memory_space<semaphore_mem>>
        %dma_start3A_47 = arith.constant 0 : i32
        %dma_start3A_48 = tpu.memref_slice %arg15[%mul3A_0, %dma_start3A_47] : memref<10240x128xf32, #tpu.memory_space<vmem_shared>> -> memref<640x128xf32, #tpu.memory_space<vmem_shared>>
        %dma_start3A_49 = arith.constant 0 : i32
        %dma_start3A_50 = tpu.memref_slice %arg7[%mul3A_0, %dma_start3A_49] : memref<10240x128xf32, #tpu.memory_space<hbm>> -> memref<640x128xf32, #tpu.memory_space<hbm>>
        tpu.enqueue_dma source(%dma_start3A_50 : memref<640x128xf32, #tpu.memory_space<hbm>>) target(%dma_start3A_48 : memref<640x128xf32, #tpu.memory_space<vmem_shared>>) target_semaphore(%run_scoped3A_46 : memref<!tpu.dma_semaphore, #tpu.memory_space<semaphore_mem>>)
        %dma_wait3A_51 = arith.constant 0 : i32
        %dma_wait3A_52 = tpu.memref_slice %arg15[%mul3A_0, %dma_wait3A_51] : memref<10240x128xf32, #tpu.memory_space<vmem_shared>> -> memref<640x128xf32, #tpu.memory_space<vmem_shared>>
        %dma_wait3A_53 = arith.constant 0 : i32
        %dma_wait3A_54 = tpu.memref_slice %arg7[%mul3A_0, %dma_wait3A_53] : memref<10240x128xf32, #tpu.memory_space<hbm>> -> memref<640x128xf32, #tpu.memory_space<hbm>>
        tpu.wait_dma2 semaphore(%run_scoped3A_46 : memref<!tpu.dma_semaphore, #tpu.memory_space<semaphore_mem>>) src(%dma_wait3A_54 : memref<640x128xf32, #tpu.memory_space<hbm>>) dst(%dma_wait3A_52 : memref<640x128xf32, #tpu.memory_space<vmem_shared>>)
        tpu.yield
      }) : () -> ()
      %barrier3A = arith.constant 0 : index
      tpu.barrier barrier_id(%barrier3A)
      %mul3A_18 = arith.constant 10000 : i32
      %mul3A_19 = arith.muli %arg1, %mul3A_18 : i32
      %add3A = arith.constant 0 : i32
      %add3A_20 = arith.addi %mul3A_19, %add3A : i32
      %dma_start3A = arith.constant 0 : i32
      %dma_start3A_21 = tpu.memref_slice %arg5[%add3A_20, %dma_start3A] : memref<160000x128xf32, #tpu.memory_space<hbm>> -> memref<80x128xf32, #tpu.memory_space<hbm>>
      %dma_start3A_22 = arith.constant 0 : i32
      %dma_start3A_23 = tpu.memref_slice %arg5[%add3A_20, %dma_start3A_22] : memref<160000x128xf32, #tpu.memory_space<hbm>> -> memref<80x128xf32, #tpu.memory_space<hbm>>
      tpu.enqueue_dma source(%dma_start3A_23 : memref<80x128xf32, #tpu.memory_space<hbm>>) target(%arg13 : memref<80x128xf32, #tpu.memory_space<vmem>>) target_semaphore(%arg16 : memref<!tpu.dma_semaphore, #tpu.memory_space<semaphore_mem>>)
      %mul3A_24 = arith.constant 10000 : i32
      %mul3A_25 = arith.muli %arg1, %mul3A_24 : i32
      %add3A_26 = arith.constant 80 : i32
      %add3A_27 = arith.addi %mul3A_25, %add3A_26 : i32
      %dma_start3A_28 = arith.constant 0 : i32
      %dma_start3A_29 = tpu.memref_slice %arg5[%add3A_27, %dma_start3A_28] : memref<160000x128xf32, #tpu.memory_space<hbm>> -> memref<80x128xf32, #tpu.memory_space<hbm>>
      %dma_start3A_30 = arith.constant 0 : i32
      %dma_start3A_31 = tpu.memref_slice %arg5[%add3A_27, %dma_start3A_30] : memref<160000x128xf32, #tpu.memory_space<hbm>> -> memref<80x128xf32, #tpu.memory_space<hbm>>
      tpu.enqueue_dma source(%dma_start3A_31 : memref<80x128xf32, #tpu.memory_space<hbm>>) target(%arg14 : memref<80x128xf32, #tpu.memory_space<vmem>>) target_semaphore(%arg17 : memref<!tpu.dma_semaphore, #tpu.memory_space<semaphore_mem>>)
      %scan3A = arith.constant 0 : i32
      %scan3A_32 = arith.constant 0 : i32
      %scan3A_33 = arith.constant 62 : i32
      %scan3A_34 = arith.addi %scan3A_32, %scan3A_33 : i32
      %scan3A_35 = arith.constant 1 : i32
      scf.for %scan3A_46 = %scan3A_32 to %scan3A_34 step %scan3A_35  : i32 {
        %mul3A_47 = arith.constant 2 : i32
        %mul3A_48 = arith.muli %mul3A_47, %scan3A_46 : i32
        %add3A_49 = arith.constant 0 : i32
        %add3A_50 = arith.addi %mul3A_48, %add3A_49 : i32
        %mul3A_51 = arith.constant 10000 : i32
        %mul3A_52 = arith.muli %arg1, %mul3A_51 : i32
        %mul3A_53 = arith.constant 80 : i32
        %mul3A_54 = arith.muli %add3A_50, %mul3A_53 : i32
        %add3A_55 = arith.addi %mul3A_52, %mul3A_54 : i32
        %dma_wait3A_56 = arith.constant 0 : i32
        %dma_wait3A_57 = tpu.memref_slice %arg5[%add3A_55, %dma_wait3A_56] : memref<160000x128xf32, #tpu.memory_space<hbm>> -> memref<80x128xf32, #tpu.memory_space<hbm>>
        %dma_wait3A_58 = arith.constant 0 : i32
        %dma_wait3A_59 = tpu.memref_slice %arg5[%add3A_55, %dma_wait3A_58] : memref<160000x128xf32, #tpu.memory_space<hbm>> -> memref<80x128xf32, #tpu.memory_space<hbm>>
        tpu.wait_dma2 semaphore(%arg16 : memref<!tpu.dma_semaphore, #tpu.memory_space<semaphore_mem>>) src(%dma_wait3A_59 : memref<80x128xf32, #tpu.memory_space<hbm>>) dst(%arg13 : memref<80x128xf32, #tpu.memory_space<vmem>>)
        "tpu.region"() ({
          %run_scoped3A_84 = tpu.sem_alloc : memref<!tpu.dma_semaphore, #tpu.memory_space<semaphore_mem>>
          %dma_start3A_85 = arith.constant 0 : i32
          %dma_start3A_86 = tpu.memref_slice %arg12[%add3A_50, %dma_start3A_85] : memref<125x80xi32, #tpu.memory_space<vmem>> -> memref<1x80xi32, #tpu.memory_space<vmem>>
          %dma_start3A_87 = tpu.memref_squeeze %dma_start3A_86 : memref<1x80xi32, #tpu.memory_space<vmem>> -> memref<80xi32, #tpu.memory_space<vmem>>
          %dma_start3A_88 = arith.constant 0 : i32
          %dma_start3A_89 = arith.constant 0 : i32
          %dma_start3A_90 = tpu.memref_slice %arg15[%dma_start3A_88, %dma_start3A_89] : memref<10240x128xf32, #tpu.memory_space<vmem_shared>> -> memref<10240x128xf32, #tpu.memory_space<vmem_shared>>
          tpu.enqueue_indirect_dma source(%arg13 : memref<80x128xf32, #tpu.memory_space<vmem>>) target(%dma_start3A_90 : memref<10240x128xf32, #tpu.memory_space<vmem_shared>>) offsets(%dma_start3A_87 : memref<80xi32, #tpu.memory_space<vmem>>) semaphore(%run_scoped3A_84 : memref<!tpu.dma_semaphore, #tpu.memory_space<semaphore_mem>>) {add = true}
          %dma_wait3A_91 = arith.constant 0 : i32
          %dma_wait3A_92 = tpu.memref_slice %arg12[%add3A_50, %dma_wait3A_91] : memref<125x80xi32, #tpu.memory_space<vmem>> -> memref<1x80xi32, #tpu.memory_space<vmem>>
          %dma_wait3A_93 = tpu.memref_squeeze %dma_wait3A_92 : memref<1x80xi32, #tpu.memory_space<vmem>> -> memref<80xi32, #tpu.memory_space<vmem>>
          %dma_wait3A_94 = arith.constant 0 : i32
          %dma_wait3A_95 = arith.constant 0 : i32
          %dma_wait3A_96 = tpu.memref_slice %arg15[%dma_wait3A_94, %dma_wait3A_95] : memref<10240x128xf32, #tpu.memory_space<vmem_shared>> -> memref<10240x128xf32, #tpu.memory_space<vmem_shared>>
          tpu.wait_indirect_dma semaphore(%run_scoped3A_84 : memref<!tpu.dma_semaphore, #tpu.memory_space<semaphore_mem>>) src(%arg13 : memref<80x128xf32, #tpu.memory_space<vmem>>) dst(%dma_wait3A_96 : memref<10240x128xf32, #tpu.memory_space<vmem_shared>>)
          tpu.yield
        }) : () -> ()
        %add3A_60 = arith.constant 2 : i32
        %add3A_61 = arith.addi %add3A_50, %add3A_60 : i32
        %lt3A = arith.constant 125 : i32
        %lt3A_62 = arith.cmpi slt, %add3A_61, %lt3A : i32
        %convert_element_type3A_63 = arith.extui %lt3A_62 : i1 to i32
        %cond3A_64 = arith.constant 0 : i32
        %cond3A_65 = arith.cmpi ne, %convert_element_type3A_63, %cond3A_64 : i32
        scf.if %cond3A_65 {
          %add3A_84 = arith.constant 2 : i32
          %add3A_85 = arith.addi %add3A_50, %add3A_84 : i32
          %mul3A_86 = arith.constant 10000 : i32
          %mul3A_87 = arith.muli %arg1, %mul3A_86 : i32
          %mul3A_88 = arith.constant 80 : i32
          %mul3A_89 = arith.muli %add3A_85, %mul3A_88 : i32
          %add3A_90 = arith.addi %mul3A_87, %mul3A_89 : i32
          %dma_start3A_91 = arith.constant 0 : i32
          %dma_start3A_92 = tpu.memref_slice %arg5[%add3A_90, %dma_start3A_91] : memref<160000x128xf32, #tpu.memory_space<hbm>> -> memref<80x128xf32, #tpu.memory_space<hbm>>
          %dma_start3A_93 = arith.constant 0 : i32
          %dma_start3A_94 = tpu.memref_slice %arg5[%add3A_90, %dma_start3A_93] : memref<160000x128xf32, #tpu.memory_space<hbm>> -> memref<80x128xf32, #tpu.memory_space<hbm>>
          tpu.enqueue_dma source(%dma_start3A_94 : memref<80x128xf32, #tpu.memory_space<hbm>>) target(%arg13 : memref<80x128xf32, #tpu.memory_space<vmem>>) target_semaphore(%arg16 : memref<!tpu.dma_semaphore, #tpu.memory_space<semaphore_mem>>)
        } else {
        }
        %add3A_66 = arith.constant 1 : i32
        %add3A_67 = arith.addi %mul3A_48, %add3A_66 : i32
        %mul3A_68 = arith.constant 10000 : i32
        %mul3A_69 = arith.muli %arg1, %mul3A_68 : i32
        %mul3A_70 = arith.constant 80 : i32
        %mul3A_71 = arith.muli %add3A_67, %mul3A_70 : i32
        %add3A_72 = arith.addi %mul3A_69, %mul3A_71 : i32
        %dma_wait3A_73 = arith.constant 0 : i32
        %dma_wait3A_74 = tpu.memref_slice %arg5[%add3A_72, %dma_wait3A_73] : memref<160000x128xf32, #tpu.memory_space<hbm>> -> memref<80x128xf32, #tpu.memory_space<hbm>>
        %dma_wait3A_75 = arith.constant 0 : i32
        %dma_wait3A_76 = tpu.memref_slice %arg5[%add3A_72, %dma_wait3A_75] : memref<160000x128xf32, #tpu.memory_space<hbm>> -> memref<80x128xf32, #tpu.memory_space<hbm>>
        tpu.wait_dma2 semaphore(%arg17 : memref<!tpu.dma_semaphore, #tpu.memory_space<semaphore_mem>>) src(%dma_wait3A_76 : memref<80x128xf32, #tpu.memory_space<hbm>>) dst(%arg14 : memref<80x128xf32, #tpu.memory_space<vmem>>)
        "tpu.region"() ({
          %run_scoped3A_84 = tpu.sem_alloc : memref<!tpu.dma_semaphore, #tpu.memory_space<semaphore_mem>>
          %dma_start3A_85 = arith.constant 0 : i32
          %dma_start3A_86 = tpu.memref_slice %arg12[%add3A_67, %dma_start3A_85] : memref<125x80xi32, #tpu.memory_space<vmem>> -> memref<1x80xi32, #tpu.memory_space<vmem>>
          %dma_start3A_87 = tpu.memref_squeeze %dma_start3A_86 : memref<1x80xi32, #tpu.memory_space<vmem>> -> memref<80xi32, #tpu.memory_space<vmem>>
          %dma_start3A_88 = arith.constant 0 : i32
          %dma_start3A_89 = arith.constant 0 : i32
          %dma_start3A_90 = tpu.memref_slice %arg15[%dma_start3A_88, %dma_start3A_89] : memref<10240x128xf32, #tpu.memory_space<vmem_shared>> -> memref<10240x128xf32, #tpu.memory_space<vmem_shared>>
          tpu.enqueue_indirect_dma source(%arg14 : memref<80x128xf32, #tpu.memory_space<vmem>>) target(%dma_start3A_90 : memref<10240x128xf32, #tpu.memory_space<vmem_shared>>) offsets(%dma_start3A_87 : memref<80xi32, #tpu.memory_space<vmem>>) semaphore(%run_scoped3A_84 : memref<!tpu.dma_semaphore, #tpu.memory_space<semaphore_mem>>) {add = true}
          %dma_wait3A_91 = arith.constant 0 : i32
          %dma_wait3A_92 = tpu.memref_slice %arg12[%add3A_67, %dma_wait3A_91] : memref<125x80xi32, #tpu.memory_space<vmem>> -> memref<1x80xi32, #tpu.memory_space<vmem>>
          %dma_wait3A_93 = tpu.memref_squeeze %dma_wait3A_92 : memref<1x80xi32, #tpu.memory_space<vmem>> -> memref<80xi32, #tpu.memory_space<vmem>>
          %dma_wait3A_94 = arith.constant 0 : i32
          %dma_wait3A_95 = arith.constant 0 : i32
          %dma_wait3A_96 = tpu.memref_slice %arg15[%dma_wait3A_94, %dma_wait3A_95] : memref<10240x128xf32, #tpu.memory_space<vmem_shared>> -> memref<10240x128xf32, #tpu.memory_space<vmem_shared>>
          tpu.wait_indirect_dma semaphore(%run_scoped3A_84 : memref<!tpu.dma_semaphore, #tpu.memory_space<semaphore_mem>>) src(%arg14 : memref<80x128xf32, #tpu.memory_space<vmem>>) dst(%dma_wait3A_96 : memref<10240x128xf32, #tpu.memory_space<vmem_shared>>)
          tpu.yield
        }) : () -> ()
        %add3A_77 = arith.constant 2 : i32
        %add3A_78 = arith.addi %add3A_67, %add3A_77 : i32
        %lt3A_79 = arith.constant 125 : i32
        %lt3A_80 = arith.cmpi slt, %add3A_78, %lt3A_79 : i32
        %convert_element_type3A_81 = arith.extui %lt3A_80 : i1 to i32
        %cond3A_82 = arith.constant 0 : i32
        %cond3A_83 = arith.cmpi ne, %convert_element_type3A_81, %cond3A_82 : i32
        scf.if %cond3A_83 {
          %add3A_84 = arith.constant 2 : i32
          %add3A_85 = arith.addi %add3A_67, %add3A_84 : i32
          %mul3A_86 = arith.constant 10000 : i32
          %mul3A_87 = arith.muli %arg1, %mul3A_86 : i32
          %mul3A_88 = arith.constant 80 : i32
          %mul3A_89 = arith.muli %add3A_85, %mul3A_88 : i32
          %add3A_90 = arith.addi %mul3A_87, %mul3A_89 : i32
          %dma_start3A_91 = arith.constant 0 : i32
          %dma_start3A_92 = tpu.memref_slice %arg5[%add3A_90, %dma_start3A_91] : memref<160000x128xf32, #tpu.memory_space<hbm>> -> memref<80x128xf32, #tpu.memory_space<hbm>>
          %dma_start3A_93 = arith.constant 0 : i32
          %dma_start3A_94 = tpu.memref_slice %arg5[%add3A_90, %dma_start3A_93] : memref<160000x128xf32, #tpu.memory_space<hbm>> -> memref<80x128xf32, #tpu.memory_space<hbm>>
          tpu.enqueue_dma source(%dma_start3A_94 : memref<80x128xf32, #tpu.memory_space<hbm>>) target(%arg14 : memref<80x128xf32, #tpu.memory_space<vmem>>) target_semaphore(%arg17 : memref<!tpu.dma_semaphore, #tpu.memory_space<semaphore_mem>>)
        } else {
        }
      }
      %scan3A_36 = arith.constant 62 : i32
      %mul3A_37 = arith.constant 10000 : i32
      %mul3A_38 = arith.muli %arg1, %mul3A_37 : i32
      %add3A_39 = arith.constant 9920 : i32
      %add3A_40 = arith.addi %mul3A_38, %add3A_39 : i32
      %dma_wait3A = arith.constant 0 : i32
      %dma_wait3A_41 = tpu.memref_slice %arg5[%add3A_40, %dma_wait3A] : memref<160000x128xf32, #tpu.memory_space<hbm>> -> memref<80x128xf32, #tpu.memory_space<hbm>>
      %dma_wait3A_42 = arith.constant 0 : i32
      %dma_wait3A_43 = tpu.memref_slice %arg5[%add3A_40, %dma_wait3A_42] : memref<160000x128xf32, #tpu.memory_space<hbm>> -> memref<80x128xf32, #tpu.memory_space<hbm>>
      tpu.wait_dma2 semaphore(%arg16 : memref<!tpu.dma_semaphore, #tpu.memory_space<semaphore_mem>>) src(%dma_wait3A_43 : memref<80x128xf32, #tpu.memory_space<hbm>>) dst(%arg13 : memref<80x128xf32, #tpu.memory_space<vmem>>)
      %run_scoped3A = arith.constant 124 : i32
      "tpu.region"() ({
        %run_scoped3A_46 = tpu.sem_alloc : memref<!tpu.dma_semaphore, #tpu.memory_space<semaphore_mem>>
        %dma_start3A_47 = arith.constant 0 : i32
        %dma_start3A_48 = tpu.memref_slice %arg12[%run_scoped3A, %dma_start3A_47] : memref<125x80xi32, #tpu.memory_space<vmem>> -> memref<1x80xi32, #tpu.memory_space<vmem>>
        %dma_start3A_49 = tpu.memref_squeeze %dma_start3A_48 : memref<1x80xi32, #tpu.memory_space<vmem>> -> memref<80xi32, #tpu.memory_space<vmem>>
        %dma_start3A_50 = arith.constant 0 : i32
        %dma_start3A_51 = arith.constant 0 : i32
        %dma_start3A_52 = tpu.memref_slice %arg15[%dma_start3A_50, %dma_start3A_51] : memref<10240x128xf32, #tpu.memory_space<vmem_shared>> -> memref<10240x128xf32, #tpu.memory_space<vmem_shared>>
        tpu.enqueue_indirect_dma source(%arg13 : memref<80x128xf32, #tpu.memory_space<vmem>>) target(%dma_start3A_52 : memref<10240x128xf32, #tpu.memory_space<vmem_shared>>) offsets(%dma_start3A_49 : memref<80xi32, #tpu.memory_space<vmem>>) semaphore(%run_scoped3A_46 : memref<!tpu.dma_semaphore, #tpu.memory_space<semaphore_mem>>) {add = true}
        %dma_wait3A_53 = arith.constant 0 : i32
        %dma_wait3A_54 = tpu.memref_slice %arg12[%run_scoped3A, %dma_wait3A_53] : memref<125x80xi32, #tpu.memory_space<vmem>> -> memref<1x80xi32, #tpu.memory_space<vmem>>
        %dma_wait3A_55 = tpu.memref_squeeze %dma_wait3A_54 : memref<1x80xi32, #tpu.memory_space<vmem>> -> memref<80xi32, #tpu.memory_space<vmem>>
        %dma_wait3A_56 = arith.constant 0 : i32
        %dma_wait3A_57 = arith.constant 0 : i32
        %dma_wait3A_58 = tpu.memref_slice %arg15[%dma_wait3A_56, %dma_wait3A_57] : memref<10240x128xf32, #tpu.memory_space<vmem_shared>> -> memref<10240x128xf32, #tpu.memory_space<vmem_shared>>
        tpu.wait_indirect_dma semaphore(%run_scoped3A_46 : memref<!tpu.dma_semaphore, #tpu.memory_space<semaphore_mem>>) src(%arg13 : memref<80x128xf32, #tpu.memory_space<vmem>>) dst(%dma_wait3A_58 : memref<10240x128xf32, #tpu.memory_space<vmem_shared>>)
        tpu.yield
      }) : () -> ()
      %barrier3A_44 = arith.constant 0 : index
      tpu.barrier barrier_id(%barrier3A_44)
      "tpu.region"() ({
        %run_scoped3A_46 = tpu.sem_alloc : memref<!tpu.dma_semaphore, #tpu.memory_space<semaphore_mem>>
        %dma_start3A_47 = arith.constant 0 : i32
        %dma_start3A_48 = tpu.memref_slice %arg11[%mul3A_0, %dma_start3A_47] : memref<10240x128xf32, #tpu.memory_space<hbm>> -> memref<640x128xf32, #tpu.memory_space<hbm>>
        %dma_start3A_49 = arith.constant 0 : i32
        %dma_start3A_50 = tpu.memref_slice %arg15[%mul3A_0, %dma_start3A_49] : memref<10240x128xf32, #tpu.memory_space<vmem_shared>> -> memref<640x128xf32, #tpu.memory_space<vmem_shared>>
        tpu.enqueue_dma source(%dma_start3A_50 : memref<640x128xf32, #tpu.memory_space<vmem_shared>>) target(%dma_start3A_48 : memref<640x128xf32, #tpu.memory_space<hbm>>) target_semaphore(%run_scoped3A_46 : memref<!tpu.dma_semaphore, #tpu.memory_space<semaphore_mem>>)
        %dma_wait3A_51 = arith.constant 0 : i32
        %dma_wait3A_52 = tpu.memref_slice %arg11[%mul3A_0, %dma_wait3A_51] : memref<10240x128xf32, #tpu.memory_space<hbm>> -> memref<640x128xf32, #tpu.memory_space<hbm>>
        %dma_wait3A_53 = arith.constant 0 : i32
        %dma_wait3A_54 = tpu.memref_slice %arg15[%mul3A_0, %dma_wait3A_53] : memref<10240x128xf32, #tpu.memory_space<vmem_shared>> -> memref<640x128xf32, #tpu.memory_space<vmem_shared>>
        tpu.wait_dma2 semaphore(%run_scoped3A_46 : memref<!tpu.dma_semaphore, #tpu.memory_space<semaphore_mem>>) src(%dma_wait3A_54 : memref<640x128xf32, #tpu.memory_space<vmem_shared>>) dst(%dma_wait3A_52 : memref<640x128xf32, #tpu.memory_space<hbm>>)
        tpu.yield
      }) : () -> ()
      %barrier3A_45 = arith.constant 0 : index
      tpu.barrier barrier_id(%barrier3A_45)
    } else {
    }
    return
  }
}

module attributes {stable_mosaic.version = 14 : i64} {
  func.func @_node_body(%arg0: i32, %arg1: memref<1000x128xf32, #tpu.memory_space<vmem>>, %arg2: memref<1000x3x128xf32, #tpu.memory_space<vmem>>, %arg3: memref<128x128xf32, #tpu.memory_space<vmem>>, %arg4: memref<1x128xf32, #tpu.memory_space<vmem>>, %arg5: memref<1x128xf32, #tpu.memory_space<vmem>>, %arg6: memref<128x128xf32, #tpu.memory_space<vmem>>, %arg7: memref<1x128xf32, #tpu.memory_space<vmem>>, %arg8: memref<128x384xf32, #tpu.memory_space<vmem>>, %arg9: memref<1000x128xf32, #tpu.memory_space<vmem>>, %arg10: memref<1000x256xi32, #tpu.memory_space<vmem>>, %arg11: memref<1000x128xf32, #tpu.memory_space<vmem>>, %arg12: memref<1000x3x128xf32, #tpu.memory_space<vmem>>, %arg13: memref<128x128xf32, #tpu.memory_space<vmem>>) attributes {dimension_semantics = [#tpu.dimension_semantics<arbitrary>], iteration_bounds = array<i64: 10>, scalar_prefetch = 0 : i64, scratch_operands = 0 : i64, tpu.core_type = #tpu.core_type<tc>, window_params = [{transform_indices = @transform_0, window_bounds = array<i64: 1000, 128>}, {transform_indices = @transform_1, window_bounds = array<i64: 1000, 3, 128>}, {transform_indices = @transform_2, window_bounds = array<i64: 128, 128>}, {pipeline_mode = #tpu.pipeline_mode<synchronous>, transform_indices = @transform_3, window_bounds = array<i64: 1, 128>}, {pipeline_mode = #tpu.pipeline_mode<synchronous>, transform_indices = @transform_4, window_bounds = array<i64: 1, 128>}, {pipeline_mode = #tpu.pipeline_mode<synchronous>, transform_indices = @transform_5, window_bounds = array<i64: 128, 128>}, {pipeline_mode = #tpu.pipeline_mode<synchronous>, transform_indices = @transform_6, window_bounds = array<i64: 1, 128>}, {pipeline_mode = #tpu.pipeline_mode<synchronous>, transform_indices = @transform_7, window_bounds = array<i64: 128, 384>}, {transform_indices = @transform_8, window_bounds = array<i64: 1000, 128>}, {transform_indices = @transform_9, window_bounds = array<i64: 1000, 256>}, {transform_indices = @transform_10, window_bounds = array<i64: 1000, 128>}, {transform_indices = @transform_11, window_bounds = array<i64: 1000, 3, 128>}, {transform_indices = @transform_12, window_bounds = array<i64: 128, 128>}]} {
    %get3A = arith.constant 0 : index
    %get3A_0 = arith.constant 0 : index
    %get3A_1 = vector.load %arg3[%get3A, %get3A_0] : memref<128x128xf32, #tpu.memory_space<vmem>>, vector<128x128xf32>
    %mul3A = arith.constant 0.628318548 : f32
    %mul3A_2 = vector.broadcast %mul3A : f32 to vector<128x128xf32>
    %mul3A_3 = arith.mulf %get3A_1, %mul3A_2 : vector<128x128xf32>
    %cos3A = math.cos %mul3A_3 : vector<128x128xf32>
    %add3A = arith.constant 1.000000e+00 : f32
    %add3A_4 = vector.broadcast %add3A : f32 to vector<128x128xf32>
    %add3A_5 = arith.addf %cos3A, %add3A_4 : vector<128x128xf32>
    %mul3A_6 = arith.constant 5.000000e-01 : f32
    %mul3A_7 = vector.broadcast %mul3A_6 : f32 to vector<128x128xf32>
    %mul3A_8 = arith.mulf %mul3A_7, %add3A_5 : vector<128x128xf32>
    %lt3A = arith.constant 5.000000e+00 : f32
    %lt3A_9 = vector.broadcast %lt3A : f32 to vector<128x128xf32>
    %lt3A_10 = arith.cmpf olt, %get3A_1, %lt3A_9 : vector<128x128xf32>
    %convert_element_type3A = arith.extui %lt3A_10 : vector<128x128xi1> to vector<128x128xi32>
    %convert_element_type3A_11 = arith.sitofp %convert_element_type3A : vector<128x128xi32> to vector<128x128xf32>
    %mul3A_12 = arith.mulf %mul3A_8, %convert_element_type3A_11 : vector<128x128xf32>
    %swap3A = arith.constant 0 : index
    %swap3A_13 = arith.constant 0 : index
    %swap3A_14 = vector.load %arg13[%swap3A, %swap3A_13] : memref<128x128xf32, #tpu.memory_space<vmem>>, vector<128x128xf32>
    tpu.vector_store %arg13[%swap3A, %swap3A_13], %mul3A_12 {strides = array<i32>} : memref<128x128xf32, #tpu.memory_space<vmem>>, vector<128x128xf32>,
    %get3A_15 = arith.constant 0 : index
    %get3A_16 = arith.constant 0 : index
    %get3A_17 = vector.load %arg1[%get3A_15, %get3A_16] : memref<1000x128xf32, #tpu.memory_space<vmem>>, vector<1000x128xf32>
    %reduce_sum3A = arith.constant dense<0.000000e+00> : vector<1000xf32>
    %reduce_sum3A_18 = vector.multi_reduction <add>, %get3A_17, %reduce_sum3A [1] : vector<1000x128xf32> to vector<1000xf32>
    %broadcast_in_dim3A = vector.shape_cast %reduce_sum3A_18 : vector<1000xf32> to vector<1000x1xf32>
    %div3A = arith.constant 1.280000e+02 : f32
    %div3A_19 = vector.broadcast %div3A : f32 to vector<1000x1xf32>
    %div3A_20 = arith.divf %broadcast_in_dim3A, %div3A_19 : vector<1000x1xf32>
    %sub3A = vector.broadcast %div3A_20 : vector<1000x1xf32> to vector<1000x128xf32>
    %sub3A_21 = arith.subf %get3A_17, %sub3A : vector<1000x128xf32>
    %mul3A_22 = arith.mulf %sub3A_21, %sub3A_21 : vector<1000x128xf32>
    %reduce_sum3A_23 = arith.constant dense<0.000000e+00> : vector<1000xf32>
    %reduce_sum3A_24 = vector.multi_reduction <add>, %mul3A_22, %reduce_sum3A_23 [1] : vector<1000x128xf32> to vector<1000xf32>
    %broadcast_in_dim3A_25 = vector.shape_cast %reduce_sum3A_24 : vector<1000xf32> to vector<1000x1xf32>
    %div3A_26 = arith.constant 1.280000e+02 : f32
    %div3A_27 = vector.broadcast %div3A_26 : f32 to vector<1000x1xf32>
    %div3A_28 = arith.divf %broadcast_in_dim3A_25, %div3A_27 : vector<1000x1xf32>
    %add3A_29 = arith.constant 9.99999974E-6 : f32
    %add3A_30 = vector.broadcast %add3A_29 : f32 to vector<1000x1xf32>
    %add3A_31 = arith.addf %div3A_28, %add3A_30 : vector<1000x1xf32>
    %rsqrt3A = math.rsqrt %add3A_31 : vector<1000x1xf32>
    %mul3A_32 = vector.broadcast %rsqrt3A : vector<1000x1xf32> to vector<1000x128xf32>
    %mul3A_33 = arith.mulf %sub3A_21, %mul3A_32 : vector<1000x128xf32>
    %get3A_34 = arith.constant 0 : index
    %get3A_35 = arith.constant 0 : index
    %get3A_36 = vector.load %arg4[%get3A_34, %get3A_35] : memref<1x128xf32, #tpu.memory_space<vmem>>, vector<1x128xf32>
    %mul3A_37 = vector.broadcast %get3A_36 : vector<1x128xf32> to vector<1000x128xf32>
    %mul3A_38 = arith.mulf %mul3A_33, %mul3A_37 : vector<1000x128xf32>
    %get3A_39 = arith.constant 0 : index
    %get3A_40 = arith.constant 0 : index
    %get3A_41 = vector.load %arg5[%get3A_39, %get3A_40] : memref<1x128xf32, #tpu.memory_space<vmem>>, vector<1x128xf32>
    %add3A_42 = vector.broadcast %get3A_41 : vector<1x128xf32> to vector<1000x128xf32>
    %add3A_43 = arith.addf %mul3A_38, %add3A_42 : vector<1000x128xf32>
    %get3A_44 = arith.constant 0 : index
    %get3A_45 = arith.constant 0 : index
    %get3A_46 = vector.load %arg6[%get3A_44, %get3A_45] : memref<128x128xf32, #tpu.memory_space<vmem>>, vector<128x128xf32>
    %dot_general3A = arith.constant dense<0.000000e+00> : vector<1000x128xf32>
    %dot_general3A_47 = tpu.matmul %add3A_43, %get3A_46, %dot_general3A {dimension_numbers = #tpu.dot_dimension_numbers<[1], [0], [0], [1], [0, 0, 1, 1], [], []>, transpose_lhs_hint = false} : vector<1000x128xf32>, vector<128x128xf32>, vector<1000x128xf32> -> vector<1000x128xf32>
    %get3A_48 = arith.constant 0 : index
    %get3A_49 = arith.constant 0 : index
    %get3A_50 = vector.load %arg7[%get3A_48, %get3A_49] : memref<1x128xf32, #tpu.memory_space<vmem>>, vector<1x128xf32>
    %add3A_51 = vector.broadcast %get3A_50 : vector<1x128xf32> to vector<1000x128xf32>
    %add3A_52 = arith.addf %dot_general3A_47, %add3A_51 : vector<1000x128xf32>
    %swap3A_53 = arith.constant 0 : index
    %swap3A_54 = arith.constant 0 : index
    %swap3A_55 = vector.load %arg9[%swap3A_53, %swap3A_54] : memref<1000x128xf32, #tpu.memory_space<vmem>>, vector<1000x128xf32>
    tpu.vector_store %arg9[%swap3A_53, %swap3A_54], %add3A_52 {strides = array<i32>} : memref<1000x128xf32, #tpu.memory_space<vmem>>, vector<1000x128xf32>,
    %bitcast_convert_type3A = tpu.bitcast %add3A_43 : vector<1000x128xf32> -> vector<1000x128xi32>
    %add3A_56 = arith.constant 32767 : i32
    %add3A_57 = vector.broadcast %add3A_56 : i32 to vector<1000x128xi32>
    %add3A_58 = arith.addi %bitcast_convert_type3A, %add3A_57 : vector<1000x128xi32>
    %shift_right_logical3A = arith.constant 16 : i32
    %shift_right_logical3A_59 = vector.broadcast %shift_right_logical3A : i32 to vector<1000x128xi32>
    %shift_right_logical3A_60 = arith.shrui %bitcast_convert_type3A, %shift_right_logical3A_59 : vector<1000x128xi32>
    %and3A = arith.constant 1 : i32
    %and3A_61 = vector.broadcast %and3A : i32 to vector<1000x128xi32>
    %and3A_62 = arith.andi %shift_right_logical3A_60, %and3A_61 : vector<1000x128xi32>
    %add3A_63 = arith.addi %add3A_58, %and3A_62 : vector<1000x128xi32>
    %shift_right_logical3A_64 = arith.constant 16 : i32
    %shift_right_logical3A_65 = vector.broadcast %shift_right_logical3A_64 : i32 to vector<1000x128xi32>
    %shift_right_logical3A_66 = arith.shrui %add3A_63, %shift_right_logical3A_65 : vector<1000x128xi32>
    %slice3A = vector.extract_strided_slice %shift_right_logical3A_66 {offsets = [0, 0], sizes = [1000, 64], strides = [1, 1]} : vector<1000x128xi32> to vector<1000x64xi32>
    %slice3A_67 = vector.extract_strided_slice %shift_right_logical3A_66 {offsets = [0, 64], sizes = [1000, 64], strides = [1, 1]} : vector<1000x128xi32> to vector<1000x64xi32>
    %shift_left3A = arith.constant 16 : i32
    %shift_left3A_68 = vector.broadcast %shift_left3A : i32 to vector<1000x64xi32>
    %shift_left3A_69 = arith.shli %slice3A_67, %shift_left3A_68 : vector<1000x64xi32>
    %or3A = arith.ori %slice3A, %shift_left3A_69 : vector<1000x64xi32>
    %bitcast_convert_type3A_70 = tpu.bitcast %or3A : vector<1000x64xi32> -> vector<1000x64xi32>
    %swap3A_71 = arith.constant 0 : index
    %swap3A_72 = arith.constant 0 : index
    %swap3A_73 = vector.load %arg10[%swap3A_71, %swap3A_72] : memref<1000x256xi32, #tpu.memory_space<vmem>>, vector<1000x64xi32>
    tpu.vector_store %arg10[%swap3A_71, %swap3A_72], %bitcast_convert_type3A_70 {strides = array<i32>} : memref<1000x256xi32, #tpu.memory_space<vmem>>, vector<1000x64xi32>,
    %broadcast_in_dim3A_74 = arith.constant 0.000000e+00 : f32
    %broadcast_in_dim3A_75 = vector.broadcast %broadcast_in_dim3A_74 : f32 to vector<1000x128xf32>
    %get3A_76 = arith.constant 0 : index
    %get3A_77 = arith.constant 0 : index
    %get3A_78 = arith.constant 0 : index
    %get3A_79 = vector.load %arg2[%get3A_76, %get3A_77, %get3A_78] : memref<1000x3x128xf32, #tpu.memory_space<vmem>>, vector<1000x1x128xf32>
    %get3A_80 = vector.shape_cast %get3A_79 : vector<1000x1x128xf32> to vector<1000x128xf32>
    %get3A_81 = arith.constant 0 : index
    %get3A_82 = arith.constant 0 : index
    %get3A_83 = vector.load %arg8[%get3A_81, %get3A_82] : memref<128x384xf32, #tpu.memory_space<vmem>>, vector<128x384xf32>
    %dot_general3A_84 = arith.constant dense<0.000000e+00> : vector<1000x384xf32>
    %dot_general3A_85 = tpu.matmul %get3A_80, %get3A_83, %dot_general3A_84 {dimension_numbers = #tpu.dot_dimension_numbers<[1], [0], [0], [1], [0, 0, 1, 1], [], []>, transpose_lhs_hint = false} : vector<1000x128xf32>, vector<128x384xf32>, vector<1000x384xf32> -> vector<1000x384xf32>
    %slice3A_86 = vector.extract_strided_slice %dot_general3A_85 {offsets = [0, 0], sizes = [1000, 128], strides = [1, 1]} : vector<1000x384xf32> to vector<1000x128xf32>
    %slice3A_87 = vector.extract_strided_slice %dot_general3A_85 {offsets = [0, 128], sizes = [1000, 128], strides = [1, 1]} : vector<1000x384xf32> to vector<1000x128xf32>
    %mul3A_88 = arith.mulf %slice3A_86, %slice3A_87 : vector<1000x128xf32>
    %add3A_89 = arith.addf %broadcast_in_dim3A_75, %mul3A_88 : vector<1000x128xf32>
    %slice3A_90 = vector.extract_strided_slice %dot_general3A_85 {offsets = [0, 256], sizes = [1000, 128], strides = [1, 1]} : vector<1000x384xf32> to vector<1000x128xf32>
    %swap3A_91 = arith.constant 0 : index
    %swap3A_92 = arith.constant 0 : index
    %swap3A_93 = arith.constant 0 : index
    %swap3A_94 = vector.load %arg12[%swap3A_91, %swap3A_92, %swap3A_93] : memref<1000x3x128xf32, #tpu.memory_space<vmem>>, vector<1000x1x128xf32>
    %swap3A_95 = vector.shape_cast %swap3A_94 : vector<1000x1x128xf32> to vector<1000x128xf32>
    %swap3A_96 = vector.shape_cast %slice3A_90 : vector<1000x128xf32> to vector<1000x1x128xf32>
    tpu.vector_store %arg12[%swap3A_91, %swap3A_92, %swap3A_93], %swap3A_96 {strides = array<i32>} : memref<1000x3x128xf32, #tpu.memory_space<vmem>>, vector<1000x1x128xf32>,
    %bitcast_convert_type3A_97 = tpu.bitcast %get3A_80 : vector<1000x128xf32> -> vector<1000x128xi32>
    %add3A_98 = arith.constant 32767 : i32
    %add3A_99 = vector.broadcast %add3A_98 : i32 to vector<1000x128xi32>
    %add3A_100 = arith.addi %bitcast_convert_type3A_97, %add3A_99 : vector<1000x128xi32>
    %shift_right_logical3A_101 = arith.constant 16 : i32
    %shift_right_logical3A_102 = vector.broadcast %shift_right_logical3A_101 : i32 to vector<1000x128xi32>
    %shift_right_logical3A_103 = arith.shrui %bitcast_convert_type3A_97, %shift_right_logical3A_102 : vector<1000x128xi32>
    %and3A_104 = arith.constant 1 : i32
    %and3A_105 = vector.broadcast %and3A_104 : i32 to vector<1000x128xi32>
    %and3A_106 = arith.andi %shift_right_logical3A_103, %and3A_105 : vector<1000x128xi32>
    %add3A_107 = arith.addi %add3A_100, %and3A_106 : vector<1000x128xi32>
    %shift_right_logical3A_108 = arith.constant 16 : i32
    %shift_right_logical3A_109 = vector.broadcast %shift_right_logical3A_108 : i32 to vector<1000x128xi32>
    %shift_right_logical3A_110 = arith.shrui %add3A_107, %shift_right_logical3A_109 : vector<1000x128xi32>
    %slice3A_111 = vector.extract_strided_slice %shift_right_logical3A_110 {offsets = [0, 0], sizes = [1000, 64], strides = [1, 1]} : vector<1000x128xi32> to vector<1000x64xi32>
    %slice3A_112 = vector.extract_strided_slice %shift_right_logical3A_110 {offsets = [0, 64], sizes = [1000, 64], strides = [1, 1]} : vector<1000x128xi32> to vector<1000x64xi32>
    %shift_left3A_113 = arith.constant 16 : i32
    %shift_left3A_114 = vector.broadcast %shift_left3A_113 : i32 to vector<1000x64xi32>
    %shift_left3A_115 = arith.shli %slice3A_112, %shift_left3A_114 : vector<1000x64xi32>
    %or3A_116 = arith.ori %slice3A_111, %shift_left3A_115 : vector<1000x64xi32>
    %bitcast_convert_type3A_117 = tpu.bitcast %or3A_116 : vector<1000x64xi32> -> vector<1000x64xi32>
    %swap3A_118 = arith.constant 0 : index
    %swap3A_119 = arith.constant 64 : index
    %swap3A_120 = vector.load %arg10[%swap3A_118, %swap3A_119] : memref<1000x256xi32, #tpu.memory_space<vmem>>, vector<1000x64xi32>
    tpu.vector_store %arg10[%swap3A_118, %swap3A_119], %bitcast_convert_type3A_117 {strides = array<i32>} : memref<1000x256xi32, #tpu.memory_space<vmem>>, vector<1000x64xi32>,
    %get3A_121 = arith.constant 0 : index
    %get3A_122 = arith.constant 1 : index
    %get3A_123 = arith.constant 0 : index
    %get3A_124 = vector.load %arg2[%get3A_121, %get3A_122, %get3A_123] : memref<1000x3x128xf32, #tpu.memory_space<vmem>>, vector<1000x1x128xf32>
    %get3A_125 = vector.shape_cast %get3A_124 : vector<1000x1x128xf32> to vector<1000x128xf32>
    %get3A_126 = arith.constant 0 : index
    %get3A_127 = arith.constant 0 : index
    %get3A_128 = vector.load %arg8[%get3A_126, %get3A_127] : memref<128x384xf32, #tpu.memory_space<vmem>>, vector<128x384xf32>
    %dot_general3A_129 = arith.constant dense<0.000000e+00> : vector<1000x384xf32>
    %dot_general3A_130 = tpu.matmul %get3A_125, %get3A_128, %dot_general3A_129 {dimension_numbers = #tpu.dot_dimension_numbers<[1], [0], [0], [1], [0, 0, 1, 1], [], []>, transpose_lhs_hint = false} : vector<1000x128xf32>, vector<128x384xf32>, vector<1000x384xf32> -> vector<1000x384xf32>
    %slice3A_131 = vector.extract_strided_slice %dot_general3A_130 {offsets = [0, 0], sizes = [1000, 128], strides = [1, 1]} : vector<1000x384xf32> to vector<1000x128xf32>
    %slice3A_132 = vector.extract_strided_slice %dot_general3A_130 {offsets = [0, 128], sizes = [1000, 128], strides = [1, 1]} : vector<1000x384xf32> to vector<1000x128xf32>
    %mul3A_133 = arith.mulf %slice3A_131, %slice3A_132 : vector<1000x128xf32>
    %add3A_134 = arith.addf %add3A_89, %mul3A_133 : vector<1000x128xf32>
    %slice3A_135 = vector.extract_strided_slice %dot_general3A_130 {offsets = [0, 256], sizes = [1000, 128], strides = [1, 1]} : vector<1000x384xf32> to vector<1000x128xf32>
    %swap3A_136 = arith.constant 0 : index
    %swap3A_137 = arith.constant 1 : index
    %swap3A_138 = arith.constant 0 : index
    %swap3A_139 = vector.load %arg12[%swap3A_136, %swap3A_137, %swap3A_138] : memref<1000x3x128xf32, #tpu.memory_space<vmem>>, vector<1000x1x128xf32>
    %swap3A_140 = vector.shape_cast %swap3A_139 : vector<1000x1x128xf32> to vector<1000x128xf32>
    %swap3A_141 = vector.shape_cast %slice3A_135 : vector<1000x128xf32> to vector<1000x1x128xf32>
    tpu.vector_store %arg12[%swap3A_136, %swap3A_137, %swap3A_138], %swap3A_141 {strides = array<i32>} : memref<1000x3x128xf32, #tpu.memory_space<vmem>>, vector<1000x1x128xf32>,
    %bitcast_convert_type3A_142 = tpu.bitcast %get3A_125 : vector<1000x128xf32> -> vector<1000x128xi32>
    %add3A_143 = arith.constant 32767 : i32
    %add3A_144 = vector.broadcast %add3A_143 : i32 to vector<1000x128xi32>
    %add3A_145 = arith.addi %bitcast_convert_type3A_142, %add3A_144 : vector<1000x128xi32>
    %shift_right_logical3A_146 = arith.constant 16 : i32
    %shift_right_logical3A_147 = vector.broadcast %shift_right_logical3A_146 : i32 to vector<1000x128xi32>
    %shift_right_logical3A_148 = arith.shrui %bitcast_convert_type3A_142, %shift_right_logical3A_147 : vector<1000x128xi32>
    %and3A_149 = arith.constant 1 : i32
    %and3A_150 = vector.broadcast %and3A_149 : i32 to vector<1000x128xi32>
    %and3A_151 = arith.andi %shift_right_logical3A_148, %and3A_150 : vector<1000x128xi32>
    %add3A_152 = arith.addi %add3A_145, %and3A_151 : vector<1000x128xi32>
    %shift_right_logical3A_153 = arith.constant 16 : i32
    %shift_right_logical3A_154 = vector.broadcast %shift_right_logical3A_153 : i32 to vector<1000x128xi32>
    %shift_right_logical3A_155 = arith.shrui %add3A_152, %shift_right_logical3A_154 : vector<1000x128xi32>
    %slice3A_156 = vector.extract_strided_slice %shift_right_logical3A_155 {offsets = [0, 0], sizes = [1000, 64], strides = [1, 1]} : vector<1000x128xi32> to vector<1000x64xi32>
    %slice3A_157 = vector.extract_strided_slice %shift_right_logical3A_155 {offsets = [0, 64], sizes = [1000, 64], strides = [1, 1]} : vector<1000x128xi32> to vector<1000x64xi32>
    %shift_left3A_158 = arith.constant 16 : i32
    %shift_left3A_159 = vector.broadcast %shift_left3A_158 : i32 to vector<1000x64xi32>
    %shift_left3A_160 = arith.shli %slice3A_157, %shift_left3A_159 : vector<1000x64xi32>
    %or3A_161 = arith.ori %slice3A_156, %shift_left3A_160 : vector<1000x64xi32>
    %bitcast_convert_type3A_162 = tpu.bitcast %or3A_161 : vector<1000x64xi32> -> vector<1000x64xi32>
    %swap3A_163 = arith.constant 0 : index
    %swap3A_164 = arith.constant 128 : index
    %swap3A_165 = vector.load %arg10[%swap3A_163, %swap3A_164] : memref<1000x256xi32, #tpu.memory_space<vmem>>, vector<1000x64xi32>
    tpu.vector_store %arg10[%swap3A_163, %swap3A_164], %bitcast_convert_type3A_162 {strides = array<i32>} : memref<1000x256xi32, #tpu.memory_space<vmem>>, vector<1000x64xi32>,
    %get3A_166 = arith.constant 0 : index
    %get3A_167 = arith.constant 2 : index
    %get3A_168 = arith.constant 0 : index
    %get3A_169 = vector.load %arg2[%get3A_166, %get3A_167, %get3A_168] : memref<1000x3x128xf32, #tpu.memory_space<vmem>>, vector<1000x1x128xf32>
    %get3A_170 = vector.shape_cast %get3A_169 : vector<1000x1x128xf32> to vector<1000x128xf32>
    %get3A_171 = arith.constant 0 : index
    %get3A_172 = arith.constant 0 : index
    %get3A_173 = vector.load %arg8[%get3A_171, %get3A_172] : memref<128x384xf32, #tpu.memory_space<vmem>>, vector<128x384xf32>
    %dot_general3A_174 = arith.constant dense<0.000000e+00> : vector<1000x384xf32>
    %dot_general3A_175 = tpu.matmul %get3A_170, %get3A_173, %dot_general3A_174 {dimension_numbers = #tpu.dot_dimension_numbers<[1], [0], [0], [1], [0, 0, 1, 1], [], []>, transpose_lhs_hint = false} : vector<1000x128xf32>, vector<128x384xf32>, vector<1000x384xf32> -> vector<1000x384xf32>
    %slice3A_176 = vector.extract_strided_slice %dot_general3A_175 {offsets = [0, 0], sizes = [1000, 128], strides = [1, 1]} : vector<1000x384xf32> to vector<1000x128xf32>
    %slice3A_177 = vector.extract_strided_slice %dot_general3A_175 {offsets = [0, 128], sizes = [1000, 128], strides = [1, 1]} : vector<1000x384xf32> to vector<1000x128xf32>
    %mul3A_178 = arith.mulf %slice3A_176, %slice3A_177 : vector<1000x128xf32>
    %add3A_179 = arith.addf %add3A_134, %mul3A_178 : vector<1000x128xf32>
    %slice3A_180 = vector.extract_strided_slice %dot_general3A_175 {offsets = [0, 256], sizes = [1000, 128], strides = [1, 1]} : vector<1000x384xf32> to vector<1000x128xf32>
    %swap3A_181 = arith.constant 0 : index
    %swap3A_182 = arith.constant 2 : index
    %swap3A_183 = arith.constant 0 : index
    %swap3A_184 = vector.load %arg12[%swap3A_181, %swap3A_182, %swap3A_183] : memref<1000x3x128xf32, #tpu.memory_space<vmem>>, vector<1000x1x128xf32>
    %swap3A_185 = vector.shape_cast %swap3A_184 : vector<1000x1x128xf32> to vector<1000x128xf32>
    %swap3A_186 = vector.shape_cast %slice3A_180 : vector<1000x128xf32> to vector<1000x1x128xf32>
    tpu.vector_store %arg12[%swap3A_181, %swap3A_182, %swap3A_183], %swap3A_186 {strides = array<i32>} : memref<1000x3x128xf32, #tpu.memory_space<vmem>>, vector<1000x1x128xf32>,
    %bitcast_convert_type3A_187 = tpu.bitcast %get3A_170 : vector<1000x128xf32> -> vector<1000x128xi32>
    %add3A_188 = arith.constant 32767 : i32
    %add3A_189 = vector.broadcast %add3A_188 : i32 to vector<1000x128xi32>
    %add3A_190 = arith.addi %bitcast_convert_type3A_187, %add3A_189 : vector<1000x128xi32>
    %shift_right_logical3A_191 = arith.constant 16 : i32
    %shift_right_logical3A_192 = vector.broadcast %shift_right_logical3A_191 : i32 to vector<1000x128xi32>
    %shift_right_logical3A_193 = arith.shrui %bitcast_convert_type3A_187, %shift_right_logical3A_192 : vector<1000x128xi32>
    %and3A_194 = arith.constant 1 : i32
    %and3A_195 = vector.broadcast %and3A_194 : i32 to vector<1000x128xi32>
    %and3A_196 = arith.andi %shift_right_logical3A_193, %and3A_195 : vector<1000x128xi32>
    %add3A_197 = arith.addi %add3A_190, %and3A_196 : vector<1000x128xi32>
    %shift_right_logical3A_198 = arith.constant 16 : i32
    %shift_right_logical3A_199 = vector.broadcast %shift_right_logical3A_198 : i32 to vector<1000x128xi32>
    %shift_right_logical3A_200 = arith.shrui %add3A_197, %shift_right_logical3A_199 : vector<1000x128xi32>
    %slice3A_201 = vector.extract_strided_slice %shift_right_logical3A_200 {offsets = [0, 0], sizes = [1000, 64], strides = [1, 1]} : vector<1000x128xi32> to vector<1000x64xi32>
    %slice3A_202 = vector.extract_strided_slice %shift_right_logical3A_200 {offsets = [0, 64], sizes = [1000, 64], strides = [1, 1]} : vector<1000x128xi32> to vector<1000x64xi32>
    %shift_left3A_203 = arith.constant 16 : i32
    %shift_left3A_204 = vector.broadcast %shift_left3A_203 : i32 to vector<1000x64xi32>
    %shift_left3A_205 = arith.shli %slice3A_202, %shift_left3A_204 : vector<1000x64xi32>
    %or3A_206 = arith.ori %slice3A_201, %shift_left3A_205 : vector<1000x64xi32>
    %bitcast_convert_type3A_207 = tpu.bitcast %or3A_206 : vector<1000x64xi32> -> vector<1000x64xi32>
    %swap3A_208 = arith.constant 0 : index
    %swap3A_209 = arith.constant 192 : index
    %swap3A_210 = vector.load %arg10[%swap3A_208, %swap3A_209] : memref<1000x256xi32, #tpu.memory_space<vmem>>, vector<1000x64xi32>
    tpu.vector_store %arg10[%swap3A_208, %swap3A_209], %bitcast_convert_type3A_207 {strides = array<i32>} : memref<1000x256xi32, #tpu.memory_space<vmem>>, vector<1000x64xi32>,
    %swap3A_211 = arith.constant 0 : index
    %swap3A_212 = arith.constant 0 : index
    %swap3A_213 = vector.load %arg11[%swap3A_211, %swap3A_212] : memref<1000x128xf32, #tpu.memory_space<vmem>>, vector<1000x128xf32>
    tpu.vector_store %arg11[%swap3A_211, %swap3A_212], %add3A_179 {strides = array<i32>} : memref<1000x128xf32, #tpu.memory_space<vmem>>, vector<1000x128xf32>,
    return
  }
  func.func @transform_0(%arg0: i32) -> (i32, i32) {
    %c0_i32 = arith.constant 0 : i32
    %c0_i32_0 = arith.constant 0 : i32
    return %arg0, %c0_i32 : i32, i32
  }
  func.func @transform_1(%arg0: i32) -> (i32, i32, i32) {
    %c0_i32 = arith.constant 0 : i32
    %c0_i32_0 = arith.constant 0 : i32
    %c0_i32_1 = arith.constant 0 : i32
    return %arg0, %c0_i32, %c0_i32_0 : i32, i32, i32
  }
  func.func @transform_2(%arg0: i32) -> (i32, i32) {
    %c0_i32 = arith.constant 0 : i32
    %c0_i32_0 = arith.constant 0 : i32
    return %arg0, %c0_i32 : i32, i32
  }
  func.func @transform_3(%arg0: i32) -> (i32, i32) {
    %c0_i32 = arith.constant 0 : i32
    %c0_i32_0 = arith.constant 0 : i32
    %c0_i32_1 = arith.constant 0 : i32
    return %c0_i32, %c0_i32_0 : i32, i32
  }
  func.func @transform_4(%arg0: i32) -> (i32, i32) {
    %c0_i32 = arith.constant 0 : i32
    %c0_i32_0 = arith.constant 0 : i32
    %c0_i32_1 = arith.constant 0 : i32
    return %c0_i32, %c0_i32_0 : i32, i32
  }
  func.func @transform_5(%arg0: i32) -> (i32, i32) {
    %c0_i32 = arith.constant 0 : i32
    %c0_i32_0 = arith.constant 0 : i32
    %c0_i32_1 = arith.constant 0 : i32
    return %c0_i32, %c0_i32_0 : i32, i32
  }
  func.func @transform_6(%arg0: i32) -> (i32, i32) {
    %c0_i32 = arith.constant 0 : i32
    %c0_i32_0 = arith.constant 0 : i32
    %c0_i32_1 = arith.constant 0 : i32
    return %c0_i32, %c0_i32_0 : i32, i32
  }
  func.func @transform_7(%arg0: i32) -> (i32, i32) {
    %c0_i32 = arith.constant 0 : i32
    %c0_i32_0 = arith.constant 0 : i32
    %c0_i32_1 = arith.constant 0 : i32
    return %c0_i32, %c0_i32_0 : i32, i32
  }
  func.func @transform_8(%arg0: i32) -> (i32, i32) {
    %c0_i32 = arith.constant 0 : i32
    %c0_i32_0 = arith.constant 0 : i32
    return %arg0, %c0_i32 : i32, i32
  }
  func.func @transform_9(%arg0: i32) -> (i32, i32) {
    %c0_i32 = arith.constant 0 : i32
    %c0_i32_0 = arith.constant 0 : i32
    return %arg0, %c0_i32 : i32, i32
  }
  func.func @transform_10(%arg0: i32) -> (i32, i32) {
    %c0_i32 = arith.constant 0 : i32
    %c0_i32_0 = arith.constant 0 : i32
    return %arg0, %c0_i32 : i32, i32
  }
  func.func @transform_11(%arg0: i32) -> (i32, i32, i32) {
    %c0_i32 = arith.constant 0 : i32
    %c0_i32_0 = arith.constant 0 : i32
    %c0_i32_1 = arith.constant 0 : i32
    return %arg0, %c0_i32, %c0_i32_0 : i32, i32, i32
  }
  func.func @transform_12(%arg0: i32) -> (i32, i32) {
    %c0_i32 = arith.constant 0 : i32
    %c0_i32_0 = arith.constant 0 : i32
    return %arg0, %c0_i32 : i32, i32
  }
}

module attributes {stable_mosaic.version = 14 : i64} {
  func.func @_edge_body(%arg0: i32, %arg1: memref<1000x128xf32, #tpu.memory_space<vmem>>, %arg2: memref<1000x256xi32, #tpu.memory_space<vmem>>, %arg3: memref<1000x64xf32, #tpu.memory_space<vmem>>, %arg4: memref<1000x1xf32, #tpu.memory_space<vmem>>, %arg5: memref<1000x1xf32, #tpu.memory_space<vmem>>, %arg6: memref<1000x1xf32, #tpu.memory_space<vmem>>, %arg7: memref<1000x1xf32, #tpu.memory_space<vmem>>, %arg8: memref<64x128xf32, #tpu.memory_space<vmem>>, %arg9: memref<1x128xf32, #tpu.memory_space<vmem>>, %arg10: memref<64x384xf32, #tpu.memory_space<vmem>>, %arg11: memref<1x384xf32, #tpu.memory_space<vmem>>, %arg12: memref<128x128xf32, #tpu.memory_space<vmem>>, %arg13: memref<1x128xf32, #tpu.memory_space<vmem>>, %arg14: memref<128x384xf32, #tpu.memory_space<vmem>>, %arg15: memref<1x384xf32, #tpu.memory_space<vmem>>, %arg16: memref<128x128xf32, #tpu.memory_space<vmem>>, %arg17: memref<1000x128xf32, #tpu.memory_space<vmem>>, %arg18: memref<1000x128xf32, #tpu.memory_space<vmem>>, %arg19: memref<1000x128xf32, #tpu.memory_space<vmem>>, %arg20: memref<1000x128xf32, #tpu.memory_space<vmem>>) attributes {dimension_semantics = [#tpu.dimension_semantics<arbitrary>], iteration_bounds = array<i64: 160>, scalar_prefetch = 0 : i64, scratch_operands = 0 : i64, tpu.core_type = #tpu.core_type<tc>, window_params = [{transform_indices = @transform_0, window_bounds = array<i64: 1000, 128>}, {transform_indices = @transform_1, window_bounds = array<i64: 1000, 256>}, {transform_indices = @transform_2, window_bounds = array<i64: 1000, 64>}, {transform_indices = @transform_3, window_bounds = array<i64: 1000, 1>}, {transform_indices = @transform_4, window_bounds = array<i64: 1000, 1>}, {transform_indices = @transform_5, window_bounds = array<i64: 1000, 1>}, {transform_indices = @transform_6, window_bounds = array<i64: 1000, 1>}, {pipeline_mode = #tpu.pipeline_mode<synchronous>, transform_indices = @transform_7, window_bounds = array<i64: 64, 128>}, {pipeline_mode = #tpu.pipeline_mode<synchronous>, transform_indices = @transform_8, window_bounds = array<i64: 1, 128>}, {pipeline_mode = #tpu.pipeline_mode<synchronous>, transform_indices = @transform_9, window_bounds = array<i64: 64, 384>}, {pipeline_mode = #tpu.pipeline_mode<synchronous>, transform_indices = @transform_10, window_bounds = array<i64: 1, 384>}, {pipeline_mode = #tpu.pipeline_mode<synchronous>, transform_indices = @transform_11, window_bounds = array<i64: 128, 128>}, {pipeline_mode = #tpu.pipeline_mode<synchronous>, transform_indices = @transform_12, window_bounds = array<i64: 1, 128>}, {pipeline_mode = #tpu.pipeline_mode<synchronous>, transform_indices = @transform_13, window_bounds = array<i64: 128, 384>}, {pipeline_mode = #tpu.pipeline_mode<synchronous>, transform_indices = @transform_14, window_bounds = array<i64: 1, 384>}, {pipeline_mode = #tpu.pipeline_mode<synchronous>, transform_indices = @transform_15, window_bounds = array<i64: 128, 128>}, {transform_indices = @transform_16, window_bounds = array<i64: 1000, 128>}, {transform_indices = @transform_17, window_bounds = array<i64: 1000, 128>}, {transform_indices = @transform_18, window_bounds = array<i64: 1000, 128>}, {transform_indices = @transform_19, window_bounds = array<i64: 1000, 128>}]} {
    %get3A = arith.constant 0 : index
    %get3A_0 = arith.constant 0 : index
    %get3A_1 = vector.load %arg3[%get3A, %get3A_0] : memref<1000x64xf32, #tpu.memory_space<vmem>>, vector<1000x64xf32>
    %get3A_2 = arith.constant 0 : index
    %get3A_3 = arith.constant 0 : index
    %get3A_4 = vector.load %arg8[%get3A_2, %get3A_3] : memref<64x128xf32, #tpu.memory_space<vmem>>, vector<64x128xf32>
    %dot_general3A = arith.constant dense<0.000000e+00> : vector<1000x128xf32>
    %dot_general3A_5 = tpu.matmul %get3A_1, %get3A_4, %dot_general3A {dimension_numbers = #tpu.dot_dimension_numbers<[1], [0], [0], [1], [0, 0, 1, 1], [], []>, transpose_lhs_hint = false} : vector<1000x64xf32>, vector<64x128xf32>, vector<1000x128xf32> -> vector<1000x128xf32>
    %get3A_6 = arith.constant 0 : index
    %get3A_7 = arith.constant 0 : index
    %get3A_8 = vector.load %arg9[%get3A_6, %get3A_7] : memref<1x128xf32, #tpu.memory_space<vmem>>, vector<1x128xf32>
    %add3A = vector.broadcast %get3A_8 : vector<1x128xf32> to vector<1000x128xf32>
    %add3A_9 = arith.addf %dot_general3A_5, %add3A : vector<1000x128xf32>
    %neg3A = arith.constant 0.000000e+00 : f32
    %neg3A_10 = vector.broadcast %neg3A : f32 to vector<1000x128xf32>
    %neg3A_11 = arith.subf %neg3A_10, %add3A_9 : vector<1000x128xf32>
    %exp3A = math.exp %neg3A_11 : vector<1000x128xf32>
    %add3A_12 = arith.constant 1.000000e+00 : f32
    %add3A_13 = vector.broadcast %add3A_12 : f32 to vector<1000x128xf32>
    %add3A_14 = arith.addf %add3A_13, %exp3A : vector<1000x128xf32>
    %div3A = arith.divf %add3A_9, %add3A_14 : vector<1000x128xf32>
    %get3A_15 = arith.constant 0 : index
    %get3A_16 = arith.constant 0 : index
    %get3A_17 = vector.load %arg10[%get3A_15, %get3A_16] : memref<64x384xf32, #tpu.memory_space<vmem>>, vector<64x384xf32>
    %dot_general3A_18 = arith.constant dense<0.000000e+00> : vector<1000x384xf32>
    %dot_general3A_19 = tpu.matmul %get3A_1, %get3A_17, %dot_general3A_18 {dimension_numbers = #tpu.dot_dimension_numbers<[1], [0], [0], [1], [0, 0, 1, 1], [], []>, transpose_lhs_hint = false} : vector<1000x64xf32>, vector<64x384xf32>, vector<1000x384xf32> -> vector<1000x384xf32>
    %get3A_20 = arith.constant 0 : index
    %get3A_21 = arith.constant 0 : index
    %get3A_22 = vector.load %arg11[%get3A_20, %get3A_21] : memref<1x384xf32, #tpu.memory_space<vmem>>, vector<1x384xf32>
    %add3A_23 = vector.broadcast %get3A_22 : vector<1x384xf32> to vector<1000x384xf32>
    %add3A_24 = arith.addf %dot_general3A_19, %add3A_23 : vector<1000x384xf32>
    %neg3A_25 = arith.constant 0.000000e+00 : f32
    %neg3A_26 = vector.broadcast %neg3A_25 : f32 to vector<1000x384xf32>
    %neg3A_27 = arith.subf %neg3A_26, %add3A_24 : vector<1000x384xf32>
    %exp3A_28 = math.exp %neg3A_27 : vector<1000x384xf32>
    %add3A_29 = arith.constant 1.000000e+00 : f32
    %add3A_30 = vector.broadcast %add3A_29 : f32 to vector<1000x384xf32>
    %add3A_31 = arith.addf %add3A_30, %exp3A_28 : vector<1000x384xf32>
    %div3A_32 = arith.divf %add3A_24, %add3A_31 : vector<1000x384xf32>
    %get3A_33 = arith.constant 0 : index
    %get3A_34 = arith.constant 0 : index
    %get3A_35 = vector.load %arg2[%get3A_33, %get3A_34] : memref<1000x256xi32, #tpu.memory_space<vmem>>, vector<1000x64xi32>
    %bitcast_convert_type3A = tpu.bitcast %get3A_35 : vector<1000x64xi32> -> vector<1000x64xi32>
    %shift_left3A = arith.constant 16 : i32
    %shift_left3A_36 = vector.broadcast %shift_left3A : i32 to vector<1000x64xi32>
    %shift_left3A_37 = arith.shli %bitcast_convert_type3A, %shift_left3A_36 : vector<1000x64xi32>
    %bitcast_convert_type3A_38 = tpu.bitcast %shift_left3A_37 : vector<1000x64xi32> -> vector<1000x64xf32>
    %and3A = arith.constant -65536 : i32
    %and3A_39 = vector.broadcast %and3A : i32 to vector<1000x64xi32>
    %and3A_40 = arith.andi %bitcast_convert_type3A, %and3A_39 : vector<1000x64xi32>
    %bitcast_convert_type3A_41 = tpu.bitcast %and3A_40 : vector<1000x64xi32> -> vector<1000x64xf32>
    %concatenate3A = tpu.concatenate %bitcast_convert_type3A_38, %bitcast_convert_type3A_41 in 1 : vector<1000x64xf32>, vector<1000x64xf32> -> vector<1000x128xf32>
    %get3A_42 = arith.constant 0 : index
    %get3A_43 = arith.constant 0 : index
    %get3A_44 = vector.load %arg12[%get3A_42, %get3A_43] : memref<128x128xf32, #tpu.memory_space<vmem>>, vector<128x128xf32>
    %dot_general3A_45 = arith.constant dense<0.000000e+00> : vector<1000x128xf32>
    %dot_general3A_46 = tpu.matmul %concatenate3A, %get3A_44, %dot_general3A_45 {dimension_numbers = #tpu.dot_dimension_numbers<[1], [0], [0], [1], [0, 0, 1, 1], [], []>, transpose_lhs_hint = false} : vector<1000x128xf32>, vector<128x128xf32>, vector<1000x128xf32> -> vector<1000x128xf32>
    %get3A_47 = arith.constant 0 : index
    %get3A_48 = arith.constant 0 : index
    %get3A_49 = vector.load %arg13[%get3A_47, %get3A_48] : memref<1x128xf32, #tpu.memory_space<vmem>>, vector<1x128xf32>
    %add3A_50 = vector.broadcast %get3A_49 : vector<1x128xf32> to vector<1000x128xf32>
    %add3A_51 = arith.addf %dot_general3A_46, %add3A_50 : vector<1000x128xf32>
    %get3A_52 = arith.constant 0 : index
    %get3A_53 = arith.constant 0 : index
    %get3A_54 = vector.load %arg14[%get3A_52, %get3A_53] : memref<128x384xf32, #tpu.memory_space<vmem>>, vector<128x384xf32>
    %dot_general3A_55 = arith.constant dense<0.000000e+00> : vector<1000x384xf32>
    %dot_general3A_56 = tpu.matmul %concatenate3A, %get3A_54, %dot_general3A_55 {dimension_numbers = #tpu.dot_dimension_numbers<[1], [0], [0], [1], [0, 0, 1, 1], [], []>, transpose_lhs_hint = false} : vector<1000x128xf32>, vector<128x384xf32>, vector<1000x384xf32> -> vector<1000x384xf32>
    %get3A_57 = arith.constant 0 : index
    %get3A_58 = arith.constant 0 : index
    %get3A_59 = vector.load %arg15[%get3A_57, %get3A_58] : memref<1x384xf32, #tpu.memory_space<vmem>>, vector<1x384xf32>
    %add3A_60 = vector.broadcast %get3A_59 : vector<1x384xf32> to vector<1000x384xf32>
    %add3A_61 = arith.addf %dot_general3A_56, %add3A_60 : vector<1000x384xf32>
    %get3A_62 = arith.constant 0 : index
    %get3A_63 = arith.constant 0 : index
    %get3A_64 = vector.load %arg1[%get3A_62, %get3A_63] : memref<1000x128xf32, #tpu.memory_space<vmem>>, vector<1000x128xf32>
    %mul3A = arith.mulf %get3A_64, %add3A_51 : vector<1000x128xf32>
    %mul3A_65 = arith.mulf %mul3A, %div3A : vector<1000x128xf32>
    %get3A_66 = arith.constant 0 : index
    %get3A_67 = arith.constant 0 : index
    %get3A_68 = vector.load %arg16[%get3A_66, %get3A_67] : memref<128x128xf32, #tpu.memory_space<vmem>>, vector<128x128xf32>
    %dot_general3A_69 = arith.constant dense<0.000000e+00> : vector<1000x128xf32>
    %dot_general3A_70 = tpu.matmul %mul3A_65, %get3A_68, %dot_general3A_69 {dimension_numbers = #tpu.dot_dimension_numbers<[1], [0], [0], [1], [0, 0, 1, 1], [], []>, transpose_lhs_hint = false} : vector<1000x128xf32>, vector<128x128xf32>, vector<1000x128xf32> -> vector<1000x128xf32>
    %neg3A_71 = arith.constant 0.000000e+00 : f32
    %neg3A_72 = vector.broadcast %neg3A_71 : f32 to vector<1000x128xf32>
    %neg3A_73 = arith.subf %neg3A_72, %dot_general3A_70 : vector<1000x128xf32>
    %exp3A_74 = math.exp %neg3A_73 : vector<1000x128xf32>
    %add3A_75 = arith.constant 1.000000e+00 : f32
    %add3A_76 = vector.broadcast %add3A_75 : f32 to vector<1000x128xf32>
    %add3A_77 = arith.addf %add3A_76, %exp3A_74 : vector<1000x128xf32>
    %div3A_78 = arith.divf %dot_general3A_70, %add3A_77 : vector<1000x128xf32>
    %get3A_79 = arith.constant 0 : index
    %get3A_80 = arith.constant 0 : index
    %get3A_81 = vector.load %arg4[%get3A_79, %get3A_80] : memref<1000x1xf32, #tpu.memory_space<vmem>>, vector<1000x1xf32>
    %mul3A_82 = vector.broadcast %get3A_81 : vector<1000x1xf32> to vector<1000x128xf32>
    %mul3A_83 = arith.mulf %div3A_78, %mul3A_82 : vector<1000x128xf32>
    %slice3A = vector.extract_strided_slice %add3A_61 {offsets = [0, 0], sizes = [1000, 128], strides = [1, 1]} : vector<1000x384xf32> to vector<1000x128xf32>
    %slice3A_84 = vector.extract_strided_slice %div3A_32 {offsets = [0, 0], sizes = [1000, 128], strides = [1, 1]} : vector<1000x384xf32> to vector<1000x128xf32>
    %mul3A_85 = arith.mulf %slice3A, %slice3A_84 : vector<1000x128xf32>
    %slice3A_86 = vector.extract_strided_slice %add3A_61 {offsets = [0, 128], sizes = [1000, 128], strides = [1, 1]} : vector<1000x384xf32> to vector<1000x128xf32>
    %slice3A_87 = vector.extract_strided_slice %div3A_32 {offsets = [0, 128], sizes = [1000, 128], strides = [1, 1]} : vector<1000x384xf32> to vector<1000x128xf32>
    %mul3A_88 = arith.mulf %slice3A_86, %slice3A_87 : vector<1000x128xf32>
    %slice3A_89 = vector.extract_strided_slice %add3A_61 {offsets = [0, 256], sizes = [1000, 128], strides = [1, 1]} : vector<1000x384xf32> to vector<1000x128xf32>
    %slice3A_90 = vector.extract_strided_slice %div3A_32 {offsets = [0, 256], sizes = [1000, 128], strides = [1, 1]} : vector<1000x384xf32> to vector<1000x128xf32>
    %mul3A_91 = arith.mulf %slice3A_89, %slice3A_90 : vector<1000x128xf32>
    %mul3A_92 = arith.mulf %mul3A_85, %mul3A_83 : vector<1000x128xf32>
    %swap3A = arith.constant 0 : index
    %swap3A_93 = arith.constant 0 : index
    %swap3A_94 = vector.load %arg17[%swap3A, %swap3A_93] : memref<1000x128xf32, #tpu.memory_space<vmem>>, vector<1000x128xf32>
    tpu.vector_store %arg17[%swap3A, %swap3A_93], %mul3A_92 {strides = array<i32>} : memref<1000x128xf32, #tpu.memory_space<vmem>>, vector<1000x128xf32>,
    %get3A_95 = arith.constant 0 : index
    %get3A_96 = arith.constant 64 : index
    %get3A_97 = vector.load %arg2[%get3A_95, %get3A_96] : memref<1000x256xi32, #tpu.memory_space<vmem>>, vector<1000x64xi32>
    %bitcast_convert_type3A_98 = tpu.bitcast %get3A_97 : vector<1000x64xi32> -> vector<1000x64xi32>
    %shift_left3A_99 = arith.constant 16 : i32
    %shift_left3A_100 = vector.broadcast %shift_left3A_99 : i32 to vector<1000x64xi32>
    %shift_left3A_101 = arith.shli %bitcast_convert_type3A_98, %shift_left3A_100 : vector<1000x64xi32>
    %bitcast_convert_type3A_102 = tpu.bitcast %shift_left3A_101 : vector<1000x64xi32> -> vector<1000x64xf32>
    %and3A_103 = arith.constant -65536 : i32
    %and3A_104 = vector.broadcast %and3A_103 : i32 to vector<1000x64xi32>
    %and3A_105 = arith.andi %bitcast_convert_type3A_98, %and3A_104 : vector<1000x64xi32>
    %bitcast_convert_type3A_106 = tpu.bitcast %and3A_105 : vector<1000x64xi32> -> vector<1000x64xf32>
    %concatenate3A_107 = tpu.concatenate %bitcast_convert_type3A_102, %bitcast_convert_type3A_106 in 1 : vector<1000x64xf32>, vector<1000x64xf32> -> vector<1000x128xf32>
    %mul3A_108 = arith.mulf %concatenate3A_107, %mul3A_88 : vector<1000x128xf32>
    %get3A_109 = arith.constant 0 : index
    %get3A_110 = arith.constant 0 : index
    %get3A_111 = vector.load %arg5[%get3A_109, %get3A_110] : memref<1000x1xf32, #tpu.memory_space<vmem>>, vector<1000x1xf32>
    %mul3A_112 = vector.broadcast %get3A_111 : vector<1000x1xf32> to vector<1000x128xf32>
    %mul3A_113 = arith.mulf %mul3A_91, %mul3A_112 : vector<1000x128xf32>
    %add3A_114 = arith.addf %mul3A_108, %mul3A_113 : vector<1000x128xf32>
    %swap3A_115 = arith.constant 0 : index
    %swap3A_116 = arith.constant 0 : index
    %swap3A_117 = vector.load %arg18[%swap3A_115, %swap3A_116] : memref<1000x128xf32, #tpu.memory_space<vmem>>, vector<1000x128xf32>
    tpu.vector_store %arg18[%swap3A_115, %swap3A_116], %add3A_114 {strides = array<i32>} : memref<1000x128xf32, #tpu.memory_space<vmem>>, vector<1000x128xf32>,
    %get3A_118 = arith.constant 0 : index
    %get3A_119 = arith.constant 128 : index
    %get3A_120 = vector.load %arg2[%get3A_118, %get3A_119] : memref<1000x256xi32, #tpu.memory_space<vmem>>, vector<1000x64xi32>
    %bitcast_convert_type3A_121 = tpu.bitcast %get3A_120 : vector<1000x64xi32> -> vector<1000x64xi32>
    %shift_left3A_122 = arith.constant 16 : i32
    %shift_left3A_123 = vector.broadcast %shift_left3A_122 : i32 to vector<1000x64xi32>
    %shift_left3A_124 = arith.shli %bitcast_convert_type3A_121, %shift_left3A_123 : vector<1000x64xi32>
    %bitcast_convert_type3A_125 = tpu.bitcast %shift_left3A_124 : vector<1000x64xi32> -> vector<1000x64xf32>
    %and3A_126 = arith.constant -65536 : i32
    %and3A_127 = vector.broadcast %and3A_126 : i32 to vector<1000x64xi32>
    %and3A_128 = arith.andi %bitcast_convert_type3A_121, %and3A_127 : vector<1000x64xi32>
    %bitcast_convert_type3A_129 = tpu.bitcast %and3A_128 : vector<1000x64xi32> -> vector<1000x64xf32>
    %concatenate3A_130 = tpu.concatenate %bitcast_convert_type3A_125, %bitcast_convert_type3A_129 in 1 : vector<1000x64xf32>, vector<1000x64xf32> -> vector<1000x128xf32>
    %mul3A_131 = arith.mulf %concatenate3A_130, %mul3A_88 : vector<1000x128xf32>
    %get3A_132 = arith.constant 0 : index
    %get3A_133 = arith.constant 0 : index
    %get3A_134 = vector.load %arg6[%get3A_132, %get3A_133] : memref<1000x1xf32, #tpu.memory_space<vmem>>, vector<1000x1xf32>
    %mul3A_135 = vector.broadcast %get3A_134 : vector<1000x1xf32> to vector<1000x128xf32>
    %mul3A_136 = arith.mulf %mul3A_91, %mul3A_135 : vector<1000x128xf32>
    %add3A_137 = arith.addf %mul3A_131, %mul3A_136 : vector<1000x128xf32>
    %swap3A_138 = arith.constant 0 : index
    %swap3A_139 = arith.constant 0 : index
    %swap3A_140 = vector.load %arg19[%swap3A_138, %swap3A_139] : memref<1000x128xf32, #tpu.memory_space<vmem>>, vector<1000x128xf32>
    tpu.vector_store %arg19[%swap3A_138, %swap3A_139], %add3A_137 {strides = array<i32>} : memref<1000x128xf32, #tpu.memory_space<vmem>>, vector<1000x128xf32>,
    %get3A_141 = arith.constant 0 : index
    %get3A_142 = arith.constant 192 : index
    %get3A_143 = vector.load %arg2[%get3A_141, %get3A_142] : memref<1000x256xi32, #tpu.memory_space<vmem>>, vector<1000x64xi32>
    %bitcast_convert_type3A_144 = tpu.bitcast %get3A_143 : vector<1000x64xi32> -> vector<1000x64xi32>
    %shift_left3A_145 = arith.constant 16 : i32
    %shift_left3A_146 = vector.broadcast %shift_left3A_145 : i32 to vector<1000x64xi32>
    %shift_left3A_147 = arith.shli %bitcast_convert_type3A_144, %shift_left3A_146 : vector<1000x64xi32>
    %bitcast_convert_type3A_148 = tpu.bitcast %shift_left3A_147 : vector<1000x64xi32> -> vector<1000x64xf32>
    %and3A_149 = arith.constant -65536 : i32
    %and3A_150 = vector.broadcast %and3A_149 : i32 to vector<1000x64xi32>
    %and3A_151 = arith.andi %bitcast_convert_type3A_144, %and3A_150 : vector<1000x64xi32>
    %bitcast_convert_type3A_152 = tpu.bitcast %and3A_151 : vector<1000x64xi32> -> vector<1000x64xf32>
    %concatenate3A_153 = tpu.concatenate %bitcast_convert_type3A_148, %bitcast_convert_type3A_152 in 1 : vector<1000x64xf32>, vector<1000x64xf32> -> vector<1000x128xf32>
    %mul3A_154 = arith.mulf %concatenate3A_153, %mul3A_88 : vector<1000x128xf32>
    %get3A_155 = arith.constant 0 : index
    %get3A_156 = arith.constant 0 : index
    %get3A_157 = vector.load %arg7[%get3A_155, %get3A_156] : memref<1000x1xf32, #tpu.memory_space<vmem>>, vector<1000x1xf32>
    %mul3A_158 = vector.broadcast %get3A_157 : vector<1000x1xf32> to vector<1000x128xf32>
    %mul3A_159 = arith.mulf %mul3A_91, %mul3A_158 : vector<1000x128xf32>
    %add3A_160 = arith.addf %mul3A_154, %mul3A_159 : vector<1000x128xf32>
    %swap3A_161 = arith.constant 0 : index
    %swap3A_162 = arith.constant 0 : index
    %swap3A_163 = vector.load %arg20[%swap3A_161, %swap3A_162] : memref<1000x128xf32, #tpu.memory_space<vmem>>, vector<1000x128xf32>
    tpu.vector_store %arg20[%swap3A_161, %swap3A_162], %add3A_160 {strides = array<i32>} : memref<1000x128xf32, #tpu.memory_space<vmem>>, vector<1000x128xf32>,
    return
  }
  func.func @transform_0(%arg0: i32) -> (i32, i32) {
    %c0_i32 = arith.constant 0 : i32
    %c0_i32_0 = arith.constant 0 : i32
    return %arg0, %c0_i32 : i32, i32
  }
  func.func @transform_1(%arg0: i32) -> (i32, i32) {
    %c0_i32 = arith.constant 0 : i32
    %c0_i32_0 = arith.constant 0 : i32
    return %arg0, %c0_i32 : i32, i32
  }
  func.func @transform_2(%arg0: i32) -> (i32, i32) {
    %c0_i32 = arith.constant 0 : i32
    %c0_i32_0 = arith.constant 0 : i32
    return %arg0, %c0_i32 : i32, i32
  }
  func.func @transform_3(%arg0: i32) -> (i32, i32) {
    %c0_i32 = arith.constant 0 : i32
    %c0_i32_0 = arith.constant 0 : i32
    return %arg0, %c0_i32 : i32, i32
  }
  func.func @transform_4(%arg0: i32) -> (i32, i32) {
    %c0_i32 = arith.constant 0 : i32
    %c0_i32_0 = arith.constant 0 : i32
    return %arg0, %c0_i32 : i32, i32
  }
  func.func @transform_5(%arg0: i32) -> (i32, i32) {
    %c0_i32 = arith.constant 0 : i32
    %c0_i32_0 = arith.constant 0 : i32
    return %arg0, %c0_i32 : i32, i32
  }
  func.func @transform_6(%arg0: i32) -> (i32, i32) {
    %c0_i32 = arith.constant 0 : i32
    %c0_i32_0 = arith.constant 0 : i32
    return %arg0, %c0_i32 : i32, i32
  }
  func.func @transform_7(%arg0: i32) -> (i32, i32) {
    %c0_i32 = arith.constant 0 : i32
    %c0_i32_0 = arith.constant 0 : i32
    %c0_i32_1 = arith.constant 0 : i32
    return %c0_i32, %c0_i32_0 : i32, i32
  }
  func.func @transform_8(%arg0: i32) -> (i32, i32) {
    %c0_i32 = arith.constant 0 : i32
    %c0_i32_0 = arith.constant 0 : i32
    %c0_i32_1 = arith.constant 0 : i32
    return %c0_i32, %c0_i32_0 : i32, i32
  }
  func.func @transform_9(%arg0: i32) -> (i32, i32) {
    %c0_i32 = arith.constant 0 : i32
    %c0_i32_0 = arith.constant 0 : i32
    %c0_i32_1 = arith.constant 0 : i32
    return %c0_i32, %c0_i32_0 : i32, i32
  }
  func.func @transform_10(%arg0: i32) -> (i32, i32) {
    %c0_i32 = arith.constant 0 : i32
    %c0_i32_0 = arith.constant 0 : i32
    %c0_i32_1 = arith.constant 0 : i32
    return %c0_i32, %c0_i32_0 : i32, i32
  }
  func.func @transform_11(%arg0: i32) -> (i32, i32) {
    %c0_i32 = arith.constant 0 : i32
    %c0_i32_0 = arith.constant 0 : i32
    %c0_i32_1 = arith.constant 0 : i32
    return %c0_i32, %c0_i32_0 : i32, i32
  }
  func.func @transform_12(%arg0: i32) -> (i32, i32) {
    %c0_i32 = arith.constant 0 : i32
    %c0_i32_0 = arith.constant 0 : i32
    %c0_i32_1 = arith.constant 0 : i32
    return %c0_i32, %c0_i32_0 : i32, i32
  }
  func.func @transform_13(%arg0: i32) -> (i32, i32) {
    %c0_i32 = arith.constant 0 : i32
    %c0_i32_0 = arith.constant 0 : i32
    %c0_i32_1 = arith.constant 0 : i32
    return %c0_i32, %c0_i32_0 : i32, i32
  }
  func.func @transform_14(%arg0: i32) -> (i32, i32) {
    %c0_i32 = arith.constant 0 : i32
    %c0_i32_0 = arith.constant 0 : i32
    %c0_i32_1 = arith.constant 0 : i32
    return %c0_i32, %c0_i32_0 : i32, i32
  }
  func.func @transform_15(%arg0: i32) -> (i32, i32) {
    %c0_i32 = arith.constant 0 : i32
    %c0_i32_0 = arith.constant 0 : i32
    %c0_i32_1 = arith.constant 0 : i32
    return %c0_i32, %c0_i32_0 : i32, i32
  }
  func.func @transform_16(%arg0: i32) -> (i32, i32) {
    %c0_i32 = arith.constant 0 : i32
    %c0_i32_0 = arith.constant 0 : i32
    return %arg0, %c0_i32 : i32, i32
  }
  func.func @transform_17(%arg0: i32) -> (i32, i32) {
    %c0_i32 = arith.constant 0 : i32
    %c0_i32_0 = arith.constant 0 : i32
    return %arg0, %c0_i32 : i32, i32
  }
  func.func @transform_18(%arg0: i32) -> (i32, i32) {
    %c0_i32 = arith.constant 0 : i32
    %c0_i32_0 = arith.constant 0 : i32
    return %arg0, %c0_i32 : i32, i32
  }
  func.func @transform_19(%arg0: i32) -> (i32, i32) {
    %c0_i32 = arith.constant 0 : i32
    %c0_i32_0 = arith.constant 0 : i32
    return %arg0, %c0_i32 : i32, i32
  }
}

module attributes {stable_mosaic.version = 14 : i64} {
  func.func @_final_body(%arg0: i32, %arg1: memref<2000x128xf32, #tpu.memory_space<vmem>>, %arg2: memref<2000x128xf32, #tpu.memory_space<vmem>>, %arg3: memref<2000x128xf32, #tpu.memory_space<vmem>>, %arg4: memref<2000x128xf32, #tpu.memory_space<vmem>>, %arg5: memref<2000x128xf32, #tpu.memory_space<vmem>>, %arg6: memref<2000x3x128xf32, #tpu.memory_space<vmem>>, %arg7: memref<128x384xf32, #tpu.memory_space<vmem>>, %arg8: memref<1x384xf32, #tpu.memory_space<vmem>>, %arg9: memref<2000x128xf32, #tpu.memory_space<vmem>>, %arg10: memref<2000x3x128xf32, #tpu.memory_space<vmem>>) attributes {dimension_semantics = [#tpu.dimension_semantics<arbitrary>], iteration_bounds = array<i64: 5>, scalar_prefetch = 0 : i64, scratch_operands = 0 : i64, tpu.core_type = #tpu.core_type<tc>, window_params = [{transform_indices = @transform_0, window_bounds = array<i64: 2000, 128>}, {transform_indices = @transform_1, window_bounds = array<i64: 2000, 128>}, {transform_indices = @transform_2, window_bounds = array<i64: 2000, 128>}, {transform_indices = @transform_3, window_bounds = array<i64: 2000, 128>}, {transform_indices = @transform_4, window_bounds = array<i64: 2000, 128>}, {transform_indices = @transform_5, window_bounds = array<i64: 2000, 3, 128>}, {pipeline_mode = #tpu.pipeline_mode<synchronous>, transform_indices = @transform_6, window_bounds = array<i64: 128, 384>}, {pipeline_mode = #tpu.pipeline_mode<synchronous>, transform_indices = @transform_7, window_bounds = array<i64: 1, 384>}, {transform_indices = @transform_8, window_bounds = array<i64: 2000, 128>}, {transform_indices = @transform_9, window_bounds = array<i64: 2000, 3, 128>}]} {
    %get3A = arith.constant 0 : index
    %get3A_0 = arith.constant 0 : index
    %get3A_1 = vector.load %arg1[%get3A, %get3A_0] : memref<2000x128xf32, #tpu.memory_space<vmem>>, vector<2000x128xf32>
    %get3A_2 = arith.constant 0 : index
    %get3A_3 = arith.constant 0 : index
    %get3A_4 = vector.load %arg7[%get3A_2, %get3A_3] : memref<128x384xf32, #tpu.memory_space<vmem>>, vector<128x384xf32>
    %dot_general3A = arith.constant dense<0.000000e+00> : vector<2000x384xf32>
    %dot_general3A_5 = tpu.matmul %get3A_1, %get3A_4, %dot_general3A {dimension_numbers = #tpu.dot_dimension_numbers<[1], [0], [0], [1], [0, 0, 1, 1], [], []>, transpose_lhs_hint = false} : vector<2000x128xf32>, vector<128x384xf32>, vector<2000x384xf32> -> vector<2000x384xf32>
    %get3A_6 = arith.constant 0 : index
    %get3A_7 = arith.constant 0 : index
    %get3A_8 = vector.load %arg8[%get3A_6, %get3A_7] : memref<1x384xf32, #tpu.memory_space<vmem>>, vector<1x384xf32>
    %add3A = vector.broadcast %get3A_8 : vector<1x384xf32> to vector<2000x384xf32>
    %add3A_9 = arith.addf %dot_general3A_5, %add3A : vector<2000x384xf32>
    %slice3A = vector.extract_strided_slice %add3A_9 {offsets = [0, 0], sizes = [2000, 128], strides = [1, 1]} : vector<2000x384xf32> to vector<2000x128xf32>
    %slice3A_10 = vector.extract_strided_slice %add3A_9 {offsets = [0, 128], sizes = [2000, 128], strides = [1, 1]} : vector<2000x384xf32> to vector<2000x128xf32>
    %slice3A_11 = vector.extract_strided_slice %add3A_9 {offsets = [0, 256], sizes = [2000, 128], strides = [1, 1]} : vector<2000x384xf32> to vector<2000x128xf32>
    %get3A_12 = arith.constant 0 : index
    %get3A_13 = arith.constant 0 : index
    %get3A_14 = vector.load %arg5[%get3A_12, %get3A_13] : memref<2000x128xf32, #tpu.memory_space<vmem>>, vector<2000x128xf32>
    %mul3A = arith.mulf %get3A_14, %slice3A_10 : vector<2000x128xf32>
    %add3A_15 = arith.addf %mul3A, %slice3A_11 : vector<2000x128xf32>
    %swap3A = arith.constant 0 : index
    %swap3A_16 = arith.constant 0 : index
    %swap3A_17 = vector.load %arg9[%swap3A, %swap3A_16] : memref<2000x128xf32, #tpu.memory_space<vmem>>, vector<2000x128xf32>
    tpu.vector_store %arg9[%swap3A, %swap3A_16], %add3A_15 {strides = array<i32>} : memref<2000x128xf32, #tpu.memory_space<vmem>>, vector<2000x128xf32>,
    %get3A_18 = arith.constant 0 : index
    %get3A_19 = arith.constant 0 : index
    %get3A_20 = arith.constant 0 : index
    %get3A_21 = vector.load %arg6[%get3A_18, %get3A_19, %get3A_20] : memref<2000x3x128xf32, #tpu.memory_space<vmem>>, vector<2000x1x128xf32>
    %get3A_22 = vector.shape_cast %get3A_21 : vector<2000x1x128xf32> to vector<2000x128xf32>
    %mul3A_23 = arith.mulf %get3A_22, %slice3A : vector<2000x128xf32>
    %get3A_24 = arith.constant 0 : index
    %get3A_25 = arith.constant 0 : index
    %get3A_26 = vector.load %arg2[%get3A_24, %get3A_25] : memref<2000x128xf32, #tpu.memory_space<vmem>>, vector<2000x128xf32>
    %add3A_27 = arith.addf %mul3A_23, %get3A_26 : vector<2000x128xf32>
    %swap3A_28 = arith.constant 0 : index
    %swap3A_29 = arith.constant 0 : index
    %swap3A_30 = arith.constant 0 : index
    %swap3A_31 = vector.load %arg10[%swap3A_28, %swap3A_29, %swap3A_30] : memref<2000x3x128xf32, #tpu.memory_space<vmem>>, vector<2000x1x128xf32>
    %swap3A_32 = vector.shape_cast %swap3A_31 : vector<2000x1x128xf32> to vector<2000x128xf32>
    %swap3A_33 = vector.shape_cast %add3A_27 : vector<2000x128xf32> to vector<2000x1x128xf32>
    tpu.vector_store %arg10[%swap3A_28, %swap3A_29, %swap3A_30], %swap3A_33 {strides = array<i32>} : memref<2000x3x128xf32, #tpu.memory_space<vmem>>, vector<2000x1x128xf32>,
    %get3A_34 = arith.constant 0 : index
    %get3A_35 = arith.constant 1 : index
    %get3A_36 = arith.constant 0 : index
    %get3A_37 = vector.load %arg6[%get3A_34, %get3A_35, %get3A_36] : memref<2000x3x128xf32, #tpu.memory_space<vmem>>, vector<2000x1x128xf32>
    %get3A_38 = vector.shape_cast %get3A_37 : vector<2000x1x128xf32> to vector<2000x128xf32>
    %mul3A_39 = arith.mulf %get3A_38, %slice3A : vector<2000x128xf32>
    %get3A_40 = arith.constant 0 : index
    %get3A_41 = arith.constant 0 : index
    %get3A_42 = vector.load %arg3[%get3A_40, %get3A_41] : memref<2000x128xf32, #tpu.memory_space<vmem>>, vector<2000x128xf32>
    %add3A_43 = arith.addf %mul3A_39, %get3A_42 : vector<2000x128xf32>
    %swap3A_44 = arith.constant 0 : index
    %swap3A_45 = arith.constant 1 : index
    %swap3A_46 = arith.constant 0 : index
    %swap3A_47 = vector.load %arg10[%swap3A_44, %swap3A_45, %swap3A_46] : memref<2000x3x128xf32, #tpu.memory_space<vmem>>, vector<2000x1x128xf32>
    %swap3A_48 = vector.shape_cast %swap3A_47 : vector<2000x1x128xf32> to vector<2000x128xf32>
    %swap3A_49 = vector.shape_cast %add3A_43 : vector<2000x128xf32> to vector<2000x1x128xf32>
    tpu.vector_store %arg10[%swap3A_44, %swap3A_45, %swap3A_46], %swap3A_49 {strides = array<i32>} : memref<2000x3x128xf32, #tpu.memory_space<vmem>>, vector<2000x1x128xf32>,
    %get3A_50 = arith.constant 0 : index
    %get3A_51 = arith.constant 2 : index
    %get3A_52 = arith.constant 0 : index
    %get3A_53 = vector.load %arg6[%get3A_50, %get3A_51, %get3A_52] : memref<2000x3x128xf32, #tpu.memory_space<vmem>>, vector<2000x1x128xf32>
    %get3A_54 = vector.shape_cast %get3A_53 : vector<2000x1x128xf32> to vector<2000x128xf32>
    %mul3A_55 = arith.mulf %get3A_54, %slice3A : vector<2000x128xf32>
    %get3A_56 = arith.constant 0 : index
    %get3A_57 = arith.constant 0 : index
    %get3A_58 = vector.load %arg4[%get3A_56, %get3A_57] : memref<2000x128xf32, #tpu.memory_space<vmem>>, vector<2000x128xf32>
    %add3A_59 = arith.addf %mul3A_55, %get3A_58 : vector<2000x128xf32>
    %swap3A_60 = arith.constant 0 : index
    %swap3A_61 = arith.constant 2 : index
    %swap3A_62 = arith.constant 0 : index
    %swap3A_63 = vector.load %arg10[%swap3A_60, %swap3A_61, %swap3A_62] : memref<2000x3x128xf32, #tpu.memory_space<vmem>>, vector<2000x1x128xf32>
    %swap3A_64 = vector.shape_cast %swap3A_63 : vector<2000x1x128xf32> to vector<2000x128xf32>
    %swap3A_65 = vector.shape_cast %add3A_59 : vector<2000x128xf32> to vector<2000x1x128xf32>
    tpu.vector_store %arg10[%swap3A_60, %swap3A_61, %swap3A_62], %swap3A_65 {strides = array<i32>} : memref<2000x3x128xf32, #tpu.memory_space<vmem>>, vector<2000x1x128xf32>,
    return
  }
  func.func @transform_0(%arg0: i32) -> (i32, i32) {
    %c0_i32 = arith.constant 0 : i32
    %c0_i32_0 = arith.constant 0 : i32
    return %arg0, %c0_i32 : i32, i32
  }
  func.func @transform_1(%arg0: i32) -> (i32, i32) {
    %c0_i32 = arith.constant 0 : i32
    %c0_i32_0 = arith.constant 0 : i32
    return %arg0, %c0_i32 : i32, i32
  }
  func.func @transform_2(%arg0: i32) -> (i32, i32) {
    %c0_i32 = arith.constant 0 : i32
    %c0_i32_0 = arith.constant 0 : i32
    return %arg0, %c0_i32 : i32, i32
  }
  func.func @transform_3(%arg0: i32) -> (i32, i32) {
    %c0_i32 = arith.constant 0 : i32
    %c0_i32_0 = arith.constant 0 : i32
    return %arg0, %c0_i32 : i32, i32
  }
  func.func @transform_4(%arg0: i32) -> (i32, i32) {
    %c0_i32 = arith.constant 0 : i32
    %c0_i32_0 = arith.constant 0 : i32
    return %arg0, %c0_i32 : i32, i32
  }
  func.func @transform_5(%arg0: i32) -> (i32, i32, i32) {
    %c0_i32 = arith.constant 0 : i32
    %c0_i32_0 = arith.constant 0 : i32
    %c0_i32_1 = arith.constant 0 : i32
    return %arg0, %c0_i32, %c0_i32_0 : i32, i32, i32
  }
  func.func @transform_6(%arg0: i32) -> (i32, i32) {
    %c0_i32 = arith.constant 0 : i32
    %c0_i32_0 = arith.constant 0 : i32
    %c0_i32_1 = arith.constant 0 : i32
    return %c0_i32, %c0_i32_0 : i32, i32
  }
  func.func @transform_7(%arg0: i32) -> (i32, i32) {
    %c0_i32 = arith.constant 0 : i32
    %c0_i32_0 = arith.constant 0 : i32
    %c0_i32_1 = arith.constant 0 : i32
    return %c0_i32, %c0_i32_0 : i32, i32
  }
  func.func @transform_8(%arg0: i32) -> (i32, i32) {
    %c0_i32 = arith.constant 0 : i32
    %c0_i32_0 = arith.constant 0 : i32
    return %arg0, %c0_i32 : i32, i32
  }
  func.func @transform_9(%arg0: i32) -> (i32, i32, i32) {
    %c0_i32 = arith.constant 0 : i32
    %c0_i32_0 = arith.constant 0 : i32
    %c0_i32_1 = arith.constant 0 : i32
    return %arg0, %c0_i32, %c0_i32_0 : i32, i32, i32
  }
}

</mosaic_0001>

<sc_bundles>
// kernel: kernel.10.cloned.1.call-start
scs
__scs_entry_jumppad:
0x0: {  	(pc) =	sbr.rel $0x88, $3  }
0x1: {  	(tag) =	ssettag $0x0;
	lr =	simm.s32 $0x1  }
0x2: {  	[smem:$0x3F8C] =	sst lr;
	_ =	strace $0xD0000000  }
0x3: {  	_ = 	snop  }
0x4: {  	_ = 	snop  }
0x5: {  	_ = 	snop  }
0x6: {  	_ = 	snop  }
0x7: {  	_ = 	snop  }
__scs_overlays_trampoline_lowered:
0x8: {  	[smem:$0x3F9B] =	sst s0  }
0x9: {  	[smem:$0x3F9C] =	sst s1  }
0xa: {  	[smem:$0x3F9D] =	sst s2  }
0xb: {  	[smem:$0x3F9E] =	sst s3  }
0xc: {  	[smem:$0x3F9F] =	sst s4  }
0xd: {  	[smem:$0x3FA0] =	sst s5  }
0xe: {  	[smem:$0x3FA1] =	sst s6  }
0xf: {  	[smem:$0x3FA2] =	sst s7  }
0x10: {  	[smem:$0x3FA3] =	sst s8  }
0x11: {  	[smem:$0x3FA4] =	sst s9;
	s0 =	simm.s32 @!p0 $0x0  }
0x12: {  	s1 =	sld [smem:$0x3F8A];
	s0 =	simm.s32 @p0 $0x1  }
0x13: {  	[smem:$0x3FA5] =	sst s0;
	s0 =	simm.s32 @!p1 $0x0  }
0x14: {  	s2 =	sld [smem:$0x3F89];
	s0 =	simm.s32 @p1 $0x1  }
0x15: {  	[smem:$0x3FA6] =	sst s0;
	s0 =	simm.s32 @!p2 $0x0  }
0x16: {  	s3 =	sld [smem:$0x3FDB];
	s0 =	simm.s32 @p2 $0x1  }
0x17: {  	s4 =	simm.s32 $0x1BF5;
	[smem:$0x3FA8] =	sst s0  }
0x18: {  	s0 =	sld [smem:$0x3F8B];
	_ =	swait.ge [sflag:s4], $0x0  }
0x19: {  	s7 =	sld [smem:$0x3F8C]  }
0x1a: {  	s8 =	sadd.s32 $0xFFFFE003, lr  }
0x1b: {  	s9 =	sadd.s32 $0xFFFFFEF7, lr;
	s5 =	simm.s32 $0xFFFFFFFF;
	p2 =	slt.u32 s8, $0xFFFFF086  }
0x1c: {  	p1 =	slt.u32 s9, $0xF7A;
	s5 =	simm.s32 @!p2 $0x0  }
0x1d: {  	s5 =	simm.s32 @p1 $0x1;
	p0 =	seq.s32 s7, s2  }
0x1e: {  	s7 =	smul.u32 @!p0 $0xF7A, s2;
	p2 =	seq.s32 @!p0 s5, $0x0  }
0x1f: {  	s9 =	smul.u32 $0xF7A, s1;
	s8 =	simm.s32 @!p0 $0x1BF5;
	p2 =	por !p2, p0  }
0x20: {  	[sflag:s8] =	ssyncset.s32 @!p0 $0xFFFFF086;
	s6 =	sadd.s32 @!p0 s3, s7;
	s7 =	simm.s32 @!p0 $0x108  }
0x21: {  	s3 =	sadd.s32 s3, s9;
	s6 =	sadd.s32 @!p0 $0x88, s6;
	s7 =	simm.s32 @p2 $0x1082  }
0x22: {  	[simem:s7], [sflag:s8] =	dma.local @!p0 [hbm:s6], $0xF7A  }
0x23: {  	s9 =	sor.u32 $0xD0000000, s2;
	s6 =	simm.s32 $0x108;
	_ =	swait.ge @!p0 [sflag:s8], $0x0  }
0x24: {  	s3 =	sadd.s32 $0x88, s3;
	s6 =	simm.s32 @!p1 $0x1082;
	[sflag:s4] =	ssyncset.s32 $0xFFFFF086  }
0x25: {  	[simem:s6], [sflag:s4] =	dma.local [hbm:s3], $0xF7A  }
0x26: {  	[smem:$0x3F8C] =	sst s1;
	(tag) =	ssettag s2;
	_ =	strace s9  }
0x27: {  	s1 =	sld [smem:$0x3F9C]  }
0x28: {  	s2 =	sld [smem:$0x3F9D]  }
0x29: {  	s4 =	sld [smem:$0x3F9F]  }
0x2a: {  	p0 =	seq.s32 s5, $0x0;
	s5 =	sld [smem:$0x3FA0]  }
0x2b: {  	s6 =	sld [smem:$0x3FA1]  }
0x2c: {  	s7 =	sld [smem:$0x3FA2]  }
0x2d: {  	s3 =	simm.s32 $0x108;
	s8 =	sld [smem:$0x3FA3]  }
0x2e: {  	s3 =	simm.s32 @!p0 $0x1082;
	s9 =	sld [smem:$0x3FA4]  }
0x2f: {  	lr =	sadd.s32 s0, s3;
	s0 =	sld [smem:$0x3F9B]  }
0x30: {  	s3 =	sld [smem:$0x3F9E]  }
0x31: {  	[smem:$0x3FA7] =	sst s10  }
0x32: {  	s10 =	sld [smem:$0x3FA5];
	_ =	sdelay $0x3  }
0x33: {  	p0 =	seq.s32 s10, $0x1;
	s10 =	sld [smem:$0x3FA7];
	_ =	sdelay $0x3  }
0x34: {  	[smem:$0x3FA7] =	sst s10  }
0x35: {  	s10 =	sld [smem:$0x3FA6];
	_ =	sdelay $0x3  }
0x36: {  	p1 =	seq.s32 s10, $0x1;
	s10 =	sld [smem:$0x3FA7];
	_ =	sdelay $0x3  }
0x37: {  	[smem:$0x3FA7] =	sst s10  }
0x38: {  	s10 =	sld [smem:$0x3FA8]  }
0x39: {  	_ = 	snop;
	(pc) =	sbr.ind lr, $3  }
0x3a: {  	_ = 	snop  }
0x3b: {  	_ = 	snop  }
0x3c: {  	p2 =	seq.s32 s10, $0x1;
	s10 =	sld [smem:$0x3FA7]  }
0x3d: {  	_ =	shalt  }
0x3e: {  	_ =	shalt  }
0x3f: {  	_ =	shalt  }
0x40: {  	_ =	shalt  }
0x41: {  	_ =	shalt  }
0x42: {  	_ =	shalt  }
0x43: {  	_ =	shalt  }
0x44: {  	_ =	shalt  }
0x45: {  	_ =	shalt  }
0x46: {  	_ =	shalt  }
0x47: {  	_ =	shalt  }
0x48: {  	_ =	shalt  }
0x49: {  	_ =	shalt  }
0x4a: {  	_ =	shalt  }
0x4b: {  	_ =	shalt  }
0x4c: {  	_ =	shalt  }
0x4d: {  	_ =	shalt  }
0x4e: {  	_ =	shalt  }
0x4f: {  	_ =	shalt  }
0x50: {  	_ =	shalt  }
0x51: {  	_ =	shalt  }
0x52: {  	_ =	shalt  }
0x53: {  	_ =	shalt  }
0x54: {  	_ =	shalt  }
0x55: {  	_ =	shalt  }
0x56: {  	_ =	shalt  }
0x57: {  	_ =	shalt  }
0x58: {  	_ =	shalt  }
0x59: {  	_ =	shalt  }
0x5a: {  	_ =	shalt  }
0x5b: {  	_ =	shalt  }
0x5c: {  	_ =	shalt  }
0x5d: {  	_ =	shalt  }
0x5e: {  	_ =	shalt  }
0x5f: {  	_ =	shalt  }
0x60: {  	_ =	shalt  }
0x61: {  	_ =	shalt  }
0x62: {  	_ =	shalt  }
0x63: {  	_ =	shalt  }
0x64: {  	_ =	shalt  }
0x65: {  	_ =	shalt  }
0x66: {  	_ =	shalt  }
0x67: {  	_ =	shalt  }
0x68: {  	_ =	shalt  }
0x69: {  	_ =	shalt  }
0x6a: {  	_ =	shalt  }
0x6b: {  	_ =	shalt  }
0x6c: {  	_ =	shalt  }
0x6d: {  	_ =	shalt  }
0x6e: {  	_ =	shalt  }
0x6f: {  	_ =	shalt  }
0x70: {  	_ =	shalt  }
0x71: {  	_ =	shalt  }
0x72: {  	_ =	shalt  }
0x73: {  	_ =	shalt  }
0x74: {  	_ =	shalt  }
0x75: {  	_ =	shalt  }
0x76: {  	_ =	shalt  }
0x77: {  	_ =	shalt  }
0x78: {  	_ =	shalt  }
0x79: {  	_ =	shalt  }
0x7a: {  	_ =	shalt  }
0x7b: {  	_ =	shalt  }
0x7c: {  	_ =	shalt  }
0x7d: {  	_ =	shalt  }
0x7e: {  	_ =	shalt  }
0x7f: {  	_ =	shalt  }
0x80: {  	_ =	shalt  }
0x81: {  	_ =	shalt  }
0x82: {  	_ =	shalt  }
0x83: {  	_ =	shalt  }
0x84: {  	_ =	shalt  }
0x85: {  	_ =	shalt  }
0x86: {  	_ =	shalt  }
0x87: {  	_ =	shalt  }
.Lfunc_end0:
.L_simem_size_0:
called_computation.1_lowered:
.L_overlay_start_0:
0x88: {  	s2 =	sld [smem:$0x3FD9]  }
0x89: {  	s3 =	sld [smem:$0x3FFE];
	_ =	sdelay $0x1  }
0x8a: {  	s1 =	srdreg.scid  }
0x8b: {  	s0 =	sand.u32 $0x1, s1  }
0x8c: {  	s14 =	sshll.u32 s0, $0xA;
	s2 =	sadd.s32 s3, s2  }
0x8d: {  	s2 =	sadd.s32 s2, s14  }
0x8e: {  	[smem:$0x3FB3] =	sst s2  }
0x8f: {  	_ = 	snop  }
0x90: {  	s2 =	sld [smem:$0x3FD0];
	_ =	sdelay $0x2  }
0x91: {  	s15 =	simm.s32 $0xA;
	s4 =	simm.s32 $0x10  }
0x92: {  	[smem:s4], [sflag:s15] =	dma.local [hbm:s2], $0x1  }
0x93: {  	_ =	swait.eq [sflag:s15], $0x1  }
0x94: {  	[sflag:s15] =	ssyncset.done $0x0  }
0x95: {  	[sflag:s15] =	ssyncadd.s32 $0xFFFFFFFF  }
0x96: {  	s16 =	sld [smem:$0x11];
	(tm) =	ssettm $0x1  }
0x97: {  	s17 =	sld [smem:$0x3FFB];
	_ =	sdelay $0x3  }
0x98: {  	_ =	strace s17  }
0x99: {  	s3 =	sld [smem:$0x3FFC];
	_ =	sdelay $0x3  }
0x9a: {  	_ =	strace s3  }
0x9b: {  	s3 =	sld [smem:$0x3FFD];
	_ =	sdelay $0x3  }
0x9c: {  	_ =	strace s3  }
0x9d: {  	_ =	strace $0x8FFFFFFF  }
0x9e: {  	s18 =	sld [smem:$0x3FDB];
	_ =	sdelay $0x1  }
0x9f: {  	s19 =	simm.s32 $_scs_section_size  }
0xa0: {  	s5 =	simm.s32 $_size__tile_overlayer_lowered;
	s6 =	simm.s32 $_tile_overlayer_lowered  }
0xa1: {  	s22 =	simm.s32 $0x1BFF;
	s21 =	sshll.u32 s6, $0x1;
	s3 =	sadd.s32 s19, s18  }
0xa2: {  	s7 =	simm.s32 $0x0;
	s20 =	sshll.u32 s5, $0x1;
	s5 =	sadd.s32 s21, s3  }
0xa3: {  	[timem:s7], [sflag:s22] =	dma.local [hbm:s5], s20  }
0xa4: {  	_ =	swait.ge [sflag:s22], s20  }
0xa5: {  	s4 =	ssub.s32 $0x0, s20;
	[sflag:s22] =	ssyncset.done $0x0  }
0xa6: {  	[sflag:s22] =	ssyncadd.s32 s4;
	_ =	sdelay $0x1  }
0xa7: {  	s23 =	simm.s32 $0x1B8B  }
0xa8: {  	_ =	swait.ge [sflag:s23], $0x1  }
0xa9: {  	[sflag:s23] =	ssyncset.done $0x0  }
0xaa: {  	s25 =	simm.s32 $0x1B8E;
	s24 =	sld [smem:$0x3FFE];
	[sflag:s23] =	ssyncadd.s32 $0xFFFFFFFF  }
0xab: {  	s26 =	simm.s32 $execute0_lowered;
	[smem:$0x3FD2] =	sst s25  }
0xac: {  	s5 =	sshll.u32 s26, $0x1;
	_ =	strace $0x80000049;
	[dreg:$0x1] =	wrdreg $0xFFFFFFFF  }
0xad: {  	s28 =	simm.s32 $_size_execute0_lowered;
	s3 =	sadd.s32 s3, s5;
	[dreg:$0x0] =	wrdreg $0x0  }
0xae: {  	s5 =	sshll.u32 s28, $0x1;
	[dreg:$0x2] =	wrdreg s3  }
0xaf: {  	[dreg:$0x3] =	wrdreg s5  }
0xb0: {  	[dreg:$0x4] =	wrdreg $0xC0  }
0xb1: {  	_ =	task [dreg:s7], $0x5FFFF  }
0xb2: {  	[dreg:$0x1] =	wrdreg $0xFFFFFFFF  }
0xb3: {  	[dreg:$0x0] =	wrdreg $0x60  }
0xb4: {  	[dreg:$0x2] =	wrdreg s24  }
0xb5: {  	[dreg:$0x3] =	wrdreg s16  }
0xb6: {  	[dreg:$0x4] =	wrdreg $0x90000  }
0xb7: {  	[dreg:$0x5] =	wrdreg $0x9  }
0xb8: {  	_ =	task.clear_ibuf [dreg:s7], $0x6FFFF;
	_ =	strace $0x90000049  }
0xb9: {  	s29 =	simm.s32 $0x9;
	_ =	strace $0x8000004B  }
0xba: {  	_ =	swait.ge [sflag:s29], $0x1  }
0xbb: {  	[sflag:s29] =	ssyncadd.s32 $0xFFFFFFFF  }
0xbc: {  	_ =	strace $0x9000004B  }
0xbd: {  	_ =	sfence  }
0xbe: {  	s30 =	sld [smem:$0x0];
	_ =	sdelay $0x2  }
0xbf: {  	s31 =	sshll.u32 s1, $0xD;
	s1 =	sshrl.u32 s1, $0x2  }
0xc0: {  	s3 =	sand.u32 $0x4000, s31;
	s1 =	sadd.s32 s1, s30  }
0xc1: {  	s0 =	sor.u32 s3, s0;
	s1 =	sshll.u32 s1, $0x11  }
0xc2: {  	s0 =	sor.u32 s1, s0  }
0xc3: {  	s0 =	sadd.s32 $0x8F2B, s0  }
0xc4: {  	[sflag:s0] =	ssyncadd.remote.s32 $0x1  }
0xc5: {  	_ =	sfence.sel $0xFFFF  }
0xc6: {  	[dreg:$0x0] =	wrdreg $0xFFFFFFFF;
	(pc) =	sbr.abs _section_cstart, $3  }
0xc7: {  	[dreg:$0x1] =	wrdreg $0xFFFFFFFF  }
0xc8: {  	_ =	task.clear_ibuf [dreg:s7], $0x2FFFF;
	_ =	strace $0x9FFFFFFF  }
0xc9: {  	(tm) =	ssettm $0x7FFFFFFF  }
tec
execute0_lowered:
.L_overlay_start_1:
0x0: {  	(tag) =	ssettag $0x1  }
0x1: {  	s0 =	rddreg [dreg:$0x0]  }
0x2: {  	s4 =	rddreg [dreg:$0x1]  }
0x3: {  	s1 =	rddreg [dreg:$0x2];
	s2 =	simm.s32 $0x0  }
0x4: {  	s3 =	stileid.u32;
	s7 =	sadd.s32 $0x14CF600, s0;
	s5 =	sadd.s32 $0x1740600, s0  }
0x5: {  	s9 =	srdreg.scid;
	s8 =	sadd.s32 $0x19B1600, s0;
	s6 =	smul.u32 $0x2800, s3  }
0x6: {  	s31 =	simm.s32 $0x3;
	s15 =	sadd.s32 $0x1C22600, s0;
	s14 =	smul.u32 $0x50000, s3  }
0x7: {  	[smem:$0x7FF] =	sst s2;
	s10 =	sshll.u32 s3, $0xB;
	s16 =	smul.u32 $0x138800, s3  }
0x8: {  	s11 =	sand.u32 $0x1, s9;
	s24 =	sadd.s32 $0x5C000, s0;
	s18 =	smul.u32 $0x27100, s3  }
0x9: {  	_ =	strace $0x8000004A;
	s23 =	sadd.s32 s10, s0;
	[dreg:$0x6] =	wrdreg s24  }
0xa: {  	s25 =	ssub.s32 $0x2, s11;
	p0 =	seq.s32 s11, $0x1;
	[dreg:$0x4] =	wrdreg s5  }
0xb: {  	[dreg:$0x5] =	wrdreg s15;
	s12 =	sadd.s32 s6, s0;
	s13 =	sshrl.u32 s25, $0x1  }
0xc: {  	s0 =	sadd.s32 $0x16F600, s0;
	s9 =	sadd.s32 $0x2C000, s23;
	s17 =	sshrl.u32 s14, $0x2  }
0xd: {  	s11 =	sadd.s32 s4, s6;
	s22 =	sadd.s32 s5, s18;
	s24 =	sadd.s32 s8, s18  }
0xe: {  	s20 =	sadd.s32 s15, s18;
	s14 =	simm.s32 $0x2;
	[dreg:$0x7] =	wrdreg s0  }
0xf: {  	s26 =	ssub.s32 s25, s13;
	s10 =	sadd.s32 s17, s1;
	s13 =	sshrl.u32 s16, $0x3  }
0x10: {  	s16 =	sadd.s32 s7, s18;
	s21 =	sadd.s32 $0x34000, s12;
	[dreg:$0xb] =	wrdreg s22  }
0x11: {  	s12 =	sadd.s32 $0x147600, s12;
	s28 =	sadd.s32 $0xF00, s22;
	[dreg:$0xd] =	wrdreg s24  }
0x12: {  	s29 =	sadd.s32 $0xF00, s24;
	s30 =	sadd.s32 $0xF00, s20;
	[dreg:$0xa] =	wrdreg s21  }
0x13: {  	s0 =	simm.s32 $0x4000;
	s19 =	sadd.s32 $0x500, s13;
	[dreg:$0xf] =	wrdreg s12  }
0x14: {  	s22 =	simm.s32 $0x0;
	[dreg:$0x8] =	wrdreg s16;
	s13 =	sadd.s32 s7, s19  }
0x15: {  	s21 =	sadd.s32 $0x26C00, s18;
	s5 =	sadd.s32 s5, s19;
	[dreg:$0x9] =	wrdreg s13  }
0x16: {  	s23 =	smax.u32 s26, $0x1;
	s17 =	sadd.s32 s8, s19;
	[dreg:$0xc] =	wrdreg s5  }
.Ltmp0:
0x17: {  	s4 =	sadd.s32 s15, s19;
	[dreg:$0xe] =	wrdreg s17;
	(pc) =	sbr.rel .LBB2_1-.Ltmp0, $4  }
0x18: {  	s18 =	simm.s32 $0x3D80;
	s25 =	sadd.s32 s7, s21;
	[dreg:$0x10] =	wrdreg s4  }
0x19: {  	s26 =	sadd.s32 s8, s21;
	s7 =	simm.s32 $0x6800;
	[dreg:$0x11] =	wrdreg s25  }
0x1a: {  	s8 =	simm.s32 $0x1;
	s19 =	simm.s32 $0x3E00;
	[dreg:$0x12] =	wrdreg s26  }
0x1b: {  	s4 =	sadd.s32 $0xF00, s16;
	s13 =	simm.s32 $0x50;
	s16 =	simm.s32 $0x3D00  }
.LBB2_11:
0x1c: {  	[tilespmem:s7], [sflag:$0x2] =	stream.linear.gather [hbm4b:s26+s2], $0x2800, $0x38;
	[tilespmem:$0x1D000] =	vst v63  }
0x1d: {  	s15 =	rddreg [dreg:$0x5]  }
0x1e: {  	s12 =	rddreg [dreg:$0x7]  }
.LBB2_12:
0x1f: {  	_ =	swait.ge [sflag:s8], $0x2800  }
0x20: {  	[sflag:s8] =	ssyncset.done $0x0  }
0x21: {  	[sflag:s8] =	ssyncadd.s32 $0xFFFFD800  }
0x22: {  	[spmem:s1] =	stream.indirect.scatter.add.f32 [tilespmem:s0], [sflag:$0x3], $0x80, s16, s13, $0xb8;
	[tilespmem:$0x1D000] =	vst v63  }
0x23: {  	_ =	swait.ge [sflag:s31], $0x2800  }
0x24: {  	[sflag:s31] =	ssyncset.done $0x0  }
0x25: {  	s5 =	sadd.s32 s15, s21;
	[sflag:s31] =	ssyncadd.s32 $0xFFFFD800  }
0x26: {  	[tilespmem:s0], [sflag:$0x1] =	stream.linear.gather [hbm4b:s5+s2], $0x2800, $0x38;
	[tilespmem:$0x1D000] =	vst v63  }
0x27: {  	_ =	swait.ge [sflag:s14], $0x2800  }
0x28: {  	[sflag:s14] =	ssyncset.done $0x0  }
0x29: {  	[sflag:s14] =	ssyncadd.s32 $0xFFFFD800  }
0x2a: {  	[spmem:s1] =	stream.indirect.scatter.add.f32 [tilespmem:s7], [sflag:$0x3], $0x80, s18, s13, $0xb8;
	[tilespmem:$0x1D000] =	vst v63  }
0x2b: {  	_ =	swait.ge [sflag:s31], $0x2800  }
0x2c: {  	[sflag:s31] =	ssyncset.done $0x0  }
0x2d: {  	[sflag:s31] =	ssyncadd.s32 $0xFFFFD800  }
0x2e: {  	_ =	swait.ge [sflag:s8], $0x2800  }
0x2f: {  	[sflag:s8] =	ssyncset.done $0x0  }
0x30: {  	[sflag:s8] =	ssyncadd.s32 $0xFFFFD800  }
0x31: {  	[spmem:s1] =	stream.indirect.scatter.add.f32 [tilespmem:s0], [sflag:$0x3], $0x80, s19, s13, $0xb8;
	[tilespmem:$0x1D000] =	vst v63  }
0x32: {  	_ =	swait.ge [sflag:s31], $0x2800  }
0x33: {  	[sflag:s31] =	ssyncset.done $0x0  }
0x34: {  	s22 =	sadd.s32 $0x1, s22;
	[sflag:s31] =	ssyncadd.s32 $0xFFFFD800  }
0x35: {  	s26 =	sadd.s32 s12, s6;
	p1 =	sne.s32 s22, s23;
	[bflag:$0x0] =	sbarrier.arrive $0xFFFF  }
0x36: {  	[hbm:s26], [sflag:s24] =	dma.local [spmem:s25], $0x2800  }
.Ltmp1:
0x37: {  	_ =	swait.ge [sflag:s31], $0x2800;
	(pc) =	sbr.rel @!p1 .LBB2_13-.Ltmp1, $3  }
0x38: {  	[sflag:s31] =	ssyncset.done $0x0  }
0x39: {  	[sflag:s31] =	ssyncadd.s32 $0xFFFFD800  }
0x3a: {  	[bflag:$0x0] =	sbarrier.arrive $0xFFFF;
	_ =	sdelay $0x1  }
.LBB2_1:
0x3b: {  	[tilespmem:s2], [sflag:$0x3] =	stream.linear.gather [hbm4b:s9+s2], $0x3E80, $0x38;
	[tilespmem:$0x1D000] =	vst v63  }
0x3c: {  	_ =	swait.ge [sflag:s31], $0x3E80  }
0x3d: {  	s12 =	sshll.u32 s3, $0x6;
	[sflag:s31] =	ssyncset.done $0x0  }
0x3e: {  	s25 =	sshrl.u32 s10, $0x3;
	s24 =	sor.u32 $0x1C03, s12;
	[sflag:s31] =	ssyncadd.s32 $0xFFFFC180  }
0x3f: {  	[spmem:s25], [sflag:s24] =	dma.local [hbm:s11], $0x2800  }
.Ltmp2:
0x40: {  	_ =	swait.ge [sflag:s31], $0x2800;
	(pc) =	sbr.rel @!p0 .LBB2_2-.Ltmp2, $3  }
0x41: {  	[sflag:s31] =	ssyncset.done $0x0  }
0x42: {  	[sflag:s31] =	ssyncadd.s32 $0xFFFFD800  }
0x43: {  	[bflag:$0x0] =	sbarrier.arrive $0xFFFF;
	_ =	sdelay $0x1  }
0x44: {  	s5 =	simm.s32 $0x0;
	s12 =	rddreg [dreg:$0xd]  }
0x45: {  	[tilespmem:s0], [sflag:$0x1] =	stream.linear.gather [hbm4b:s12+s5], $0x2800, $0x38;
	[tilespmem:$0x1D000] =	vst v63  }
0x46: {  	s26 =	rddreg [dreg:$0xe]  }
0x47: {  	[tilespmem:s7], [sflag:$0x2] =	stream.linear.gather [hbm4b:s26+s5], $0x2800, $0x38;
	[tilespmem:$0x1D000] =	vst v63  }
0x48: {  	_ =	swait.ge [sflag:s8], $0x2800  }
0x49: {  	[sflag:s8] =	ssyncset.done $0x0  }
0x4a: {  	s15 =	simm.s32 $0x0;
	[sflag:s8] =	ssyncadd.s32 $0xFFFFD800  }
0x4b: {  	[spmem:s1] =	stream.indirect.scatter.add.f32 [tilespmem:s0], [sflag:$0x3], $0x80, s15, s13, $0xb8;
	[tilespmem:$0x1D000] =	vst v63  }
0x4c: {  	_ =	swait.ge [sflag:s31], $0x2800  }
0x4d: {  	[sflag:s31] =	ssyncset.done $0x0  }
0x4e: {  	s17 =	sadd.s32 $0xFFFFFB00, s29;
	[sflag:s31] =	ssyncadd.s32 $0xFFFFD800  }
0x4f: {  	[tilespmem:s0], [sflag:$0x1] =	stream.linear.gather [hbm4b:s17+s2], $0x2800, $0x38;
	[tilespmem:$0x1D000] =	vst v63  }
0x50: {  	_ =	swait.ge [sflag:s14], $0x2800  }
0x51: {  	[sflag:s14] =	ssyncset.done $0x0  }
0x52: {  	s26 =	simm.s32 $0x80;
	[sflag:s14] =	ssyncadd.s32 $0xFFFFD800  }
0x53: {  	[spmem:s1] =	stream.indirect.scatter.add.f32 [tilespmem:s7], [sflag:$0x3], $0x80, s26, s13, $0xb8;
	[tilespmem:$0x1D000] =	vst v63  }
0x54: {  	_ =	swait.ge [sflag:s31], $0x2800  }
0x55: {  	s12 =	simm.s32 $0x400;
	[sflag:s31] =	ssyncset.done $0x0  }
0x56: {  	s15 =	sadd.s32 $0xA00, s29;
	s26 =	smov.u32 s29;
	[sflag:s31] =	ssyncadd.s32 $0xFFFFD800  }
.LBB2_8:
0x57: {  	[tilespmem:s7], [sflag:$0x2] =	stream.linear.gather [hbm4b:s26+s2], $0x2800, $0x38;
	[tilespmem:$0x1D000] =	vst v63  }
0x58: {  	s5 =	smov.u32 s12;
	s26 =	smov.u32 s15  }
0x59: {  	p1 =	sne.s32 s12, $0xF000;
	s12 =	sadd.s32 $0x400, s12;
	_ =	swait.ge [sflag:s8], $0x2800  }
0x5a: {  	[sflag:s8] =	ssyncset.done $0x0  }
0x5b: {  	s5 =	sshra.s32 s5, $0x2;
	[sflag:s8] =	ssyncadd.s32 $0xFFFFD800  }
0x5c: {  	[spmem:s1] =	stream.indirect.scatter.add.f32 [tilespmem:s0], [sflag:$0x3], $0x80, s5, s13, $0xb8;
	[tilespmem:$0x1D000] =	vst v63  }
0x5d: {  	_ =	swait.ge [sflag:s31], $0x2800  }
0x5e: {  	[sflag:s31] =	ssyncset.done $0x0  }
0x5f: {  	s17 =	sadd.s32 $0xFFFFFB00, s15;
	[sflag:s31] =	ssyncadd.s32 $0xFFFFD800  }
0x60: {  	[tilespmem:s0], [sflag:$0x1] =	stream.linear.gather [hbm4b:s17+s2], $0x2800, $0x38;
	[tilespmem:$0x1D000] =	vst v63  }
0x61: {  	_ =	swait.ge [sflag:s14], $0x2800  }
0x62: {  	[sflag:s14] =	ssyncset.done $0x0  }
.Ltmp3:
0x63: {  	s5 =	sadd.s32 $0x80, s5;
	[sflag:s14] =	ssyncadd.s32 $0xFFFFD800;
	(pc) =	sbr.rel @p1 .LBB2_8-.Ltmp3, $4  }
0x64: {  	[spmem:s1] =	stream.indirect.scatter.add.f32 [tilespmem:s7], [sflag:$0x3], $0x80, s5, s13, $0xb8;
	[tilespmem:$0x1D000] =	vst v63  }
0x65: {  	_ =	swait.ge [sflag:s31], $0x2800  }
0x66: {  	[sflag:s31] =	ssyncset.done $0x0  }
0x67: {  	s15 =	sadd.s32 $0xA00, s15;
	[sflag:s31] =	ssyncadd.s32 $0xFFFFD800  }
0x68: {  	[tilespmem:s7], [sflag:$0x2] =	stream.linear.gather [hbm4b:s26+s2], $0x2800, $0x38;
	[tilespmem:$0x1D000] =	vst v63  }
0x69: {  	_ =	swait.ge [sflag:s8], $0x2800  }
0x6a: {  	[sflag:s8] =	ssyncset.done $0x0  }
0x6b: {  	[sflag:s8] =	ssyncadd.s32 $0xFFFFD800  }
0x6c: {  	[spmem:s1] =	stream.indirect.scatter.add.f32 [tilespmem:s0], [sflag:$0x3], $0x80, s16, s13, $0xb8;
	[tilespmem:$0x1D000] =	vst v63  }
0x6d: {  	_ =	swait.ge [sflag:s31], $0x2800  }
0x6e: {  	[sflag:s31] =	ssyncset.done $0x0  }
0x6f: {  	s5 =	simm.s32 $0x0;
	s12 =	rddreg [dreg:$0x12];
	[sflag:s31] =	ssyncadd.s32 $0xFFFFD800  }
0x70: {  	[tilespmem:s0], [sflag:$0x1] =	stream.linear.gather [hbm4b:s12+s5], $0x2800, $0x38;
	[tilespmem:$0x1D000] =	vst v63  }
0x71: {  	_ =	swait.ge [sflag:s14], $0x2800  }
0x72: {  	[sflag:s14] =	ssyncset.done $0x0  }
0x73: {  	[sflag:s14] =	ssyncadd.s32 $0xFFFFD800  }
0x74: {  	[spmem:s1] =	stream.indirect.scatter.add.f32 [tilespmem:s7], [sflag:$0x3], $0x80, s18, s13, $0xb8;
	[tilespmem:$0x1D000] =	vst v63  }
0x75: {  	_ =	swait.ge [sflag:s31], $0x2800  }
0x76: {  	[sflag:s31] =	ssyncset.done $0x0  }
0x77: {  	[sflag:s31] =	ssyncadd.s32 $0xFFFFD800  }
0x78: {  	_ =	swait.ge [sflag:s8], $0x2800  }
0x79: {  	[sflag:s8] =	ssyncset.done $0x0  }
0x7a: {  	[sflag:s8] =	ssyncadd.s32 $0xFFFFD800  }
0x7b: {  	[spmem:s1] =	stream.indirect.scatter.add.f32 [tilespmem:s0], [sflag:$0x3], $0x80, s19, s13, $0xb8;
	[tilespmem:$0x1D000] =	vst v63  }
0x7c: {  	_ =	swait.ge [sflag:s31], $0x2800  }
0x7d: {  	[sflag:s31] =	ssyncset.done $0x0  }
0x7e: {  	[sflag:s31] =	ssyncadd.s32 $0xFFFFD800  }
0x7f: {  	[bflag:$0x0] =	sbarrier.arrive $0xFFFF  }
0x80: {  	s17 =	rddreg [dreg:$0xf]  }
0x81: {  	[hbm:s17], [sflag:s24] =	dma.local [spmem:s25], $0x2800  }
0x82: {  	_ =	swait.ge [sflag:s31], $0x2800  }
0x83: {  	[sflag:s31] =	ssyncset.done $0x0  }
0x84: {  	[sflag:s31] =	ssyncadd.s32 $0xFFFFD800  }
0x85: {  	[bflag:$0x0] =	sbarrier.arrive $0xFFFF  }
0x86: {  	[spmem:s25], [sflag:s24] =	dma.local [hbm:s11], $0x2800  }
0x87: {  	_ =	swait.ge [sflag:s31], $0x2800  }
0x88: {  	[sflag:s31] =	ssyncset.done $0x0  }
0x89: {  	[sflag:s31] =	ssyncadd.s32 $0xFFFFD800  }
0x8a: {  	[bflag:$0x0] =	sbarrier.arrive $0xFFFF  }
0x8b: {  	[tilespmem:s0], [sflag:$0x1] =	stream.linear.gather [hbm4b:s20+s5], $0x2800, $0x38;
	[tilespmem:$0x1D000] =	vst v63  }
0x8c: {  	s26 =	rddreg [dreg:$0x10]  }
0x8d: {  	[tilespmem:s7], [sflag:$0x2] =	stream.linear.gather [hbm4b:s26+s5], $0x2800, $0x38;
	[tilespmem:$0x1D000] =	vst v63  }
0x8e: {  	_ =	swait.ge [sflag:s8], $0x2800  }
0x8f: {  	[sflag:s8] =	ssyncset.done $0x0  }
0x90: {  	s15 =	simm.s32 $0x0;
	[sflag:s8] =	ssyncadd.s32 $0xFFFFD800  }
0x91: {  	[spmem:s1] =	stream.indirect.scatter.add.f32 [tilespmem:s0], [sflag:$0x3], $0x80, s15, s13, $0xb8;
	[tilespmem:$0x1D000] =	vst v63  }
0x92: {  	_ =	swait.ge [sflag:s31], $0x2800  }
0x93: {  	[sflag:s31] =	ssyncset.done $0x0  }
0x94: {  	s17 =	sadd.s32 $0xFFFFFB00, s30;
	[sflag:s31] =	ssyncadd.s32 $0xFFFFD800  }
0x95: {  	[tilespmem:s0], [sflag:$0x1] =	stream.linear.gather [hbm4b:s17+s2], $0x2800, $0x38;
	[tilespmem:$0x1D000] =	vst v63  }
0x96: {  	_ =	swait.ge [sflag:s14], $0x2800  }
0x97: {  	[sflag:s14] =	ssyncset.done $0x0  }
0x98: {  	s26 =	simm.s32 $0x80;
	[sflag:s14] =	ssyncadd.s32 $0xFFFFD800  }
0x99: {  	[spmem:s1] =	stream.indirect.scatter.add.f32 [tilespmem:s7], [sflag:$0x3], $0x80, s26, s13, $0xb8;
	[tilespmem:$0x1D000] =	vst v63  }
0x9a: {  	_ =	swait.ge [sflag:s31], $0x2800  }
0x9b: {  	s12 =	simm.s32 $0x400;
	[sflag:s31] =	ssyncset.done $0x0  }
0x9c: {  	s15 =	sadd.s32 $0xA00, s30;
	s26 =	smov.u32 s30;
	[sflag:s31] =	ssyncadd.s32 $0xFFFFD800  }
.LBB2_10:
0x9d: {  	[tilespmem:s7], [sflag:$0x2] =	stream.linear.gather [hbm4b:s26+s2], $0x2800, $0x38;
	[tilespmem:$0x1D000] =	vst v63  }
0x9e: {  	s5 =	smov.u32 s12;
	s26 =	smov.u32 s15  }
0x9f: {  	p1 =	sne.s32 s12, $0xF000;
	s12 =	sadd.s32 $0x400, s12;
	_ =	swait.ge [sflag:s8], $0x2800  }
0xa0: {  	[sflag:s8] =	ssyncset.done $0x0  }
0xa1: {  	s5 =	sshra.s32 s5, $0x2;
	[sflag:s8] =	ssyncadd.s32 $0xFFFFD800  }
0xa2: {  	[spmem:s1] =	stream.indirect.scatter.add.f32 [tilespmem:s0], [sflag:$0x3], $0x80, s5, s13, $0xb8;
	[tilespmem:$0x1D000] =	vst v63  }
0xa3: {  	_ =	swait.ge [sflag:s31], $0x2800  }
0xa4: {  	[sflag:s31] =	ssyncset.done $0x0  }
0xa5: {  	s17 =	sadd.s32 $0xFFFFFB00, s15;
	[sflag:s31] =	ssyncadd.s32 $0xFFFFD800  }
0xa6: {  	[tilespmem:s0], [sflag:$0x1] =	stream.linear.gather [hbm4b:s17+s2], $0x2800, $0x38;
	[tilespmem:$0x1D000] =	vst v63  }
0xa7: {  	_ =	swait.ge [sflag:s14], $0x2800  }
0xa8: {  	[sflag:s14] =	ssyncset.done $0x0  }
.Ltmp4:
0xa9: {  	s5 =	sadd.s32 $0x80, s5;
	[sflag:s14] =	ssyncadd.s32 $0xFFFFD800;
	(pc) =	sbr.rel @p1 .LBB2_10-.Ltmp4, $4  }
0xaa: {  	[spmem:s1] =	stream.indirect.scatter.add.f32 [tilespmem:s7], [sflag:$0x3], $0x80, s5, s13, $0xb8;
	[tilespmem:$0x1D000] =	vst v63  }
0xab: {  	_ =	swait.ge [sflag:s31], $0x2800  }
0xac: {  	[sflag:s31] =	ssyncset.done $0x0  }
0xad: {  	s15 =	sadd.s32 $0xA00, s15;
	[sflag:s31] =	ssyncadd.s32 $0xFFFFD800  }
.Ltmp5:
0xae: {  	_ = 	snop;
	(pc) =	sbr.rel .LBB2_11-.Ltmp5, $1  }
0xaf: {  	_ =	sdelay $0x3  }
.LBB2_2:
0xb0: {  	s12 =	simm.s32 $0x0;
	s5 =	rddreg [dreg:$0x8]  }
0xb1: {  	[tilespmem:s0], [sflag:$0x1] =	stream.linear.gather [hbm4b:s5+s12], $0x2800, $0x38;
	[tilespmem:$0x1D000] =	vst v63  }
0xb2: {  	s26 =	rddreg [dreg:$0x9]  }
0xb3: {  	[tilespmem:s7], [sflag:$0x2] =	stream.linear.gather [hbm4b:s26+s12], $0x2800, $0x38;
	[tilespmem:$0x1D000] =	vst v63  }
0xb4: {  	_ =	swait.ge [sflag:s8], $0x2800  }
0xb5: {  	[sflag:s8] =	ssyncset.done $0x0  }
0xb6: {  	s15 =	simm.s32 $0x0;
	[sflag:s8] =	ssyncadd.s32 $0xFFFFD800  }
0xb7: {  	[spmem:s1] =	stream.indirect.scatter.add.f32 [tilespmem:s0], [sflag:$0x3], $0x80, s15, s13, $0xb8;
	[tilespmem:$0x1D000] =	vst v63  }
0xb8: {  	_ =	swait.ge [sflag:s31], $0x2800  }
0xb9: {  	[sflag:s31] =	ssyncset.done $0x0  }
0xba: {  	s17 =	sadd.s32 $0xFFFFFB00, s4;
	[sflag:s31] =	ssyncadd.s32 $0xFFFFD800  }
0xbb: {  	[tilespmem:s0], [sflag:$0x1] =	stream.linear.gather [hbm4b:s17+s2], $0x2800, $0x38;
	[tilespmem:$0x1D000] =	vst v63  }
0xbc: {  	_ =	swait.ge [sflag:s14], $0x2800  }
0xbd: {  	[sflag:s14] =	ssyncset.done $0x0  }
0xbe: {  	s26 =	simm.s32 $0x80;
	[sflag:s14] =	ssyncadd.s32 $0xFFFFD800  }
0xbf: {  	[spmem:s1] =	stream.indirect.scatter.add.f32 [tilespmem:s7], [sflag:$0x3], $0x80, s26, s13, $0xb8;
	[tilespmem:$0x1D000] =	vst v63  }
0xc0: {  	_ =	swait.ge [sflag:s31], $0x2800  }
0xc1: {  	s12 =	simm.s32 $0x400;
	[sflag:s31] =	ssyncset.done $0x0  }
0xc2: {  	s15 =	sadd.s32 $0xA00, s4;
	s26 =	smov.u32 s4;
	[sflag:s31] =	ssyncadd.s32 $0xFFFFD800  }
.LBB2_3:
0xc3: {  	[tilespmem:s7], [sflag:$0x2] =	stream.linear.gather [hbm4b:s26+s2], $0x2800, $0x38;
	[tilespmem:$0x1D000] =	vst v63  }
0xc4: {  	s17 =	smov.u32 s12;
	s26 =	smov.u32 s15  }
0xc5: {  	p1 =	sne.s32 s12, $0xF000;
	s12 =	sadd.s32 $0x400, s12;
	_ =	swait.ge [sflag:s8], $0x2800  }
0xc6: {  	[sflag:s8] =	ssyncset.done $0x0  }
0xc7: {  	s17 =	sshra.s32 s17, $0x2;
	[sflag:s8] =	ssyncadd.s32 $0xFFFFD800  }
0xc8: {  	[spmem:s1] =	stream.indirect.scatter.add.f32 [tilespmem:s0], [sflag:$0x3], $0x80, s17, s13, $0xb8;
	[tilespmem:$0x1D000] =	vst v63  }
0xc9: {  	_ =	swait.ge [sflag:s31], $0x2800  }
0xca: {  	[sflag:s31] =	ssyncset.done $0x0  }
0xcb: {  	s5 =	sadd.s32 $0xFFFFFB00, s15;
	[sflag:s31] =	ssyncadd.s32 $0xFFFFD800  }
0xcc: {  	[tilespmem:s0], [sflag:$0x1] =	stream.linear.gather [hbm4b:s5+s2], $0x2800, $0x38;
	[tilespmem:$0x1D000] =	vst v63  }
0xcd: {  	_ =	swait.ge [sflag:s14], $0x2800  }
0xce: {  	[sflag:s14] =	ssyncset.done $0x0  }
.Ltmp6:
0xcf: {  	s5 =	sadd.s32 $0x80, s17;
	[sflag:s14] =	ssyncadd.s32 $0xFFFFD800;
	(pc) =	sbr.rel @p1 .LBB2_3-.Ltmp6, $4  }
0xd0: {  	[spmem:s1] =	stream.indirect.scatter.add.f32 [tilespmem:s7], [sflag:$0x3], $0x80, s5, s13, $0xb8;
	[tilespmem:$0x1D000] =	vst v63  }
0xd1: {  	_ =	swait.ge [sflag:s31], $0x2800  }
0xd2: {  	[sflag:s31] =	ssyncset.done $0x0  }
0xd3: {  	s15 =	sadd.s32 $0xA00, s15;
	[sflag:s31] =	ssyncadd.s32 $0xFFFFD800  }
0xd4: {  	[tilespmem:s7], [sflag:$0x2] =	stream.linear.gather [hbm4b:s26+s2], $0x2800, $0x38;
	[tilespmem:$0x1D000] =	vst v63  }
0xd5: {  	_ =	swait.ge [sflag:s8], $0x2800  }
0xd6: {  	[sflag:s8] =	ssyncset.done $0x0  }
0xd7: {  	[sflag:s8] =	ssyncadd.s32 $0xFFFFD800  }
0xd8: {  	[spmem:s1] =	stream.indirect.scatter.add.f32 [tilespmem:s0], [sflag:$0x3], $0x80, s16, s13, $0xb8;
	[tilespmem:$0x1D000] =	vst v63  }
0xd9: {  	_ =	swait.ge [sflag:s31], $0x2800  }
0xda: {  	[sflag:s31] =	ssyncset.done $0x0  }
0xdb: {  	s5 =	simm.s32 $0x0;
	s12 =	rddreg [dreg:$0x11];
	[sflag:s31] =	ssyncadd.s32 $0xFFFFD800  }
0xdc: {  	[tilespmem:s0], [sflag:$0x1] =	stream.linear.gather [hbm4b:s12+s5], $0x2800, $0x38;
	[tilespmem:$0x1D000] =	vst v63  }
0xdd: {  	_ =	swait.ge [sflag:s14], $0x2800  }
0xde: {  	[sflag:s14] =	ssyncset.done $0x0  }
0xdf: {  	[sflag:s14] =	ssyncadd.s32 $0xFFFFD800  }
0xe0: {  	[spmem:s1] =	stream.indirect.scatter.add.f32 [tilespmem:s7], [sflag:$0x3], $0x80, s18, s13, $0xb8;
	[tilespmem:$0x1D000] =	vst v63  }
0xe1: {  	_ =	swait.ge [sflag:s31], $0x2800  }
0xe2: {  	[sflag:s31] =	ssyncset.done $0x0  }
0xe3: {  	[sflag:s31] =	ssyncadd.s32 $0xFFFFD800  }
0xe4: {  	_ =	swait.ge [sflag:s8], $0x2800  }
0xe5: {  	[sflag:s8] =	ssyncset.done $0x0  }
0xe6: {  	[sflag:s8] =	ssyncadd.s32 $0xFFFFD800  }
0xe7: {  	[spmem:s1] =	stream.indirect.scatter.add.f32 [tilespmem:s0], [sflag:$0x3], $0x80, s19, s13, $0xb8;
	[tilespmem:$0x1D000] =	vst v63  }
0xe8: {  	_ =	swait.ge [sflag:s31], $0x2800  }
0xe9: {  	[sflag:s31] =	ssyncset.done $0x0  }
0xea: {  	[sflag:s31] =	ssyncadd.s32 $0xFFFFD800  }
0xeb: {  	[bflag:$0x0] =	sbarrier.arrive $0xFFFF  }
0xec: {  	s15 =	rddreg [dreg:$0xa]  }
0xed: {  	[hbm:s15], [sflag:s24] =	dma.local [spmem:s25], $0x2800  }
0xee: {  	_ =	swait.ge [sflag:s31], $0x2800  }
0xef: {  	[sflag:s31] =	ssyncset.done $0x0  }
0xf0: {  	[sflag:s31] =	ssyncadd.s32 $0xFFFFD800  }
0xf1: {  	[bflag:$0x0] =	sbarrier.arrive $0xFFFF  }
0xf2: {  	[spmem:s25], [sflag:s24] =	dma.local [hbm:s11], $0x2800  }
0xf3: {  	_ =	swait.ge [sflag:s31], $0x2800  }
0xf4: {  	[sflag:s31] =	ssyncset.done $0x0  }
0xf5: {  	[sflag:s31] =	ssyncadd.s32 $0xFFFFD800  }
0xf6: {  	[bflag:$0x0] =	sbarrier.arrive $0xFFFF  }
0xf7: {  	s17 =	rddreg [dreg:$0xb]  }
0xf8: {  	[tilespmem:s0], [sflag:$0x1] =	stream.linear.gather [hbm4b:s17+s5], $0x2800, $0x38;
	[tilespmem:$0x1D000] =	vst v63  }
0xf9: {  	s26 =	rddreg [dreg:$0xc]  }
0xfa: {  	[tilespmem:s7], [sflag:$0x2] =	stream.linear.gather [hbm4b:s26+s5], $0x2800, $0x38;
	[tilespmem:$0x1D000] =	vst v63  }
0xfb: {  	_ =	swait.ge [sflag:s8], $0x2800  }
0xfc: {  	[sflag:s8] =	ssyncset.done $0x0  }
0xfd: {  	s15 =	simm.s32 $0x0;
	[sflag:s8] =	ssyncadd.s32 $0xFFFFD800  }
0xfe: {  	[spmem:s1] =	stream.indirect.scatter.add.f32 [tilespmem:s0], [sflag:$0x3], $0x80, s15, s13, $0xb8;
	[tilespmem:$0x1D000] =	vst v63  }
0xff: {  	_ =	swait.ge [sflag:s31], $0x2800  }
0x100: {  	[sflag:s31] =	ssyncset.done $0x0  }
0x101: {  	s17 =	sadd.s32 $0xFFFFFB00, s28;
	[sflag:s31] =	ssyncadd.s32 $0xFFFFD800  }
0x102: {  	[tilespmem:s0], [sflag:$0x1] =	stream.linear.gather [hbm4b:s17+s2], $0x2800, $0x38;
	[tilespmem:$0x1D000] =	vst v63  }
0x103: {  	_ =	swait.ge [sflag:s14], $0x2800  }
0x104: {  	[sflag:s14] =	ssyncset.done $0x0  }
0x105: {  	s26 =	simm.s32 $0x80;
	[sflag:s14] =	ssyncadd.s32 $0xFFFFD800  }
0x106: {  	[spmem:s1] =	stream.indirect.scatter.add.f32 [tilespmem:s7], [sflag:$0x3], $0x80, s26, s13, $0xb8;
	[tilespmem:$0x1D000] =	vst v63  }
0x107: {  	_ =	swait.ge [sflag:s31], $0x2800  }
0x108: {  	s12 =	simm.s32 $0x400;
	[sflag:s31] =	ssyncset.done $0x0  }
0x109: {  	s15 =	sadd.s32 $0xA00, s28;
	s26 =	smov.u32 s28;
	[sflag:s31] =	ssyncadd.s32 $0xFFFFD800  }
.LBB2_5:
0x10a: {  	[tilespmem:s7], [sflag:$0x2] =	stream.linear.gather [hbm4b:s26+s2], $0x2800, $0x38;
	[tilespmem:$0x1D000] =	vst v63  }
0x10b: {  	s5 =	smov.u32 s12;
	s26 =	smov.u32 s15  }
0x10c: {  	p1 =	seq.s32 s12, $0xF000;
	s12 =	sadd.s32 $0x400, s12;
	_ =	swait.ge [sflag:s8], $0x2800  }
0x10d: {  	[sflag:s8] =	ssyncset.done $0x0  }
0x10e: {  	s5 =	sshra.s32 s5, $0x2;
	[sflag:s8] =	ssyncadd.s32 $0xFFFFD800  }
0x10f: {  	[spmem:s1] =	stream.indirect.scatter.add.f32 [tilespmem:s0], [sflag:$0x3], $0x80, s5, s13, $0xb8;
	[tilespmem:$0x1D000] =	vst v63  }
0x110: {  	_ =	swait.ge [sflag:s31], $0x2800  }
0x111: {  	[sflag:s31] =	ssyncset.done $0x0  }
0x112: {  	s17 =	sadd.s32 $0xFFFFFB00, s15;
	[sflag:s31] =	ssyncadd.s32 $0xFFFFD800  }
0x113: {  	[tilespmem:s0], [sflag:$0x1] =	stream.linear.gather [hbm4b:s17+s2], $0x2800, $0x38;
	[tilespmem:$0x1D000] =	vst v63  }
0x114: {  	_ =	swait.ge [sflag:s14], $0x2800  }
0x115: {  	[sflag:s14] =	ssyncset.done $0x0  }
.Ltmp7:
0x116: {  	s5 =	sadd.s32 $0x80, s5;
	[sflag:s14] =	ssyncadd.s32 $0xFFFFD800;
	(pc) =	sbr.rel @!p1 .LBB2_5-.Ltmp7, $4  }
0x117: {  	[spmem:s1] =	stream.indirect.scatter.add.f32 [tilespmem:s7], [sflag:$0x3], $0x80, s5, s13, $0xb8;
	[tilespmem:$0x1D000] =	vst v63  }
0x118: {  	_ =	swait.ge [sflag:s31], $0x2800  }
0x119: {  	[sflag:s31] =	ssyncset.done $0x0  }
0x11a: {  	s15 =	sadd.s32 $0xA00, s15;
	[sflag:s31] =	ssyncadd.s32 $0xFFFFD800  }
.Ltmp8:
0x11b: {  	(pc) =	sbr.rel .LBB2_12-.Ltmp8, $4  }
0x11c: {  	_ = 	snop  }
0x11d: {  	[tilespmem:s7], [sflag:$0x2] =	stream.linear.gather [hbm4b:s26+s2], $0x2800, $0x38;
	[tilespmem:$0x1D000] =	vst v63  }
0x11e: {  	s15 =	rddreg [dreg:$0x4]  }
0x11f: {  	s12 =	rddreg [dreg:$0x6]  }
.LBB2_13:
0x120: {  	_ =	sfence.sel $0x180000  }
0x121: {  	[bflag:$0x0] =	sbarrier.arrive $0xFFFF  }
0x122: {  	_ =	strace $0x9000004A  }
0x123: {  	[bflag:$0x2] =	sbarrier.arrive $0xFFFF  }
0x124: {  	p0 =	sne.s32 s3, $0x0;
	s0 =	rddreg [dreg:$0x3]  }
0x125: {  	s0 =	sadd.s32 @!p0 $0x100000, s0  }
0x126: {  	[sflag:s0] =	ssyncadd.tile.s32 @!p0 $0x1;
	_ =	shalt  }
.Lfunc_end2:
_tile_overlayer_lowered:
.L_overlay_start_2:
0x127: {  	(tag) =	ssettag $0x2  }
0x128: {  	s0 =	rddreg [dreg:$0x0];
	s2 =	stileid.u32  }
0x129: {  	s1 =	rddreg [dreg:$0x1];
	p0 =	sne.s32 s2, $0x0  }
0x12a: {  	s3 =	rddreg [dreg:$0x2];
	[bflag:$0x3] =	sbarrier.arrive $0xFFFF;
	s2 =	simm.s32 @!p0 $0x1C03  }
0x12b: {  	[timem:s3], [sflag:s2] =	dma.local @!p0 [hbm:s0], s1  }
0x12c: {  	s0 =	simm.s32 @!p0 $0x3  }
0x12d: {  	_ =	swait.ge @!p0 [sflag:s0], s1  }
0x12e: {  	s1 =	ssub.s32 @!p0 $0x0, s1;
	[sflag:s0] =	ssyncset.done @!p0 $0x0  }
0x12f: {  	[sflag:s0] =	ssyncadd.s32 @!p0 s1  }
0x130: {  	[bflag:$0x3] =	sbarrier.arrive $0xFFFF  }
0x131: {  	_ =	shalt  }

// kernel: kernel.7.cloned.1.call-start
scs
__scs_entry_jumppad:
0x0: {  	(pc) =	sbr.rel $0x88, $3  }
0x1: {  	(tag) =	ssettag $0x0;
	lr =	simm.s32 $0x1  }
0x2: {  	[smem:$0x3F8C] =	sst lr;
	_ =	strace $0xD0000000  }
0x3: {  	_ = 	snop  }
0x4: {  	_ = 	snop  }
0x5: {  	_ = 	snop  }
0x6: {  	_ = 	snop  }
0x7: {  	_ = 	snop  }
__scs_overlays_trampoline_lowered:
0x8: {  	[smem:$0x3F9B] =	sst s0  }
0x9: {  	[smem:$0x3F9C] =	sst s1  }
0xa: {  	[smem:$0x3F9D] =	sst s2  }
0xb: {  	[smem:$0x3F9E] =	sst s3  }
0xc: {  	[smem:$0x3F9F] =	sst s4  }
0xd: {  	[smem:$0x3FA0] =	sst s5  }
0xe: {  	[smem:$0x3FA1] =	sst s6  }
0xf: {  	[smem:$0x3FA2] =	sst s7  }
0x10: {  	[smem:$0x3FA3] =	sst s8  }
0x11: {  	[smem:$0x3FA4] =	sst s9;
	s0 =	simm.s32 @!p0 $0x0  }
0x12: {  	s1 =	sld [smem:$0x3F8A];
	s0 =	simm.s32 @p0 $0x1  }
0x13: {  	[smem:$0x3FA5] =	sst s0;
	s0 =	simm.s32 @!p1 $0x0  }
0x14: {  	s2 =	sld [smem:$0x3F89];
	s0 =	simm.s32 @p1 $0x1  }
0x15: {  	[smem:$0x3FA6] =	sst s0;
	s0 =	simm.s32 @!p2 $0x0  }
0x16: {  	s3 =	sld [smem:$0x3FDB];
	s0 =	simm.s32 @p2 $0x1  }
0x17: {  	s4 =	simm.s32 $0x1BF5;
	[smem:$0x3FA8] =	sst s0  }
0x18: {  	s0 =	sld [smem:$0x3F8B];
	_ =	swait.ge [sflag:s4], $0x0  }
0x19: {  	s7 =	sld [smem:$0x3F8C]  }
0x1a: {  	s8 =	sadd.s32 $0xFFFFE003, lr  }
0x1b: {  	s9 =	sadd.s32 $0xFFFFFEF7, lr;
	s5 =	simm.s32 $0xFFFFFFFF;
	p2 =	slt.u32 s8, $0xFFFFF086  }
0x1c: {  	p1 =	slt.u32 s9, $0xF7A;
	s5 =	simm.s32 @!p2 $0x0  }
0x1d: {  	s5 =	simm.s32 @p1 $0x1;
	p0 =	seq.s32 s7, s2  }
0x1e: {  	s7 =	smul.u32 @!p0 $0xF7A, s2;
	p2 =	seq.s32 @!p0 s5, $0x0  }
0x1f: {  	s9 =	smul.u32 $0xF7A, s1;
	s8 =	simm.s32 @!p0 $0x1BF5;
	p2 =	por !p2, p0  }
0x20: {  	[sflag:s8] =	ssyncset.s32 @!p0 $0xFFFFF086;
	s6 =	sadd.s32 @!p0 s3, s7;
	s7 =	simm.s32 @!p0 $0x108  }
0x21: {  	s3 =	sadd.s32 s3, s9;
	s6 =	sadd.s32 @!p0 $0x88, s6;
	s7 =	simm.s32 @p2 $0x1082  }
0x22: {  	[simem:s7], [sflag:s8] =	dma.local @!p0 [hbm:s6], $0xF7A  }
0x23: {  	s9 =	sor.u32 $0xD0000000, s2;
	s6 =	simm.s32 $0x108;
	_ =	swait.ge @!p0 [sflag:s8], $0x0  }
0x24: {  	s3 =	sadd.s32 $0x88, s3;
	s6 =	simm.s32 @!p1 $0x1082;
	[sflag:s4] =	ssyncset.s32 $0xFFFFF086  }
0x25: {  	[simem:s6], [sflag:s4] =	dma.local [hbm:s3], $0xF7A  }
0x26: {  	[smem:$0x3F8C] =	sst s1;
	(tag) =	ssettag s2;
	_ =	strace s9  }
0x27: {  	s1 =	sld [smem:$0x3F9C]  }
0x28: {  	s2 =	sld [smem:$0x3F9D]  }
0x29: {  	s4 =	sld [smem:$0x3F9F]  }
0x2a: {  	p0 =	seq.s32 s5, $0x0;
	s5 =	sld [smem:$0x3FA0]  }
0x2b: {  	s6 =	sld [smem:$0x3FA1]  }
0x2c: {  	s7 =	sld [smem:$0x3FA2]  }
0x2d: {  	s3 =	simm.s32 $0x108;
	s8 =	sld [smem:$0x3FA3]  }
0x2e: {  	s3 =	simm.s32 @!p0 $0x1082;
	s9 =	sld [smem:$0x3FA4]  }
0x2f: {  	lr =	sadd.s32 s0, s3;
	s0 =	sld [smem:$0x3F9B]  }
0x30: {  	s3 =	sld [smem:$0x3F9E]  }
0x31: {  	[smem:$0x3FA7] =	sst s10  }
0x32: {  	s10 =	sld [smem:$0x3FA5];
	_ =	sdelay $0x3  }
0x33: {  	p0 =	seq.s32 s10, $0x1;
	s10 =	sld [smem:$0x3FA7];
	_ =	sdelay $0x3  }
0x34: {  	[smem:$0x3FA7] =	sst s10  }
0x35: {  	s10 =	sld [smem:$0x3FA6];
	_ =	sdelay $0x3  }
0x36: {  	p1 =	seq.s32 s10, $0x1;
	s10 =	sld [smem:$0x3FA7];
	_ =	sdelay $0x3  }
0x37: {  	[smem:$0x3FA7] =	sst s10  }
0x38: {  	s10 =	sld [smem:$0x3FA8]  }
0x39: {  	_ = 	snop;
	(pc) =	sbr.ind lr, $3  }
0x3a: {  	_ = 	snop  }
0x3b: {  	_ = 	snop  }
0x3c: {  	p2 =	seq.s32 s10, $0x1;
	s10 =	sld [smem:$0x3FA7]  }
0x3d: {  	_ =	shalt  }
0x3e: {  	_ =	shalt  }
0x3f: {  	_ =	shalt  }
0x40: {  	_ =	shalt  }
0x41: {  	_ =	shalt  }
0x42: {  	_ =	shalt  }
0x43: {  	_ =	shalt  }
0x44: {  	_ =	shalt  }
0x45: {  	_ =	shalt  }
0x46: {  	_ =	shalt  }
0x47: {  	_ =	shalt  }
0x48: {  	_ =	shalt  }
0x49: {  	_ =	shalt  }
0x4a: {  	_ =	shalt  }
0x4b: {  	_ =	shalt  }
0x4c: {  	_ =	shalt  }
0x4d: {  	_ =	shalt  }
0x4e: {  	_ =	shalt  }
0x4f: {  	_ =	shalt  }
0x50: {  	_ =	shalt  }
0x51: {  	_ =	shalt  }
0x52: {  	_ =	shalt  }
0x53: {  	_ =	shalt  }
0x54: {  	_ =	shalt  }
0x55: {  	_ =	shalt  }
0x56: {  	_ =	shalt  }
0x57: {  	_ =	shalt  }
0x58: {  	_ =	shalt  }
0x59: {  	_ =	shalt  }
0x5a: {  	_ =	shalt  }
0x5b: {  	_ =	shalt  }
0x5c: {  	_ =	shalt  }
0x5d: {  	_ =	shalt  }
0x5e: {  	_ =	shalt  }
0x5f: {  	_ =	shalt  }
0x60: {  	_ =	shalt  }
0x61: {  	_ =	shalt  }
0x62: {  	_ =	shalt  }
0x63: {  	_ =	shalt  }
0x64: {  	_ =	shalt  }
0x65: {  	_ =	shalt  }
0x66: {  	_ =	shalt  }
0x67: {  	_ =	shalt  }
0x68: {  	_ =	shalt  }
0x69: {  	_ =	shalt  }
0x6a: {  	_ =	shalt  }
0x6b: {  	_ =	shalt  }
0x6c: {  	_ =	shalt  }
0x6d: {  	_ =	shalt  }
0x6e: {  	_ =	shalt  }
0x6f: {  	_ =	shalt  }
0x70: {  	_ =	shalt  }
0x71: {  	_ =	shalt  }
0x72: {  	_ =	shalt  }
0x73: {  	_ =	shalt  }
0x74: {  	_ =	shalt  }
0x75: {  	_ =	shalt  }
0x76: {  	_ =	shalt  }
0x77: {  	_ =	shalt  }
0x78: {  	_ =	shalt  }
0x79: {  	_ =	shalt  }
0x7a: {  	_ =	shalt  }
0x7b: {  	_ =	shalt  }
0x7c: {  	_ =	shalt  }
0x7d: {  	_ =	shalt  }
0x7e: {  	_ =	shalt  }
0x7f: {  	_ =	shalt  }
0x80: {  	_ =	shalt  }
0x81: {  	_ =	shalt  }
0x82: {  	_ =	shalt  }
0x83: {  	_ =	shalt  }
0x84: {  	_ =	shalt  }
0x85: {  	_ =	shalt  }
0x86: {  	_ =	shalt  }
0x87: {  	_ =	shalt  }
.Lfunc_end0:
.L_simem_size_0:
called_computation_lowered:
.L_overlay_start_0:
0x88: {  	s2 =	sld [smem:$0x3FD9]  }
0x89: {  	s3 =	sld [smem:$0x3FFE];
	_ =	sdelay $0x1  }
0x8a: {  	s1 =	srdreg.scid  }
0x8b: {  	s0 =	sand.u32 $0x1, s1  }
0x8c: {  	s14 =	sshll.u32 s0, $0xA;
	s2 =	sadd.s32 s3, s2  }
0x8d: {  	s2 =	sadd.s32 s2, s14  }
0x8e: {  	[smem:$0x3FB3] =	sst s2  }
0x8f: {  	_ = 	snop  }
0x90: {  	s2 =	sld [smem:$0x3FD0];
	_ =	sdelay $0x2  }
0x91: {  	s15 =	simm.s32 $0xA;
	s4 =	simm.s32 $0x10  }
0x92: {  	[smem:s4], [sflag:s15] =	dma.local [hbm:s2], $0x1  }
0x93: {  	_ =	swait.eq [sflag:s15], $0x1  }
0x94: {  	[sflag:s15] =	ssyncset.done $0x0  }
0x95: {  	s16 =	sld [smem:$0x10];
	[sflag:s15] =	ssyncadd.s32 $0xFFFFFFFF  }
0x96: {  	s17 =	sld [smem:$0x11];
	(tm) =	ssettm $0x1  }
0x97: {  	s18 =	sld [smem:$0x3FFB];
	_ =	sdelay $0x3  }
0x98: {  	_ =	strace s18  }
0x99: {  	s4 =	sld [smem:$0x3FFC];
	_ =	sdelay $0x3  }
0x9a: {  	_ =	strace s4  }
0x9b: {  	s4 =	sld [smem:$0x3FFD];
	_ =	sdelay $0x3  }
0x9c: {  	_ =	strace s4  }
0x9d: {  	_ =	strace $0x8FFFFFFF  }
0x9e: {  	s19 =	sld [smem:$0x3FDB];
	_ =	sdelay $0x1  }
0x9f: {  	s5 =	simm.s32 $_scs_section_size  }
0xa0: {  	s6 =	simm.s32 $_size__tile_overlayer_lowered;
	s7 =	simm.s32 $_tile_overlayer_lowered  }
0xa1: {  	s22 =	simm.s32 $0x1BFF;
	s21 =	sshll.u32 s7, $0x1;
	s4 =	sadd.s32 s5, s19  }
0xa2: {  	s8 =	simm.s32 $0x0;
	s20 =	sshll.u32 s6, $0x1;
	s6 =	sadd.s32 s21, s4  }
0xa3: {  	[timem:s8], [sflag:s22] =	dma.local [hbm:s6], s20  }
0xa4: {  	_ =	swait.ge [sflag:s22], s20  }
0xa5: {  	s5 =	ssub.s32 $0x0, s20;
	[sflag:s22] =	ssyncset.done $0x0  }
0xa6: {  	[sflag:s22] =	ssyncadd.s32 s5;
	_ =	sdelay $0x1  }
0xa7: {  	s23 =	simm.s32 $0x1B8B  }
0xa8: {  	_ =	swait.ge [sflag:s23], $0x1  }
0xa9: {  	[sflag:s23] =	ssyncset.done $0x0  }
0xaa: {  	s25 =	simm.s32 $0x1B8E;
	s24 =	sld [smem:$0x3FFE];
	[sflag:s23] =	ssyncadd.s32 $0xFFFFFFFF  }
0xab: {  	s26 =	simm.s32 $execute0_lowered;
	[smem:$0x3FD2] =	sst s25  }
0xac: {  	s6 =	sshll.u32 s26, $0x1;
	_ =	strace $0x80000046;
	[dreg:$0x1] =	wrdreg $0xFFFFFFFF  }
0xad: {  	s28 =	simm.s32 $_size_execute0_lowered;
	s4 =	sadd.s32 s4, s6;
	[dreg:$0x0] =	wrdreg $0x0  }
0xae: {  	s6 =	sshll.u32 s28, $0x1;
	[dreg:$0x2] =	wrdreg s4  }
0xaf: {  	[dreg:$0x3] =	wrdreg s6  }
0xb0: {  	[dreg:$0x4] =	wrdreg $0xC0  }
0xb1: {  	_ =	task [dreg:s8], $0x5FFFF  }
0xb2: {  	[dreg:$0x1] =	wrdreg $0xFFFFFFFF  }
0xb3: {  	[dreg:$0x0] =	wrdreg $0x60  }
0xb4: {  	[dreg:$0x2] =	wrdreg s16  }
0xb5: {  	[dreg:$0x3] =	wrdreg s17  }
0xb6: {  	[dreg:$0x4] =	wrdreg s24  }
0xb7: {  	[dreg:$0x5] =	wrdreg $0x9  }
0xb8: {  	_ =	task.clear_ibuf [dreg:s8], $0x6FFFF;
	_ =	strace $0x90000046  }
0xb9: {  	s29 =	simm.s32 $0x9;
	_ =	strace $0x80000048  }
0xba: {  	_ =	swait.ge [sflag:s29], $0x1  }
0xbb: {  	[sflag:s29] =	ssyncadd.s32 $0xFFFFFFFF  }
0xbc: {  	_ =	strace $0x90000048  }
0xbd: {  	_ =	sfence  }
0xbe: {  	s30 =	sld [smem:$0x0];
	_ =	sdelay $0x2  }
0xbf: {  	s31 =	sshll.u32 s1, $0xD;
	s1 =	sshrl.u32 s1, $0x2  }
0xc0: {  	s3 =	sand.u32 $0x4000, s31;
	s1 =	sadd.s32 s1, s30  }
0xc1: {  	s0 =	sor.u32 s3, s0;
	s1 =	sshll.u32 s1, $0x11  }
0xc2: {  	s0 =	sor.u32 s1, s0  }
0xc3: {  	s0 =	sadd.s32 $0x8F2B, s0  }
0xc4: {  	[sflag:s0] =	ssyncadd.remote.s32 $0x1  }
0xc5: {  	_ =	sfence.sel $0xFFFF  }
0xc6: {  	[dreg:$0x0] =	wrdreg $0xFFFFFFFF;
	(pc) =	sbr.abs _section_cstart, $3  }
0xc7: {  	[dreg:$0x1] =	wrdreg $0xFFFFFFFF  }
0xc8: {  	_ =	task.clear_ibuf [dreg:s8], $0x2FFFF;
	_ =	strace $0x9FFFFFFF  }
0xc9: {  	(tm) =	ssettm $0x7FFFFFFF  }
tec
execute0_lowered:
.L_overlay_start_1:
0x0: {  	(tag) =	ssettag $0x1  }
0x1: {  	s1 =	rddreg [dreg:$0x0]  }
0x2: {  	s0 =	srdreg.scid;
	s3 =	rddreg [dreg:$0x1]  }
0x3: {  	s12 =	stileid.u32;
	s7 =	rddreg [dreg:$0x2];
	s4 =	simm.s32 $0x0  }
0x4: {  	s17 =	simm.s32 $0x2800;
	s18 =	simm.s32 $0x7800;
	s20 =	simm.s32 $0x8000  }
0x5: {  	s29 =	simm.s32 $0x1;
	s30 =	simm.s32 $0x3;
	s31 =	simm.s32 $0x5000  }
0x6: {  	s13 =	simm.s32 $0x10800;
	s14 =	simm.s32 $0x11000;
	s15 =	simm.s32 $0x2  }
0x7: {  	s28 =	simm.s32 $0x8;
	s19 =	simm.s32 $0x50;
	s21 =	smul.u32 $0x27100, s12  }
0x8: {  	s0 =	sand.u32 $0x1, s0;
	s2 =	sshll.u32 s12, $0x1;
	s12 =	smul.u32 $0x4E200, s12  }
0x9: {  	[smem:$0x7FF] =	sst s4;
	s6 =	sadd.s32 $0x147600, s7;
	s11 =	smul.u32 $0x13880, s0  }
0xa: {  	s2 =	sor.u32 s0, s2;
	s8 =	ssub.s32 $0x2, s0;
	s0 =	smul.u32 $0x27100, s0  }
0xb: {  	_ =	strace $0x80000047;
	s5 =	smul.u32 $0x1388, s2;
	s9 =	sshrl.u32 s8, $0x1  }
0xc: {  	s25 =	sadd.s32 s21, s6;
	s21 =	simm.s32 $0x8800;
	s8 =	ssub.s32 s8, s9  }
0xd: {  	s9 =	simm.s32 $0x8000;
	s2 =	sshrl.u32 s5, $0x3;
	s22 =	sadd.s32 $0x1360, s5  }
0xe: {  	s8 =	smax.u32 s8, $0x1;
	s2 =	sadd.s32 s2, s7;
	s7 =	sadd.s32 $0x3B8600, s7  }
0xf: {  	s23 =	sshll.u32 s22, $0x4;
	s24 =	sshll.u32 s22, $0x5;
	[dreg:$0x8] =	wrdreg s8  }
0x10: {  	s22 =	simm.s32 $0x9000;
	s8 =	simm.s32 $0x0;
	s10 =	sadd.s32 $0xA1200, s2  }
0x11: {  	s2 =	sadd.s32 $0xA6200, s2;
	s26 =	sadd.s32 s12, s7;
	[dreg:$0x4] =	wrdreg s10  }
0x12: {  	s12 =	simm.s32 $0x10000;
	[dreg:$0x5] =	wrdreg s2;
	s2 =	sadd.s32 s6, s23  }
.Ltmp0:
0x13: {  	s0 =	sadd.s32 s0, s26;
	s23 =	simm.s32 $0x4;
	(pc) =	sbr.rel .LBB2_1-.Ltmp0, $4  }
0x14: {  	s26 =	simm.s32 $0x6;
	s10 =	simm.s32 $0x8800;
	[dreg:$0x6] =	wrdreg s2  }
0x15: {  	v2 =	vlaneseq.u32;
	s2 =	sadd.s32 s7, s24;
	[dreg:$0xa] =	wrdreg s0;
	s24 =	simm.s32 $0x5  }
0x16: {  	vm0 =	vmmov $0xffff;
	v1 =	vshrl.u32 v2, $0x3;
	[dreg:$0x7] =	wrdreg s2;
	s2 =	sadd.s32 s11, s25;
	s25 =	simm.s32 $0x7  }
0x17: {  	v0 =	vand.u32 $0x7, v2;
	v2 =	vor.u32 $0x8, v2;
	v1 =	vmul.u32 $0x8, v1;
	s11 =	simm.s32 $0x9800;
	[dreg:$0x9] =	wrdreg s2;
	s2 =	simm.s32 $0xC800  }
.LBB2_7:
0x18: {  	_ =	swait.ge [sflag:s26], $0x2800  }
0x19: {  	[sflag:s26] =	ssyncset.done $0x0  }
0x1a: {  	[sflag:s26] =	ssyncadd.s32 $0xFFFFD800  }
0x1b: {  	_ =	swait.ge [sflag:s28], $0x5000  }
0x1c: {  	[sflag:s28] =	ssyncset.done $0x0  }
0x1d: {  	s0 =	simm.s32 $0x28;
	s8 =	simm.s32 $0x1360;
	[sflag:s28] =	ssyncadd.s32 $0xFFFFB000  }
0x1e: {  	[tilespmem:s17], [sflag:$0x1] =	stream.indirect.gather [hbm4b:s1+s0], $0x80, s8, s0, $0xb8;
	[tilespmem:$0x11800] =	vst v63  }
0x1f: {  	v3 =	vld [tilespmem:$0x2760];
	_ =	sdelay $0x4  }
0x20: {  	v4 =	vshll.u32 v3, $0x1  }
0x21: {  	v3 =	vand.u32 $0x7, v3;
	v4 =	vand.u32 $0xFFFFFFF0, v4  }
0x22: {  	v3 =	vor.u32 v3, v4  }
0x23: {  	v4 =	vperm.xlane v3, v0;
	_ =	sdelay $0x1  }
0x24: {  	v3 =	vperm.xlane v3, v2;
	v4 =	vadd.s32 v1, v4;
	_ =	sdelay $0x1  }
0x25: {  	v3 =	vadd.s32 v1, v3;
	_ =	sdelay $0x2  }
0x26: {  	[tilespmem:s18], [sflag:$0x3] =	stream.indirect_vreg.gather [hbm4b:s3+s4], $0x80, v4, vm0, $0xb8;
	[tilespmem:$0x11800] =	vst v63  }
0x27: {  	s20 =	simm.s32 $0x8000  }
0x28: {  	[tilespmem:s20], [sflag:$0x3] =	stream.indirect_vreg.gather [hbm4b:s3+s4], $0x80, v3, vm0, $0xb8;
	[tilespmem:$0x11800] =	vst v63  }
0x29: {  	v3 =	vld [tilespmem:$0x2770];
	_ =	sdelay $0x4  }
0x2a: {  	v62 =	vshll.u32 v3, $0x1  }
0x2b: {  	v3 =	vand.u32 $0x7, v3;
	v4 =	vand.u32 $0xFFFFFFF0, v62  }
0x2c: {  	v3 =	vor.u32 v3, v4  }
0x2d: {  	v4 =	vperm.xlane v3, v0;
	_ =	sdelay $0x1  }
0x2e: {  	v3 =	vperm.xlane v3, v2;
	v4 =	vadd.s32 v1, v4;
	_ =	sdelay $0x1  }
0x2f: {  	v3 =	vadd.s32 v1, v3;
	_ =	sdelay $0x1  }
0x30: {  	s21 =	simm.s32 $0x8800  }
0x31: {  	[tilespmem:s21], [sflag:$0x3] =	stream.indirect_vreg.gather [hbm4b:s3+s4], $0x80, v4, vm0, $0xb8;
	[tilespmem:$0x11800] =	vst v63  }
0x32: {  	s22 =	simm.s32 $0x9000  }
0x33: {  	[tilespmem:s22], [sflag:$0x3] =	stream.indirect_vreg.gather [hbm4b:s3+s4], $0x80, v3, vm0, $0xb8;
	[tilespmem:$0x11800] =	vst v63  }
0x34: {  	v3 =	vld.msk [tilespmem:$0x2780], $0xff;
	_ =	sdelay $0x4  }
0x35: {  	v63 =	vshll.u32 v3, $0x1  }
0x36: {  	v3 =	vand.u32 $0x7, v3;
	v4 =	vand.u32 $0xFFFFFFF0, v63  }
0x37: {  	v3 =	vor.u32 v3, v4  }
0x38: {  	v3 =	vperm.xlane v3, v0;
	_ =	sdelay $0x1  }
0x39: {  	v3 =	vadd.s32 v1, v3;
	_ =	sdelay $0x3  }
0x3a: {  	s16 =	simm.s32 $0x9800  }
0x3b: {  	[tilespmem:s16], [sflag:$0x3] =	stream.indirect_vreg.gather [hbm4b:s3+s4], $0x80, v3, vm0, $0xb8;
	[tilespmem:$0x11800] =	vst v63  }
0x3c: {  	_ =	swait.ge [sflag:s29], $0x1400  }
0x3d: {  	[sflag:s29] =	ssyncset.done $0x0  }
0x3e: {  	[sflag:s29] =	ssyncadd.s32 $0xFFFFEC00  }
0x3f: {  	_ =	swait.ge [sflag:s30], $0x2800  }
0x40: {  	[sflag:s30] =	ssyncset.done $0x0  }
0x41: {  	s8 =	rddreg [dreg:$0x6];
	[sflag:s30] =	ssyncadd.s32 $0xFFFFD800  }
0x42: {  	[hbm4b:s8+s4] =	stream.linear.scatter [tilespmem:s17], [sflag:$0x5], $0x1400, $0x38;
	[tilespmem:$0x11800] =	vst v63  }
0x43: {  	s16 =	rddreg [dreg:$0x7]  }
0x44: {  	[hbm4b:s16+s4] =	stream.linear.scatter [tilespmem:s18], [sflag:$0x7], $0x2800, $0x38;
	[tilespmem:$0x11800] =	vst v63  }
0x45: {  	_ =	swait.ge [sflag:s24], $0x1400  }
0x46: {  	[sflag:s24] =	ssyncset.done $0x0  }
0x47: {  	[sflag:s24] =	ssyncadd.s32 $0xFFFFEC00  }
0x48: {  	_ =	swait.ge [sflag:s25], $0x2800  }
0x49: {  	s0 =	rddreg [dreg:$0xb]  }
0x4a: {  	s16 =	rddreg [dreg:$0x8];
	s8 =	sadd.s32 $0x1, s0  }
0x4b: {  	p0 =	sne.s32 s8, s16  }
.Ltmp1:
0x4c: {  	_ = 	snop;
	(pc) =	sbr.rel @!p0 .LBB2_8-.Ltmp1, $3  }
0x4d: {  	_ =	sdelay $0x1  }
0x4e: {  	[sflag:s25] =	ssyncset.done $0x0  }
0x4f: {  	[sflag:s25] =	ssyncadd.s32 $0xFFFFD800  }
.LBB2_1:
0x50: {  	[dreg:$0xb] =	wrdreg s8  }
0x51: {  	s0 =	rddreg [dreg:$0x4];
	s8 =	simm.s32 $0x9  }
0x52: {  	[tilespmem:s4], [sflag:$0x9] =	stream.linear.gather [hbm4b:s0+s4], $0x1388, $0x38;
	[tilespmem:$0x11800] =	vst v63  }
0x53: {  	_ =	swait.ge [sflag:s8], $0x1388  }
0x54: {  	[sflag:s8] =	ssyncset.done $0x0  }
0x55: {  	s16 =	simm.s32 $0x1400;
	s0 =	rddreg [dreg:$0x5];
	[sflag:s8] =	ssyncadd.s32 $0xFFFFEC78  }
0x56: {  	[tilespmem:s16], [sflag:$0x9] =	stream.linear.gather [hbm4b:s0+s4], $0x1388, $0x38;
	[tilespmem:$0x11800] =	vst v63  }
0x57: {  	_ =	swait.ge [sflag:s8], $0x1388  }
0x58: {  	[sflag:s8] =	ssyncset.done $0x0  }
0x59: {  	[sflag:s8] =	ssyncadd.s32 $0xFFFFEC78  }
0x5a: {  	[tilespmem:s17], [sflag:$0x1] =	stream.indirect.gather [hbm4b:s1+s19], $0x80, s4, s19, $0xb8;
	[tilespmem:$0x11800] =	vst v63  }
0x5b: {  	v3 =	vld [tilespmem:$0x1400];
	_ =	sdelay $0x4  }
0x5c: {  	v4 =	vshll.u32 v3, $0x1  }
0x5d: {  	v3 =	vand.u32 $0x7, v3;
	v4 =	vand.u32 $0xFFFFFFF0, v4  }
0x5e: {  	v3 =	vor.u32 v3, v4  }
0x5f: {  	v4 =	vperm.xlane v3, v0;
	_ =	sdelay $0x1  }
0x60: {  	v3 =	vperm.xlane v3, v2;
	v4 =	vadd.s32 v1, v4;
	_ =	sdelay $0x1  }
0x61: {  	v3 =	vadd.s32 v1, v3;
	_ =	sdelay $0x2  }
0x62: {  	[tilespmem:s18], [sflag:$0x3] =	stream.indirect_vreg.gather [hbm4b:s3+s4], $0x80, v4, vm0, $0xb8;
	[tilespmem:$0x11800] =	vst v63  }
0x63: {  	_ = 	snop  }
0x64: {  	[tilespmem:s20], [sflag:$0x3] =	stream.indirect_vreg.gather [hbm4b:s3+s4], $0x80, v3, vm0, $0xb8;
	[tilespmem:$0x11800] =	vst v63  }
0x65: {  	v3 =	vld [tilespmem:$0x1410];
	_ =	sdelay $0x4  }
0x66: {  	v60 =	vshll.u32 v3, $0x1  }
0x67: {  	v3 =	vand.u32 $0x7, v3;
	v4 =	vand.u32 $0xFFFFFFF0, v60  }
0x68: {  	v3 =	vor.u32 v3, v4  }
0x69: {  	v4 =	vperm.xlane v3, v0;
	_ =	sdelay $0x1  }
0x6a: {  	v3 =	vperm.xlane v3, v2;
	v4 =	vadd.s32 v1, v4;
	_ =	sdelay $0x1  }
0x6b: {  	v3 =	vadd.s32 v1, v3;
	_ =	sdelay $0x2  }
0x6c: {  	[tilespmem:s21], [sflag:$0x3] =	stream.indirect_vreg.gather [hbm4b:s3+s4], $0x80, v4, vm0, $0xb8;
	[tilespmem:$0x11800] =	vst v63  }
0x6d: {  	_ = 	snop  }
0x6e: {  	[tilespmem:s22], [sflag:$0x3] =	stream.indirect_vreg.gather [hbm4b:s3+s4], $0x80, v3, vm0, $0xb8;
	[tilespmem:$0x11800] =	vst v63  }
0x6f: {  	v3 =	vld [tilespmem:$0x1420];
	_ =	sdelay $0x4  }
0x70: {  	v61 =	vshll.u32 v3, $0x1  }
0x71: {  	v3 =	vand.u32 $0x7, v3;
	v4 =	vand.u32 $0xFFFFFFF0, v61  }
0x72: {  	v3 =	vor.u32 v3, v4  }
0x73: {  	v4 =	vperm.xlane v3, v0;
	_ =	sdelay $0x1  }
0x74: {  	v3 =	vperm.xlane v3, v2;
	v4 =	vadd.s32 v1, v4;
	_ =	sdelay $0x1  }
0x75: {  	v3 =	vadd.s32 v1, v3;
	_ =	sdelay $0x1  }
0x76: {  	s22 =	simm.s32 $0x9800  }
0x77: {  	[tilespmem:s22], [sflag:$0x3] =	stream.indirect_vreg.gather [hbm4b:s3+s4], $0x80, v4, vm0, $0xb8;
	[tilespmem:$0x11800] =	vst v63  }
0x78: {  	s8 =	simm.s32 $0xA000  }
0x79: {  	[tilespmem:s8], [sflag:$0x3] =	stream.indirect_vreg.gather [hbm4b:s3+s4], $0x80, v3, vm0, $0xb8;
	[tilespmem:$0x11800] =	vst v63  }
0x7a: {  	v3 =	vld [tilespmem:$0x1430];
	_ =	sdelay $0x4  }
0x7b: {  	v62 =	vshll.u32 v3, $0x1  }
0x7c: {  	v3 =	vand.u32 $0x7, v3;
	v4 =	vand.u32 $0xFFFFFFF0, v62  }
0x7d: {  	v3 =	vor.u32 v3, v4  }
0x7e: {  	v4 =	vperm.xlane v3, v0;
	_ =	sdelay $0x1  }
0x7f: {  	v3 =	vperm.xlane v3, v2;
	v4 =	vadd.s32 v1, v4;
	_ =	sdelay $0x1  }
0x80: {  	v3 =	vadd.s32 v1, v3;
	_ =	sdelay $0x1  }
0x81: {  	s16 =	simm.s32 $0xA800  }
0x82: {  	[tilespmem:s16], [sflag:$0x3] =	stream.indirect_vreg.gather [hbm4b:s3+s4], $0x80, v4, vm0, $0xb8;
	[tilespmem:$0x11800] =	vst v63  }
0x83: {  	s20 =	simm.s32 $0xB000  }
0x84: {  	[tilespmem:s20], [sflag:$0x3] =	stream.indirect_vreg.gather [hbm4b:s3+s4], $0x80, v3, vm0, $0xb8;
	[tilespmem:$0x11800] =	vst v63  }
0x85: {  	v3 =	vld [tilespmem:$0x1440];
	_ =	sdelay $0x4  }
0x86: {  	v63 =	vshll.u32 v3, $0x1  }
0x87: {  	v3 =	vand.u32 $0x7, v3;
	v4 =	vand.u32 $0xFFFFFFF0, v63  }
0x88: {  	v3 =	vor.u32 v3, v4  }
0x89: {  	v4 =	vperm.xlane v3, v0;
	_ =	sdelay $0x1  }
0x8a: {  	v3 =	vperm.xlane v3, v2;
	v4 =	vadd.s32 v1, v4;
	_ =	sdelay $0x1  }
0x8b: {  	v3 =	vadd.s32 v1, v3;
	_ =	sdelay $0x1  }
0x8c: {  	s21 =	simm.s32 $0xB800;
	s22 =	simm.s32 $0xC000;
	s16 =	rddreg [dreg:$0x9]  }
0x8d: {  	[tilespmem:s21], [sflag:$0x3] =	stream.indirect_vreg.gather [hbm4b:s3+s4], $0x80, v4, vm0, $0xb8;
	[tilespmem:$0x11800] =	vst v63  }
0x8e: {  	s8 =	simm.s32 $0x50;
	s20 =	rddreg [dreg:$0xa];
	s21 =	simm.s32 $0x0  }
0x8f: {  	[tilespmem:s22], [sflag:$0x3] =	stream.indirect_vreg.gather [hbm4b:s3+s4], $0x80, v3, vm0, $0xb8;
	[tilespmem:$0x11800] =	vst v63  }
.LBB2_2:
0x90: {  	_ =	swait.ge [sflag:s29], $0x2800  }
0x91: {  	[sflag:s29] =	ssyncset.done $0x0  }
0x92: {  	[sflag:s29] =	ssyncadd.s32 $0xFFFFD800  }
0x93: {  	p0 =	sne.s32 s21, $0x0;
	_ =	swait.ge [sflag:s30], $0x5000  }
.Ltmp2:
0x94: {  	[sflag:s30] =	ssyncset.done $0x0;
	(pc) =	sbr.rel @!p0 .LBB2_3-.Ltmp2, $4  }
0x95: {  	[sflag:s30] =	ssyncadd.s32 $0xFFFFB000  }
0x96: {  	[hbm4b:s16+s4] =	stream.linear.scatter [tilespmem:s17], [sflag:$0x5], $0x2800, $0x38;
	[tilespmem:$0x11800] =	vst v63  }
0x97: {  	_ = 	snop  }
0x98: {  	[hbm4b:s20+s4] =	stream.linear.scatter [tilespmem:s18], [sflag:$0x7], $0x5000, $0x38;
	[tilespmem:$0x11800] =	vst v63  }
0x99: {  	_ =	swait.ge [sflag:s26], $0x2800  }
0x9a: {  	[sflag:s26] =	ssyncset.done $0x0  }
0x9b: {  	[sflag:s26] =	ssyncadd.s32 $0xFFFFD800  }
0x9c: {  	_ =	swait.ge [sflag:s28], $0x5000  }
0x9d: {  	s0 =	sshra.s32 s21, $0x2;
	[sflag:s28] =	ssyncset.done $0x0  }
0x9e: {  	s22 =	sadd.s32 $0x50, s0;
	[sflag:s28] =	ssyncadd.s32 $0xFFFFB000  }
0x9f: {  	[tilespmem:s31], [sflag:$0x2] =	stream.indirect.gather [hbm4b:s1+s19], $0x80, s22, s19, $0xb8;
	[tilespmem:$0x11800] =	vst v63  }
0xa0: {  	v3 =	vld [tilespmem:s0+$0x1450];
	_ =	sdelay $0x4  }
0xa1: {  	v4 =	vshll.u32 v3, $0x1  }
0xa2: {  	v3 =	vand.u32 $0x7, v3;
	v4 =	vand.u32 $0xFFFFFFF0, v4  }
0xa3: {  	v3 =	vor.u32 v3, v4  }
0xa4: {  	v4 =	vperm.xlane v3, v0;
	_ =	sdelay $0x1  }
0xa5: {  	v3 =	vperm.xlane v3, v2;
	v4 =	vadd.s32 v1, v4;
	_ =	sdelay $0x1  }
0xa6: {  	v3 =	vadd.s32 v1, v3;
	_ =	sdelay $0x2  }
0xa7: {  	[tilespmem:s2], [sflag:$0x4] =	stream.indirect_vreg.gather [hbm4b:s3+s4], $0x80, v4, vm0, $0xb8;
	[tilespmem:$0x11800] =	vst v63  }
0xa8: {  	s22 =	simm.s32 $0xD000  }
0xa9: {  	[tilespmem:s22], [sflag:$0x4] =	stream.indirect_vreg.gather [hbm4b:s3+s4], $0x80, v3, vm0, $0xb8;
	[tilespmem:$0x11800] =	vst v63  }
0xaa: {  	v3 =	vld [tilespmem:s0+$0x1460];
	_ =	sdelay $0x4  }
0xab: {  	v61 =	vshll.u32 v3, $0x1  }
0xac: {  	v3 =	vand.u32 $0x7, v3;
	v4 =	vand.u32 $0xFFFFFFF0, v61  }
0xad: {  	v3 =	vor.u32 v3, v4  }
0xae: {  	v4 =	vperm.xlane v3, v0;
	_ =	sdelay $0x1  }
0xaf: {  	v3 =	vperm.xlane v3, v2;
	v4 =	vadd.s32 v1, v4;
	_ =	sdelay $0x1  }
0xb0: {  	v3 =	vadd.s32 v1, v3;
	_ =	sdelay $0x1  }
0xb1: {  	s22 =	simm.s32 $0xD800  }
0xb2: {  	[tilespmem:s22], [sflag:$0x4] =	stream.indirect_vreg.gather [hbm4b:s3+s4], $0x80, v4, vm0, $0xb8;
	[tilespmem:$0x11800] =	vst v63  }
0xb3: {  	s22 =	simm.s32 $0xE000  }
0xb4: {  	[tilespmem:s22], [sflag:$0x4] =	stream.indirect_vreg.gather [hbm4b:s3+s4], $0x80, v3, vm0, $0xb8;
	[tilespmem:$0x11800] =	vst v63  }
0xb5: {  	v3 =	vld [tilespmem:s0+$0x1470];
	_ =	sdelay $0x4  }
0xb6: {  	v62 =	vshll.u32 v3, $0x1  }
0xb7: {  	v3 =	vand.u32 $0x7, v3;
	v4 =	vand.u32 $0xFFFFFFF0, v62  }
0xb8: {  	v3 =	vor.u32 v3, v4  }
0xb9: {  	v4 =	vperm.xlane v3, v0;
	_ =	sdelay $0x1  }
0xba: {  	v3 =	vperm.xlane v3, v2;
	v4 =	vadd.s32 v1, v4;
	_ =	sdelay $0x1  }
0xbb: {  	v3 =	vadd.s32 v1, v3;
	_ =	sdelay $0x1  }
0xbc: {  	s22 =	simm.s32 $0xE800  }
0xbd: {  	[tilespmem:s22], [sflag:$0x4] =	stream.indirect_vreg.gather [hbm4b:s3+s4], $0x80, v4, vm0, $0xb8;
	[tilespmem:$0x11800] =	vst v63  }
0xbe: {  	s22 =	simm.s32 $0xF000  }
0xbf: {  	[tilespmem:s22], [sflag:$0x4] =	stream.indirect_vreg.gather [hbm4b:s3+s4], $0x80, v3, vm0, $0xb8;
	[tilespmem:$0x11800] =	vst v63  }
0xc0: {  	v3 =	vld [tilespmem:s0+$0x1480];
	_ =	sdelay $0x4  }
0xc1: {  	v63 =	vshll.u32 v3, $0x1  }
0xc2: {  	v3 =	vand.u32 $0x7, v3;
	v4 =	vand.u32 $0xFFFFFFF0, v63  }
0xc3: {  	v3 =	vor.u32 v3, v4  }
0xc4: {  	v4 =	vperm.xlane v3, v0;
	_ =	sdelay $0x1  }
0xc5: {  	v3 =	vperm.xlane v3, v2;
	v4 =	vadd.s32 v1, v4;
	_ =	sdelay $0x1  }
0xc6: {  	v3 =	vadd.s32 v1, v3  }
.Ltmp3:
0xc7: {  	_ = 	snop;
	(pc) =	sbr.rel .LBB2_5-.Ltmp3, $4  }
0xc8: {  	s22 =	simm.s32 $0xF800  }
0xc9: {  	[tilespmem:s22], [sflag:$0x4] =	stream.indirect_vreg.gather [hbm4b:s3+s4], $0x80, v4, vm0, $0xb8;
	[tilespmem:$0x11800] =	vst v63  }
0xca: {  	s22 =	sadd.s32 $0x1490, s0;
	s0 =	smov.u32 s8  }
0xcb: {  	[tilespmem:s12], [sflag:$0x4] =	stream.indirect_vreg.gather [hbm4b:s3+s4], $0x80, v3, vm0, $0xb8;
	[tilespmem:$0x11800] =	vst v63  }
.LBB2_3:
0xcc: {  	s0 =	simm.s32 $0x50  }
0xcd: {  	[tilespmem:s31], [sflag:$0x2] =	stream.indirect.gather [hbm4b:s1+s0], $0x80, s0, s0, $0xb8;
	[tilespmem:$0x11800] =	vst v63  }
0xce: {  	v3 =	vld [tilespmem:$0x1450];
	_ =	sdelay $0x4  }
0xcf: {  	v4 =	vshll.u32 v3, $0x1  }
0xd0: {  	v3 =	vand.u32 $0x7, v3;
	v4 =	vand.u32 $0xFFFFFFF0, v4  }
0xd1: {  	v3 =	vor.u32 v3, v4  }
0xd2: {  	v4 =	vperm.xlane v3, v0;
	_ =	sdelay $0x1  }
0xd3: {  	v3 =	vperm.xlane v3, v2;
	v4 =	vadd.s32 v1, v4;
	_ =	sdelay $0x1  }
0xd4: {  	v3 =	vadd.s32 v1, v3;
	_ =	sdelay $0x2  }
0xd5: {  	[tilespmem:s2], [sflag:$0x4] =	stream.indirect_vreg.gather [hbm4b:s3+s4], $0x80, v4, vm0, $0xb8;
	[tilespmem:$0x11800] =	vst v63  }
0xd6: {  	s22 =	simm.s32 $0xD000  }
0xd7: {  	[tilespmem:s22], [sflag:$0x4] =	stream.indirect_vreg.gather [hbm4b:s3+s4], $0x80, v3, vm0, $0xb8;
	[tilespmem:$0x11800] =	vst v63  }
0xd8: {  	v3 =	vld [tilespmem:$0x1460];
	_ =	sdelay $0x4  }
0xd9: {  	v61 =	vshll.u32 v3, $0x1  }
0xda: {  	v3 =	vand.u32 $0x7, v3;
	v4 =	vand.u32 $0xFFFFFFF0, v61  }
0xdb: {  	v3 =	vor.u32 v3, v4  }
0xdc: {  	v4 =	vperm.xlane v3, v0;
	_ =	sdelay $0x1  }
0xdd: {  	v3 =	vperm.xlane v3, v2;
	v4 =	vadd.s32 v1, v4;
	_ =	sdelay $0x1  }
0xde: {  	v3 =	vadd.s32 v1, v3;
	_ =	sdelay $0x1  }
0xdf: {  	s22 =	simm.s32 $0xD800  }
0xe0: {  	[tilespmem:s22], [sflag:$0x4] =	stream.indirect_vreg.gather [hbm4b:s3+s4], $0x80, v4, vm0, $0xb8;
	[tilespmem:$0x11800] =	vst v63  }
0xe1: {  	s22 =	simm.s32 $0xE000  }
0xe2: {  	[tilespmem:s22], [sflag:$0x4] =	stream.indirect_vreg.gather [hbm4b:s3+s4], $0x80, v3, vm0, $0xb8;
	[tilespmem:$0x11800] =	vst v63  }
0xe3: {  	v3 =	vld [tilespmem:$0x1470];
	_ =	sdelay $0x4  }
0xe4: {  	v62 =	vshll.u32 v3, $0x1  }
0xe5: {  	v3 =	vand.u32 $0x7, v3;
	v4 =	vand.u32 $0xFFFFFFF0, v62  }
0xe6: {  	v3 =	vor.u32 v3, v4  }
0xe7: {  	v4 =	vperm.xlane v3, v0;
	_ =	sdelay $0x1  }
0xe8: {  	v3 =	vperm.xlane v3, v2;
	v4 =	vadd.s32 v1, v4;
	_ =	sdelay $0x1  }
0xe9: {  	v3 =	vadd.s32 v1, v3;
	_ =	sdelay $0x1  }
0xea: {  	s22 =	simm.s32 $0xE800  }
0xeb: {  	[tilespmem:s22], [sflag:$0x4] =	stream.indirect_vreg.gather [hbm4b:s3+s4], $0x80, v4, vm0, $0xb8;
	[tilespmem:$0x11800] =	vst v63  }
0xec: {  	s22 =	simm.s32 $0xF000  }
0xed: {  	[tilespmem:s22], [sflag:$0x4] =	stream.indirect_vreg.gather [hbm4b:s3+s4], $0x80, v3, vm0, $0xb8;
	[tilespmem:$0x11800] =	vst v63  }
0xee: {  	v3 =	vld [tilespmem:$0x1480];
	_ =	sdelay $0x4  }
0xef: {  	v63 =	vshll.u32 v3, $0x1  }
0xf0: {  	v3 =	vand.u32 $0x7, v3;
	v4 =	vand.u32 $0xFFFFFFF0, v63  }
0xf1: {  	v3 =	vor.u32 v3, v4  }
0xf2: {  	v4 =	vperm.xlane v3, v0;
	_ =	sdelay $0x1  }
0xf3: {  	v3 =	vperm.xlane v3, v2;
	v4 =	vadd.s32 v1, v4;
	_ =	sdelay $0x1  }
0xf4: {  	v3 =	vadd.s32 v1, v3;
	_ =	sdelay $0x1  }
0xf5: {  	s22 =	simm.s32 $0xF800  }
0xf6: {  	[tilespmem:s22], [sflag:$0x4] =	stream.indirect_vreg.gather [hbm4b:s3+s4], $0x80, v4, vm0, $0xb8;
	[tilespmem:$0x11800] =	vst v63  }
0xf7: {  	s22 =	simm.s32 $0x1490  }
0xf8: {  	[tilespmem:s12], [sflag:$0x4] =	stream.indirect_vreg.gather [hbm4b:s3+s4], $0x80, v3, vm0, $0xb8;
	[tilespmem:$0x11800] =	vst v63  }
.LBB2_5:
0xf9: {  	v3 =	vld [tilespmem:s22+$0x0];
	_ =	sdelay $0x4  }
0xfa: {  	v4 =	vshll.u32 v3, $0x1  }
0xfb: {  	v3 =	vand.u32 $0x7, v3;
	v4 =	vand.u32 $0xFFFFFFF0, v4  }
0xfc: {  	v3 =	vor.u32 v3, v4  }
0xfd: {  	v4 =	vperm.xlane v3, v0;
	_ =	sdelay $0x1  }
0xfe: {  	v3 =	vperm.xlane v3, v2;
	v4 =	vadd.s32 v1, v4;
	_ =	sdelay $0x1  }
0xff: {  	v3 =	vadd.s32 v1, v3;
	_ =	sdelay $0x2  }
0x100: {  	[tilespmem:s13], [sflag:$0x4] =	stream.indirect_vreg.gather [hbm4b:s3+s4], $0x80, v4, vm0, $0xb8;
	[tilespmem:$0x11800] =	vst v63  }
0x101: {  	_ = 	snop  }
0x102: {  	[tilespmem:s14], [sflag:$0x4] =	stream.indirect_vreg.gather [hbm4b:s3+s4], $0x80, v3, vm0, $0xb8;
	[tilespmem:$0x11800] =	vst v63  }
0x103: {  	_ =	swait.ge [sflag:s15], $0x2800  }
0x104: {  	[sflag:s15] =	ssyncset.done $0x0  }
0x105: {  	[sflag:s15] =	ssyncadd.s32 $0xFFFFD800  }
0x106: {  	s0 =	sadd.s32 s5, s0;
	_ =	swait.ge [sflag:s23], $0x5000  }
0x107: {  	s22 =	sshll.u32 s0, $0x4;
	[sflag:s23] =	ssyncset.done $0x0  }
0x108: {  	s0 =	sshll.u32 s0, $0x5;
	s22 =	sadd.s32 s6, s22;
	[sflag:s23] =	ssyncadd.s32 $0xFFFFB000  }
0x109: {  	[hbm4b:s22+s4] =	stream.linear.scatter [tilespmem:s31], [sflag:$0x6], $0x2800, $0x38;
	[tilespmem:$0x11800] =	vst v63  }
0x10a: {  	s0 =	sadd.s32 s7, s0  }
0x10b: {  	[hbm4b:s0+s4] =	stream.linear.scatter [tilespmem:s2], [sflag:$0x8], $0x5000, $0x38;
	[tilespmem:$0x11800] =	vst v63  }
0x10c: {  	p0 =	seq.s32 s21, $0x4B00;
	_ =	swait.ge [sflag:s24], $0x2800  }
.Ltmp4:
0x10d: {  	[sflag:s24] =	ssyncset.done $0x0;
	(pc) =	sbr.rel @p0 .LBB2_7-.Ltmp4, $4  }
0x10e: {  	[sflag:s24] =	ssyncadd.s32 $0xFFFFD800  }
0x10f: {  	_ =	swait.ge [sflag:s25], $0x5000  }
0x110: {  	[sflag:s25] =	ssyncset.done $0x0  }
0x111: {  	[sflag:s25] =	ssyncadd.s32 $0xFFFFB000  }
0x112: {  	s0 =	sshra.s32 s21, $0x2  }
0x113: {  	s22 =	sadd.s32 $0xA0, s0  }
0x114: {  	[tilespmem:s17], [sflag:$0x1] =	stream.indirect.gather [hbm4b:s1+s19], $0x80, s22, s19, $0xb8;
	[tilespmem:$0x11800] =	vst v63  }
0x115: {  	v3 =	vld [tilespmem:s0+$0x14A0];
	_ =	sdelay $0x4  }
0x116: {  	v4 =	vshll.u32 v3, $0x1  }
0x117: {  	v3 =	vand.u32 $0x7, v3;
	v4 =	vand.u32 $0xFFFFFFF0, v4  }
0x118: {  	v3 =	vor.u32 v3, v4  }
0x119: {  	v4 =	vperm.xlane v3, v0;
	_ =	sdelay $0x1  }
0x11a: {  	v3 =	vperm.xlane v3, v2;
	v4 =	vadd.s32 v1, v4;
	_ =	sdelay $0x1  }
0x11b: {  	v3 =	vadd.s32 v1, v3;
	_ =	sdelay $0x2  }
0x11c: {  	[tilespmem:s18], [sflag:$0x3] =	stream.indirect_vreg.gather [hbm4b:s3+s4], $0x80, v4, vm0, $0xb8;
	[tilespmem:$0x11800] =	vst v63  }
0x11d: {  	_ = 	snop  }
0x11e: {  	[tilespmem:s9], [sflag:$0x3] =	stream.indirect_vreg.gather [hbm4b:s3+s4], $0x80, v3, vm0, $0xb8;
	[tilespmem:$0x11800] =	vst v63  }
0x11f: {  	v3 =	vld [tilespmem:s0+$0x14B0];
	_ =	sdelay $0x4  }
0x120: {  	v60 =	vshll.u32 v3, $0x1  }
0x121: {  	v3 =	vand.u32 $0x7, v3;
	v4 =	vand.u32 $0xFFFFFFF0, v60  }
0x122: {  	v3 =	vor.u32 v3, v4  }
0x123: {  	v4 =	vperm.xlane v3, v0;
	_ =	sdelay $0x1  }
0x124: {  	v3 =	vperm.xlane v3, v2;
	v4 =	vadd.s32 v1, v4;
	_ =	sdelay $0x1  }
0x125: {  	v3 =	vadd.s32 v1, v3;
	_ =	sdelay $0x2  }
0x126: {  	[tilespmem:s10], [sflag:$0x3] =	stream.indirect_vreg.gather [hbm4b:s3+s4], $0x80, v4, vm0, $0xb8;
	[tilespmem:$0x11800] =	vst v63  }
0x127: {  	s22 =	simm.s32 $0x9000  }
0x128: {  	[tilespmem:s22], [sflag:$0x3] =	stream.indirect_vreg.gather [hbm4b:s3+s4], $0x80, v3, vm0, $0xb8;
	[tilespmem:$0x11800] =	vst v63  }
0x129: {  	v3 =	vld [tilespmem:s0+$0x14C0];
	_ =	sdelay $0x4  }
0x12a: {  	v61 =	vshll.u32 v3, $0x1  }
0x12b: {  	v3 =	vand.u32 $0x7, v3;
	v4 =	vand.u32 $0xFFFFFFF0, v61  }
0x12c: {  	v3 =	vor.u32 v3, v4  }
0x12d: {  	v4 =	vperm.xlane v3, v0;
	_ =	sdelay $0x1  }
0x12e: {  	v3 =	vperm.xlane v3, v2;
	v4 =	vadd.s32 v1, v4;
	_ =	sdelay $0x1  }
0x12f: {  	v3 =	vadd.s32 v1, v3;
	_ =	sdelay $0x2  }
0x130: {  	[tilespmem:s11], [sflag:$0x3] =	stream.indirect_vreg.gather [hbm4b:s3+s4], $0x80, v4, vm0, $0xb8;
	[tilespmem:$0x11800] =	vst v63  }
0x131: {  	s22 =	simm.s32 $0xA000  }
0x132: {  	[tilespmem:s22], [sflag:$0x3] =	stream.indirect_vreg.gather [hbm4b:s3+s4], $0x80, v3, vm0, $0xb8;
	[tilespmem:$0x11800] =	vst v63  }
0x133: {  	v3 =	vld [tilespmem:s0+$0x14D0];
	_ =	sdelay $0x4  }
0x134: {  	v62 =	vshll.u32 v3, $0x1  }
0x135: {  	v3 =	vand.u32 $0x7, v3;
	v4 =	vand.u32 $0xFFFFFFF0, v62  }
0x136: {  	v3 =	vor.u32 v3, v4  }
0x137: {  	v4 =	vperm.xlane v3, v0;
	_ =	sdelay $0x1  }
0x138: {  	v3 =	vperm.xlane v3, v2;
	v4 =	vadd.s32 v1, v4;
	_ =	sdelay $0x1  }
0x139: {  	v3 =	vadd.s32 v1, v3;
	_ =	sdelay $0x1  }
0x13a: {  	s22 =	simm.s32 $0xA800  }
0x13b: {  	[tilespmem:s22], [sflag:$0x3] =	stream.indirect_vreg.gather [hbm4b:s3+s4], $0x80, v4, vm0, $0xb8;
	[tilespmem:$0x11800] =	vst v63  }
0x13c: {  	s22 =	simm.s32 $0xB000  }
0x13d: {  	[tilespmem:s22], [sflag:$0x3] =	stream.indirect_vreg.gather [hbm4b:s3+s4], $0x80, v3, vm0, $0xb8;
	[tilespmem:$0x11800] =	vst v63  }
0x13e: {  	v3 =	vld [tilespmem:s0+$0x14E0];
	_ =	sdelay $0x4  }
0x13f: {  	v63 =	vshll.u32 v3, $0x1  }
0x140: {  	v3 =	vand.u32 $0x7, v3;
	v4 =	vand.u32 $0xFFFFFFF0, v63  }
0x141: {  	v3 =	vor.u32 v3, v4  }
0x142: {  	v4 =	vperm.xlane v3, v0;
	_ =	sdelay $0x1  }
0x143: {  	v3 =	vperm.xlane v3, v2;
	v4 =	vadd.s32 v1, v4;
	_ =	sdelay $0x1  }
0x144: {  	v3 =	vadd.s32 v1, v3  }
.Ltmp5:
0x145: {  	_ = 	snop;
	(pc) =	sbr.rel .LBB2_2-.Ltmp5, $4  }
0x146: {  	s21 =	sadd.s32 $0x280, s21;
	s16 =	sadd.s32 $0xA00, s16;
	s22 =	simm.s32 $0xB800  }
0x147: {  	[tilespmem:s22], [sflag:$0x3] =	stream.indirect_vreg.gather [hbm4b:s3+s4], $0x80, v4, vm0, $0xb8;
	[tilespmem:$0x11800] =	vst v63  }
0x148: {  	s20 =	sadd.s32 $0x1400, s20;
	s8 =	sadd.s32 $0xA0, s8;
	s22 =	simm.s32 $0xC000  }
0x149: {  	[tilespmem:s22], [sflag:$0x3] =	stream.indirect_vreg.gather [hbm4b:s3+s4], $0x80, v3, vm0, $0xb8;
	[tilespmem:$0x11800] =	vst v63  }
.LBB2_8:
0x14a: {  	_ =	sfence.sel $0x180000  }
0x14b: {  	[bflag:$0x0] =	sbarrier.arrive $0xFFFF  }
0x14c: {  	_ =	strace $0x90000047  }
0x14d: {  	s0 =	stileid.u32;
	[bflag:$0x2] =	sbarrier.arrive $0xFFFF  }
0x14e: {  	p0 =	sne.s32 s0, $0x0;
	s0 =	rddreg [dreg:$0x3]  }
0x14f: {  	s0 =	sadd.s32 @!p0 $0x100000, s0  }
0x150: {  	[sflag:s0] =	ssyncadd.tile.s32 @!p0 $0x1;
	_ =	shalt  }
.Lfunc_end2:
_tile_overlayer_lowered:
.L_overlay_start_2:
0x151: {  	(tag) =	ssettag $0x2  }
0x152: {  	s0 =	rddreg [dreg:$0x0];
	s2 =	stileid.u32  }
0x153: {  	s1 =	rddreg [dreg:$0x1];
	p0 =	sne.s32 s2, $0x0  }
0x154: {  	s3 =	rddreg [dreg:$0x2];
	[bflag:$0x3] =	sbarrier.arrive $0xFFFF;
	s2 =	simm.s32 @!p0 $0x1C09  }
0x155: {  	[timem:s3], [sflag:s2] =	dma.local @!p0 [hbm:s0], s1  }
0x156: {  	s0 =	simm.s32 @!p0 $0x9  }
0x157: {  	_ =	swait.ge @!p0 [sflag:s0], s1  }
0x158: {  	s1 =	ssub.s32 @!p0 $0x0, s1;
	[sflag:s0] =	ssyncset.done @!p0 $0x0  }
0x159: {  	[sflag:s0] =	ssyncadd.s32 @!p0 s1  }
0x15a: {  	[bflag:$0x3] =	sbarrier.arrive $0xFFFF  }
0x15b: {  	_ =	shalt  }

</sc_bundles>
